<compile_context>
chip_gen: v7x
topology: tpu7x:2x2x1
jax: 0.10.2.dev20260603
libtpu: 0.0.44.dev20260713+nightly
codegen_flags: <defaults>
</compile_context>

<pallas_src>
import functools

import jax
import jax.numpy as jnp
from jax import lax
from jax.experimental import pallas as pl
from jax.experimental.pallas import tpu as pltpu
from jax.experimental.pallas import tpu_sc as plsc

IMP_K = 512
RECENT = 512
CACHE = IMP_K + RECENT
B, H, Q, S, D = 8, 16, 4, 4096, 128
SEL = S - RECENT
ROWS, LANES = 32, 128
SROWS = SEL // LANES
KHI = IMP_K // LANES


def _tc_search_body(attn_ref, imp_ref, thr_ref):
    a = attn_ref[...]
    imp3d = jnp.sum(jnp.sum(a, axis=2), axis=1) / H
    imp_ref[...] = imp3d

    row_io = lax.broadcasted_iota(jnp.int32, (B, ROWS, LANES), 1)
    col_io = lax.broadcasted_iota(jnp.int32, (B, ROWS, LANES), 2)
    sel = row_io * LANES + col_io < SEL

    key = lax.bitcast_convert_type(imp3d, jnp.int32)
    keym = jnp.where(sel, key, jnp.int32(-1))

    def bit_step(i, t):
        cand = t | (jnp.int32(1) << (jnp.int32(30) - i))
        over = (keym >= cand[:, :, None]).astype(jnp.int32)
        cnt = jnp.sum(jnp.sum(over, axis=2), axis=1, keepdims=True)
        return jnp.where(cnt >= IMP_K, cand, t)

    thr = lax.fori_loop(0, 31, bit_step, jnp.zeros((B, 1), jnp.int32))
    thr_ref[...] = thr[:, :, None]


def _tc_select_body(imp_ref, thr_ref, idx_ref, impo_ref, cnt_ref):
    b = pl.program_id(0)
    imp2d = imp_ref[0]

    row_io = lax.broadcasted_iota(jnp.int32, (ROWS, LANES), 0)
    col_io = lax.broadcasted_iota(jnp.int32, (ROWS, LANES), 1)
    sidx = row_io * LANES + col_io
    sel = sidx < SEL

    key = lax.bitcast_convert_type(imp2d, jnp.int32)
    keym = jnp.where(sel, key, jnp.int32(-1))

    thr = thr_ref[0, 0, 0]

    gt = keym > thr
    eq = keym == thr
    n_eq_take = (jnp.int32(IMP_K) - jnp.sum(gt.astype(jnp.int32))).astype(
        jnp.float32)

    strict_u = (lax.broadcasted_iota(jnp.int32, (LANES, LANES), 0)
                < lax.broadcasted_iota(jnp.int32, (LANES, LANES), 1)
                ).astype(jnp.float32)
    row_lt = (lax.broadcasted_iota(jnp.int32, (ROWS, ROWS), 1)
              < lax.broadcasted_iota(jnp.int32, (ROWS, ROWS), 0)
              ).astype(jnp.float32)

    def eprefix(m):
        within = jnp.dot(m, strict_u, preferred_element_type=jnp.float32,
                         precision=lax.Precision.HIGHEST)
        offs = jnp.dot(row_lt, jnp.sum(m, axis=1, keepdims=True),
                       preferred_element_type=jnp.float32,
                       precision=lax.Precision.HIGHEST)
        return within + offs

    tie_rank = eprefix(eq.astype(jnp.float32))
    keep = gt | (eq & (tie_rank < n_eq_take))
    rank = eprefix(keep.astype(jnp.float32)).astype(jnp.int32)

    rank_hi = rank >> 7
    rank_lo = jnp.where(keep, rank & 127, jnp.int32(-1))
    rank_hi_f = rank_hi.astype(jnp.float32)
    rank_lo_f = rank_lo.astype(jnp.float32)

    key_b0 = (key & 255).astype(jnp.float32)
    key_b1 = ((key >> 8) & 255).astype(jnp.float32)
    key_b2 = ((key >> 16) & 255).astype(jnp.float32)
    key_b3 = ((key >> 24) & 127).astype(jnp.float32)
    col_f = col_io.astype(jnp.float32)

    jlo_io = (lax.broadcasted_iota(jnp.int32, (LANES, LANES), 0)
              ).astype(jnp.float32)

    accs = [jnp.zeros((6, LANES), jnp.float32) for _ in range(KHI)]
    for i in range(SROWS):
        rlo = rank_lo_f[i:i + 1, :]
        rhi = rank_hi_f[i:i + 1, :]
        oneh = jnp.where(jlo_io == rlo, 1.0, 0.0)
        pay = jnp.concatenate(
            [jnp.full((1, LANES), float(i), jnp.float32),
             col_f[i:i + 1, :],
             key_b0[i:i + 1, :], key_b1[i:i + 1, :],
             key_b2[i:i + 1, :], key_b3[i:i + 1, :]], axis=0)
        for g in range(KHI):
            pay_g = pay * jnp.where(rhi == float(g), 1.0, 0.0)
            accs[g] = accs[g] + lax.dot_general(
                pay_g, oneh, (((1,), (1,)), ((), ())),
                preferred_element_type=jnp.float32)

    ch = [jnp.concatenate([accs[g][c:c + 1, :] for g in range(KHI)], axis=0)
          for c in range(6)]
    kidx_top = (ch[0].astype(jnp.int32) * LANES + ch[1].astype(jnp.int32))
    keybits = (ch[2].astype(jnp.int32)
               | (ch[3].astype(jnp.int32) << 8)
               | (ch[4].astype(jnp.int32) << 16)
               | (ch[5].astype(jnp.int32) << 24))
    imp_top = lax.bitcast_convert_type(keybits, jnp.float32)

    kidx8 = jnp.concatenate([kidx_top, sidx[SROWS:, :]], axis=0)
    imp8 = jnp.concatenate([imp_top, imp2d[SROWS:, :]], axis=0)

    h_io = lax.broadcasted_iota(jnp.int32, (H, 1, 1), 0)
    flat = (b * H + h_io) * S + kidx_top[None]
    idx_ref[...] = flat[None]
    impo_ref[...] = imp8[None]
    cnt_ref[...] = (jnp.float32(S) - kidx8.astype(jnp.float32))[None]


def _tc_select(attn_r):
    imp_all, thr_all = pl.pallas_call(
        _tc_search_body,
        out_shape=[
            jax.ShapeDtypeStruct((B, ROWS, LANES), jnp.float32),
            jax.ShapeDtypeStruct((B, 1, 1), jnp.int32),
        ],
    )(attn_r)
    return pl.pallas_call(
        _tc_select_body,
        grid=(B,),
        in_specs=[
            pl.BlockSpec((1, ROWS, LANES), lambda b: (b, 0, 0)),
            pl.BlockSpec((1, 1, 1), lambda b: (b, 0, 0),
                         memory_space=pltpu.SMEM),
        ],
        out_specs=[
            pl.BlockSpec((1, H, KHI, LANES), lambda b: (b, 0, 0, 0)),
            pl.BlockSpec((1, CACHE // LANES, LANES), lambda b: (b, 0, 0)),
            pl.BlockSpec((1, CACHE // LANES, LANES), lambda b: (b, 0, 0)),
        ],
        out_shape=[
            jax.ShapeDtypeStruct((B, H, KHI, LANES), jnp.int32),
            jax.ShapeDtypeStruct((B, CACHE // LANES, LANES), jnp.float32),
            jax.ShapeDtypeStruct((B, CACHE // LANES, LANES), jnp.float32),
        ],
    )(imp_all, thr_all)


_NC, _NS = 2, 16
_NW = _NC * _NS
_NROWS = B * H * IMP_K // LANES
_RPW = _NROWS // _NW
_PPW = B * H // _NW


def _sc_gather(kf, vf, idxf):
    mesh = plsc.VectorSubcoreMesh(core_axis_name="c", subcore_axis_name="s")
    total = B * H * CACHE

    @functools.partial(
        pl.kernel, mesh=mesh,
        out_type=(jax.ShapeDtypeStruct((total, D), jnp.float32),
                  jax.ShapeDtypeStruct((total, D), jnp.float32)),
        scratch_types=[
            pltpu.VMEM((_RPW, LANES), jnp.int32),
            pltpu.VMEM((LANES, D), jnp.float32),
            pltpu.VMEM((LANES, D), jnp.float32),
            pltpu.VMEM((LANES, D), jnp.float32),
            pltpu.VMEM((LANES, D), jnp.float32),
            pltpu.SemaphoreType.DMA,
            pltpu.SemaphoreType.DMA,
        ],
    )
    def body(k_hbm, v_hbm, idx_hbm, gk_hbm, gv_hbm,
             idx_v, bufka, bufva, bufkb, bufvb, sema, semb):
        wid = lax.axis_index("s") * _NC + lax.axis_index("c")
        base = wid * _RPW
        pltpu.sync_copy(idx_hbm.at[pl.ds(base, _RPW)], idx_v)

        def top_out(r):
            row = base + r
            return (row >> 2) * CACHE + (row & 3) * LANES

        def rec_src(r):
            return (wid * _PPW + (r >> 2)) * S + SEL + (r & 3) * LANES

        def rec_out(r):
            return (wid * _PPW + (r >> 2)) * CACHE + IMP_K + (r & 3) * LANES

        pltpu.async_copy(k_hbm.at[idx_v.at[0]], bufka, sema)
        pltpu.async_copy(v_hbm.at[idx_v.at[0]], bufva, sema)

        def top_pair(t, carry):
            ra = 2 * t
            rb = 2 * t + 1
            rn = jnp.minimum(2 * t + 2, _RPW - 1)
            ckb = pltpu.async_copy(k_hbm.at[idx_v.at[rb]], bufkb, semb)
            cvb = pltpu.async_copy(v_hbm.at[idx_v.at[rb]], bufvb, semb)
            pltpu.make_async_copy(k_hbm.at[idx_v.at[ra]], bufka, sema).wait()
            pltpu.make_async_copy(v_hbm.at[idx_v.at[ra]], bufva, sema).wait()
            oa = top_out(ra)
            pltpu.sync_copy(bufka, gk_hbm.at[pl.ds(oa, LANES)])
            pltpu.sync_copy(bufva, gv_hbm.at[pl.ds(oa, LANES)])
            pltpu.async_copy(k_hbm.at[idx_v.at[rn]], bufka, sema)
            pltpu.async_copy(v_hbm.at[idx_v.at[rn]], bufva, sema)
            ckb.wait()
            cvb.wait()
            ob = top_out(rb)
            pltpu.sync_copy(bufkb, gk_hbm.at[pl.ds(ob, LANES)])
            pltpu.sync_copy(bufvb, gv_hbm.at[pl.ds(ob, LANES)])
            return carry

        lax.fori_loop(0, _RPW // 2, top_pair, jnp.int32(0))
        pltpu.make_async_copy(k_hbm.at[idx_v.at[0]], bufka, sema).wait()
        pltpu.make_async_copy(v_hbm.at[idx_v.at[0]], bufva, sema).wait()

        nrec = _PPW * KHI
        pltpu.async_copy(k_hbm.at[pl.ds(rec_src(0), LANES)], bufka, sema)
        pltpu.async_copy(v_hbm.at[pl.ds(rec_src(0), LANES)], bufva, sema)

        def rec_pair(t, carry):
            ra = 2 * t
            rb = 2 * t + 1
            rn = jnp.minimum(2 * t + 2, nrec - 1)
            ckb = pltpu.async_copy(k_hbm.at[pl.ds(rec_src(rb), LANES)],
                                   bufkb, semb)
            cvb = pltpu.async_copy(v_hbm.at[pl.ds(rec_src(rb), LANES)],
                                   bufvb, semb)
            pltpu.make_async_copy(k_hbm.at[pl.ds(rec_src(ra), LANES)],
                                  bufka, sema).wait()
            pltpu.make_async_copy(v_hbm.at[pl.ds(rec_src(ra), LANES)],
                                  bufva, sema).wait()
            oa = rec_out(ra)
            pltpu.sync_copy(bufka, gk_hbm.at[pl.ds(oa, LANES)])
            pltpu.sync_copy(bufva, gv_hbm.at[pl.ds(oa, LANES)])
            pltpu.async_copy(k_hbm.at[pl.ds(rec_src(rn), LANES)],
                             bufka, sema)
            pltpu.async_copy(v_hbm.at[pl.ds(rec_src(rn), LANES)],
                             bufva, sema)
            ckb.wait()
            cvb.wait()
            ob = rec_out(rb)
            pltpu.sync_copy(bufkb, gk_hbm.at[pl.ds(ob, LANES)])
            pltpu.sync_copy(bufvb, gv_hbm.at[pl.ds(ob, LANES)])
            return carry

        lax.fori_loop(0, nrec // 2, rec_pair, jnp.int32(0))
        pltpu.make_async_copy(k_hbm.at[pl.ds(rec_src(0), LANES)],
                              bufka, sema).wait()
        pltpu.make_async_copy(v_hbm.at[pl.ds(rec_src(0), LANES)],
                              bufva, sema).wait()

    return body(kf, vf, idxf)


def kernel(k, v, attn_scores):
    attn_r = attn_scores.reshape(B, H, Q, ROWS, LANES)
    idx, imp, cnt = _tc_select(attn_r)
    gk, gv = _sc_gather(k.reshape(B * H * S, D),
                        v.reshape(B * H * S, D),
                        idx.reshape(_NROWS, LANES))
    return (gk.reshape(B, H, CACHE, D),
            gv.reshape(B, H, CACHE, D),
            imp.reshape(B, CACHE),
            cnt.reshape(B, CACHE))

# --- scband reference (transcript-rebuilt; emitter-appended) ---
"""Pipeline reference for scband-att-zip-llama-attention-streaming-37666863186509 (READ-ONLY COPY).

The authoritative reference and input builder live on the scoring server;
editing this copy changes nothing except your own understanding.
"""

import jax, jax.numpy as jnp
import numpy as np

IMP_SIZE = 512
RECENT_SIZE = 512
CACHE_SIZE = IMP_SIZE + RECENT_SIZE


def setup_inputs(seed: int = 0) -> dict:
    key = jax.random.key(seed)
    k1, k2, k3 = jax.random.split(key, 3)
    B, H, Q, S, D = 8, 16, 4, 4096, 128
    k = jax.random.normal(k1, (B, H, S, D), dtype=jnp.float32)
    v = jax.random.normal(k2, (B, H, S, D), dtype=jnp.float32)
    attn_scores = jax.random.uniform(k3, (B, H, Q, S), dtype=jnp.float32)
    return {"k": k, "v": v, "attn_scores": attn_scores}


def reference(k, v, attn_scores):
    # AttZipKVCache_LayerWise.__call__ with past_key_values=(k, v), idxs=None,
    # svd_mode='t_hd', scale_imp=False, first call (imp_score is None).
    B, H, S, D = k.shape
    # _update_imp_score: accumulated attention importance per token
    imp_score = attn_scores.sum(axis=2).mean(axis=1)  # [B, S]
    # counter (unused when scale_imp=False, but kept faithful)
    counter = jnp.broadcast_to(jnp.arange(S, 0, -1, dtype=jnp.float32)[None, :], (B, S))
    seq_len = S
    # seq_len > cache_size -> evict
    select_imp_scores = imp_score[:, : seq_len - RECENT_SIZE]
    _, keep_topk = jax.lax.top_k(select_imp_scores, IMP_SIZE)  # [B, imp_size]
    keep_topk = jnp.sort(keep_topk, axis=-1)
    keep_recent = jnp.broadcast_to(
        jnp.arange(seq_len - RECENT_SIZE, seq_len), (B, RECENT_SIZE)
    )
    keep_idx = jnp.concatenate([keep_topk, keep_recent], axis=-1)  # [B, cache_size]
    # gather kept K/V entries: torch.take_along_dim(pkv, keep_idx.view(B,1,-1,1), dim=2)
    k_imp_recent = jnp.take_along_axis(k, keep_idx[:, None, :, None], axis=2)
    v_imp_recent = jnp.take_along_axis(v, keep_idx[:, None, :, None], axis=2)
    # compact importance score / counter state
    imp_score_kept = jnp.take_along_axis(imp_score, keep_idx, axis=1)
    counter_kept = jnp.take_along_axis(counter, keep_idx, axis=1)
    return k_imp_recent, v_imp_recent, imp_score_kept, counter_kept

if __name__ == "__main__":
    import jax
    _d = setup_inputs()
    print(jax.jit(kernel)(*tuple(_d.values())))

</pallas_src>

<mosaic_0001>
#map = affine_map<(d0, d1) -> (0, 0)>
module attributes {stable_mosaic.version = 14 : i64} {
  func.func @body(%arg0: i32, %arg1: i32, %arg2: memref<524288x128xf32, #tpu.memory_space<hbm>>, %arg3: memref<524288x128xf32, #tpu.memory_space<hbm>>, %arg4: memref<512x128xi32, #tpu.memory_space<hbm>>, %arg5: memref<131072x128xf32, #tpu.memory_space<hbm>>, %arg6: memref<131072x128xf32, #tpu.memory_space<hbm>>, %arg7: memref<16x128xi32, #tpu.memory_space<vmem>>, %arg8: memref<128x128xf32, #tpu.memory_space<vmem>>, %arg9: memref<128x128xf32, #tpu.memory_space<vmem>>, %arg10: memref<128x128xf32, #tpu.memory_space<vmem>>, %arg11: memref<128x128xf32, #tpu.memory_space<vmem>>, %arg12: memref<!tpu.dma_semaphore, #tpu.memory_space<semaphore_mem>>, %arg13: memref<!tpu.dma_semaphore, #tpu.memory_space<semaphore_mem>>) attributes {dimension_semantics = [#tpu.dimension_semantics<core_parallel>, #tpu.dimension_semantics<subcore_parallel>], iteration_bounds = array<i64: 2, 16>, scalar_prefetch = 0 : i64, scratch_operands = 7 : i64, tpu.core_type = #tpu.core_type<sc_vector_subcore>, window_params = [{transform_indices = #map}, {transform_indices = #map}, {transform_indices = #map}, {transform_indices = #map}, {transform_indices = #map}]} {
    %mul3A = arith.constant 2 : i32
    %mul3A_0 = arith.muli %arg1, %mul3A : i32
    %add3A = arith.addi %mul3A_0, %arg0 : i32
    %mul3A_1 = arith.constant 16 : i32
    %mul3A_2 = arith.muli %add3A, %mul3A_1 : i32
    "tpu.region"() ({
      %run_scoped3A = tpu.sem_alloc : memref<!tpu.dma_semaphore, #tpu.memory_space<semaphore_mem>>
      %dma_start3A_96 = arith.constant 0 : i32
      %dma_start3A_97 = tpu.memref_slice %arg4[%mul3A_2, %dma_start3A_96] : memref<512x128xi32, #tpu.memory_space<hbm>> -> memref<16x128xi32, #tpu.memory_space<hbm>>
      %dma_start3A_98 = arith.constant 0 : i32
      %dma_start3A_99 = tpu.memref_slice %arg4[%mul3A_2, %dma_start3A_98] : memref<512x128xi32, #tpu.memory_space<hbm>> -> memref<16x128xi32, #tpu.memory_space<hbm>>
      tpu.enqueue_dma source(%dma_start3A_99 : memref<16x128xi32, #tpu.memory_space<hbm>>) target(%arg7 : memref<16x128xi32, #tpu.memory_space<vmem>>) target_semaphore(%run_scoped3A : memref<!tpu.dma_semaphore, #tpu.memory_space<semaphore_mem>>)
      %dma_wait3A_100 = arith.constant 0 : i32
      %dma_wait3A_101 = tpu.memref_slice %arg4[%mul3A_2, %dma_wait3A_100] : memref<512x128xi32, #tpu.memory_space<hbm>> -> memref<16x128xi32, #tpu.memory_space<hbm>>
      %dma_wait3A_102 = arith.constant 0 : i32
      %dma_wait3A_103 = tpu.memref_slice %arg4[%mul3A_2, %dma_wait3A_102] : memref<512x128xi32, #tpu.memory_space<hbm>> -> memref<16x128xi32, #tpu.memory_space<hbm>>
      tpu.wait_dma2 semaphore(%run_scoped3A : memref<!tpu.dma_semaphore, #tpu.memory_space<semaphore_mem>>) src(%dma_wait3A_103 : memref<16x128xi32, #tpu.memory_space<hbm>>) dst(%arg7 : memref<16x128xi32, #tpu.memory_space<vmem>>)
      tpu.yield
    }) : () -> ()
    %dma_start3A = arith.constant 0 : i32
    %dma_start3A_3 = arith.constant 0 : i32
    %dma_start3A_4 = tpu.memref_slice %arg7[%dma_start3A, %dma_start3A_3] : memref<16x128xi32, #tpu.memory_space<vmem>> -> memref<1x128xi32, #tpu.memory_space<vmem>>
    %dma_start3A_5 = tpu.memref_squeeze %dma_start3A_4 : memref<1x128xi32, #tpu.memory_space<vmem>> -> memref<128xi32, #tpu.memory_space<vmem>>
    %dma_start3A_6 = arith.constant 0 : i32
    %dma_start3A_7 = arith.constant 0 : i32
    %dma_start3A_8 = tpu.memref_slice %arg2[%dma_start3A_6, %dma_start3A_7] : memref<524288x128xf32, #tpu.memory_space<hbm>> -> memref<524288x128xf32, #tpu.memory_space<hbm>>
    tpu.enqueue_indirect_dma source(%dma_start3A_8 : memref<524288x128xf32, #tpu.memory_space<hbm>>) target(%arg8 : memref<128x128xf32, #tpu.memory_space<vmem>>) offsets(%dma_start3A_5 : memref<128xi32, #tpu.memory_space<vmem>>) semaphore(%arg12 : memref<!tpu.dma_semaphore, #tpu.memory_space<semaphore_mem>>)
    %dma_start3A_9 = arith.constant 0 : i32
    %dma_start3A_10 = arith.constant 0 : i32
    %dma_start3A_11 = tpu.memref_slice %arg7[%dma_start3A_9, %dma_start3A_10] : memref<16x128xi32, #tpu.memory_space<vmem>> -> memref<1x128xi32, #tpu.memory_space<vmem>>
    %dma_start3A_12 = tpu.memref_squeeze %dma_start3A_11 : memref<1x128xi32, #tpu.memory_space<vmem>> -> memref<128xi32, #tpu.memory_space<vmem>>
    %dma_start3A_13 = arith.constant 0 : i32
    %dma_start3A_14 = arith.constant 0 : i32
    %dma_start3A_15 = tpu.memref_slice %arg3[%dma_start3A_13, %dma_start3A_14] : memref<524288x128xf32, #tpu.memory_space<hbm>> -> memref<524288x128xf32, #tpu.memory_space<hbm>>
    tpu.enqueue_indirect_dma source(%dma_start3A_15 : memref<524288x128xf32, #tpu.memory_space<hbm>>) target(%arg9 : memref<128x128xf32, #tpu.memory_space<vmem>>) offsets(%dma_start3A_12 : memref<128xi32, #tpu.memory_space<vmem>>) semaphore(%arg12 : memref<!tpu.dma_semaphore, #tpu.memory_space<semaphore_mem>>)
    %scan3A = arith.constant 0 : i32
    %scan3A_16 = arith.constant 0 : i32
    %scan3A_17 = arith.constant 8 : i32
    %scan3A_18 = arith.addi %scan3A_16, %scan3A_17 : i32
    %scan3A_19 = arith.constant 1 : i32
    scf.for %scan3A_96 = %scan3A_16 to %scan3A_18 step %scan3A_19  : i32 {
      %mul3A_97 = arith.constant 2 : i32
      %mul3A_98 = arith.muli %mul3A_97, %scan3A_96 : i32
      %mul3A_99 = arith.constant 2 : i32
      %mul3A_100 = arith.muli %mul3A_99, %scan3A_96 : i32
      %add3A_101 = arith.constant 1 : i32
      %add3A_102 = arith.addi %mul3A_100, %add3A_101 : i32
      %mul3A_103 = arith.constant 2 : i32
      %mul3A_104 = arith.muli %mul3A_103, %scan3A_96 : i32
      %add3A_105 = arith.constant 2 : i32
      %add3A_106 = arith.addi %mul3A_104, %add3A_105 : i32
      %min3A = arith.constant 15 : i32
      %min3A_107 = arith.minsi %add3A_106, %min3A : i32
      %dma_start3A_108 = arith.constant 0 : i32
      %dma_start3A_109 = tpu.memref_slice %arg7[%add3A_102, %dma_start3A_108] : memref<16x128xi32, #tpu.memory_space<vmem>> -> memref<1x128xi32, #tpu.memory_space<vmem>>
      %dma_start3A_110 = tpu.memref_squeeze %dma_start3A_109 : memref<1x128xi32, #tpu.memory_space<vmem>> -> memref<128xi32, #tpu.memory_space<vmem>>
      %dma_start3A_111 = arith.constant 0 : i32
      %dma_start3A_112 = arith.constant 0 : i32
      %dma_start3A_113 = tpu.memref_slice %arg2[%dma_start3A_111, %dma_start3A_112] : memref<524288x128xf32, #tpu.memory_space<hbm>> -> memref<524288x128xf32, #tpu.memory_space<hbm>>
      tpu.enqueue_indirect_dma source(%dma_start3A_113 : memref<524288x128xf32, #tpu.memory_space<hbm>>) target(%arg10 : memref<128x128xf32, #tpu.memory_space<vmem>>) offsets(%dma_start3A_110 : memref<128xi32, #tpu.memory_space<vmem>>) semaphore(%arg13 : memref<!tpu.dma_semaphore, #tpu.memory_space<semaphore_mem>>)
      %dma_start3A_114 = arith.constant 0 : i32
      %dma_start3A_115 = tpu.memref_slice %arg7[%add3A_102, %dma_start3A_114] : memref<16x128xi32, #tpu.memory_space<vmem>> -> memref<1x128xi32, #tpu.memory_space<vmem>>
      %dma_start3A_116 = tpu.memref_squeeze %dma_start3A_115 : memref<1x128xi32, #tpu.memory_space<vmem>> -> memref<128xi32, #tpu.memory_space<vmem>>
      %dma_start3A_117 = arith.constant 0 : i32
      %dma_start3A_118 = arith.constant 0 : i32
      %dma_start3A_119 = tpu.memref_slice %arg3[%dma_start3A_117, %dma_start3A_118] : memref<524288x128xf32, #tpu.memory_space<hbm>> -> memref<524288x128xf32, #tpu.memory_space<hbm>>
      tpu.enqueue_indirect_dma source(%dma_start3A_119 : memref<524288x128xf32, #tpu.memory_space<hbm>>) target(%arg11 : memref<128x128xf32, #tpu.memory_space<vmem>>) offsets(%dma_start3A_116 : memref<128xi32, #tpu.memory_space<vmem>>) semaphore(%arg13 : memref<!tpu.dma_semaphore, #tpu.memory_space<semaphore_mem>>)
      %dma_wait3A_120 = arith.constant 0 : i32
      %dma_wait3A_121 = tpu.memref_slice %arg7[%mul3A_98, %dma_wait3A_120] : memref<16x128xi32, #tpu.memory_space<vmem>> -> memref<1x128xi32, #tpu.memory_space<vmem>>
      %dma_wait3A_122 = tpu.memref_squeeze %dma_wait3A_121 : memref<1x128xi32, #tpu.memory_space<vmem>> -> memref<128xi32, #tpu.memory_space<vmem>>
      %dma_wait3A_123 = arith.constant 0 : i32
      %dma_wait3A_124 = arith.constant 0 : i32
      %dma_wait3A_125 = tpu.memref_slice %arg2[%dma_wait3A_123, %dma_wait3A_124] : memref<524288x128xf32, #tpu.memory_space<hbm>> -> memref<524288x128xf32, #tpu.memory_space<hbm>>
      tpu.wait_indirect_dma semaphore(%arg12 : memref<!tpu.dma_semaphore, #tpu.memory_space<semaphore_mem>>) src(%dma_wait3A_125 : memref<524288x128xf32, #tpu.memory_space<hbm>>) dst(%arg8 : memref<128x128xf32, #tpu.memory_space<vmem>>)
      %dma_wait3A_126 = arith.constant 0 : i32
      %dma_wait3A_127 = tpu.memref_slice %arg7[%mul3A_98, %dma_wait3A_126] : memref<16x128xi32, #tpu.memory_space<vmem>> -> memref<1x128xi32, #tpu.memory_space<vmem>>
      %dma_wait3A_128 = tpu.memref_squeeze %dma_wait3A_127 : memref<1x128xi32, #tpu.memory_space<vmem>> -> memref<128xi32, #tpu.memory_space<vmem>>
      %dma_wait3A_129 = arith.constant 0 : i32
      %dma_wait3A_130 = arith.constant 0 : i32
      %dma_wait3A_131 = tpu.memref_slice %arg3[%dma_wait3A_129, %dma_wait3A_130] : memref<524288x128xf32, #tpu.memory_space<hbm>> -> memref<524288x128xf32, #tpu.memory_space<hbm>>
      tpu.wait_indirect_dma semaphore(%arg12 : memref<!tpu.dma_semaphore, #tpu.memory_space<semaphore_mem>>) src(%dma_wait3A_131 : memref<524288x128xf32, #tpu.memory_space<hbm>>) dst(%arg9 : memref<128x128xf32, #tpu.memory_space<vmem>>)
      %add3A_132 = arith.addi %mul3A_2, %mul3A_98 : i32
      %shift_right_arithmetic3A = arith.constant 2 : i32
      %shift_right_arithmetic3A_133 = arith.shrsi %add3A_132, %shift_right_arithmetic3A : i32
      %mul3A_134 = arith.constant 1024 : i32
      %mul3A_135 = arith.muli %shift_right_arithmetic3A_133, %mul3A_134 : i32
      %and3A = arith.constant 3 : i32
      %and3A_136 = arith.andi %add3A_132, %and3A : i32
      %mul3A_137 = arith.constant 128 : i32
      %mul3A_138 = arith.muli %and3A_136, %mul3A_137 : i32
      %add3A_139 = arith.addi %mul3A_135, %mul3A_138 : i32
      "tpu.region"() ({
        %run_scoped3A = tpu.sem_alloc : memref<!tpu.dma_semaphore, #tpu.memory_space<semaphore_mem>>
        %dma_start3A_174 = arith.constant 0 : i32
        %dma_start3A_175 = tpu.memref_slice %arg5[%add3A_139, %dma_start3A_174] : memref<131072x128xf32, #tpu.memory_space<hbm>> -> memref<128x128xf32, #tpu.memory_space<hbm>>
        %dma_start3A_176 = arith.constant 0 : i32
        %dma_start3A_177 = tpu.memref_slice %arg5[%add3A_139, %dma_start3A_176] : memref<131072x128xf32, #tpu.memory_space<hbm>> -> memref<128x128xf32, #tpu.memory_space<hbm>>
        tpu.enqueue_dma source(%arg8 : memref<128x128xf32, #tpu.memory_space<vmem>>) target(%dma_start3A_177 : memref<128x128xf32, #tpu.memory_space<hbm>>) target_semaphore(%run_scoped3A : memref<!tpu.dma_semaphore, #tpu.memory_space<semaphore_mem>>)
        %dma_wait3A_178 = arith.constant 0 : i32
        %dma_wait3A_179 = tpu.memref_slice %arg5[%add3A_139, %dma_wait3A_178] : memref<131072x128xf32, #tpu.memory_space<hbm>> -> memref<128x128xf32, #tpu.memory_space<hbm>>
        %dma_wait3A_180 = arith.constant 0 : i32
        %dma_wait3A_181 = tpu.memref_slice %arg5[%add3A_139, %dma_wait3A_180] : memref<131072x128xf32, #tpu.memory_space<hbm>> -> memref<128x128xf32, #tpu.memory_space<hbm>>
        tpu.wait_dma2 semaphore(%run_scoped3A : memref<!tpu.dma_semaphore, #tpu.memory_space<semaphore_mem>>) src(%arg8 : memref<128x128xf32, #tpu.memory_space<vmem>>) dst(%dma_wait3A_181 : memref<128x128xf32, #tpu.memory_space<hbm>>)
        tpu.yield
      }) : () -> ()
      "tpu.region"() ({
        %run_scoped3A = tpu.sem_alloc : memref<!tpu.dma_semaphore, #tpu.memory_space<semaphore_mem>>
        %dma_start3A_174 = arith.constant 0 : i32
        %dma_start3A_175 = tpu.memref_slice %arg6[%add3A_139, %dma_start3A_174] : memref<131072x128xf32, #tpu.memory_space<hbm>> -> memref<128x128xf32, #tpu.memory_space<hbm>>
        %dma_start3A_176 = arith.constant 0 : i32
        %dma_start3A_177 = tpu.memref_slice %arg6[%add3A_139, %dma_start3A_176] : memref<131072x128xf32, #tpu.memory_space<hbm>> -> memref<128x128xf32, #tpu.memory_space<hbm>>
        tpu.enqueue_dma source(%arg9 : memref<128x128xf32, #tpu.memory_space<vmem>>) target(%dma_start3A_177 : memref<128x128xf32, #tpu.memory_space<hbm>>) target_semaphore(%run_scoped3A : memref<!tpu.dma_semaphore, #tpu.memory_space<semaphore_mem>>)
        %dma_wait3A_178 = arith.constant 0 : i32
        %dma_wait3A_179 = tpu.memref_slice %arg6[%add3A_139, %dma_wait3A_178] : memref<131072x128xf32, #tpu.memory_space<hbm>> -> memref<128x128xf32, #tpu.memory_space<hbm>>
        %dma_wait3A_180 = arith.constant 0 : i32
        %dma_wait3A_181 = tpu.memref_slice %arg6[%add3A_139, %dma_wait3A_180] : memref<131072x128xf32, #tpu.memory_space<hbm>> -> memref<128x128xf32, #tpu.memory_space<hbm>>
        tpu.wait_dma2 semaphore(%run_scoped3A : memref<!tpu.dma_semaphore, #tpu.memory_space<semaphore_mem>>) src(%arg9 : memref<128x128xf32, #tpu.memory_space<vmem>>) dst(%dma_wait3A_181 : memref<128x128xf32, #tpu.memory_space<hbm>>)
        tpu.yield
      }) : () -> ()
      %dma_start3A_140 = arith.constant 0 : i32
      %dma_start3A_141 = tpu.memref_slice %arg7[%min3A_107, %dma_start3A_140] : memref<16x128xi32, #tpu.memory_space<vmem>> -> memref<1x128xi32, #tpu.memory_space<vmem>>
      %dma_start3A_142 = tpu.memref_squeeze %dma_start3A_141 : memref<1x128xi32, #tpu.memory_space<vmem>> -> memref<128xi32, #tpu.memory_space<vmem>>
      %dma_start3A_143 = arith.constant 0 : i32
      %dma_start3A_144 = arith.constant 0 : i32
      %dma_start3A_145 = tpu.memref_slice %arg2[%dma_start3A_143, %dma_start3A_144] : memref<524288x128xf32, #tpu.memory_space<hbm>> -> memref<524288x128xf32, #tpu.memory_space<hbm>>
      tpu.enqueue_indirect_dma source(%dma_start3A_145 : memref<524288x128xf32, #tpu.memory_space<hbm>>) target(%arg8 : memref<128x128xf32, #tpu.memory_space<vmem>>) offsets(%dma_start3A_142 : memref<128xi32, #tpu.memory_space<vmem>>) semaphore(%arg12 : memref<!tpu.dma_semaphore, #tpu.memory_space<semaphore_mem>>)
      %dma_start3A_146 = arith.constant 0 : i32
      %dma_start3A_147 = tpu.memref_slice %arg7[%min3A_107, %dma_start3A_146] : memref<16x128xi32, #tpu.memory_space<vmem>> -> memref<1x128xi32, #tpu.memory_space<vmem>>
      %dma_start3A_148 = tpu.memref_squeeze %dma_start3A_147 : memref<1x128xi32, #tpu.memory_space<vmem>> -> memref<128xi32, #tpu.memory_space<vmem>>
      %dma_start3A_149 = arith.constant 0 : i32
      %dma_start3A_150 = arith.constant 0 : i32
      %dma_start3A_151 = tpu.memref_slice %arg3[%dma_start3A_149, %dma_start3A_150] : memref<524288x128xf32, #tpu.memory_space<hbm>> -> memref<524288x128xf32, #tpu.memory_space<hbm>>
      tpu.enqueue_indirect_dma source(%dma_start3A_151 : memref<524288x128xf32, #tpu.memory_space<hbm>>) target(%arg9 : memref<128x128xf32, #tpu.memory_space<vmem>>) offsets(%dma_start3A_148 : memref<128xi32, #tpu.memory_space<vmem>>) semaphore(%arg12 : memref<!tpu.dma_semaphore, #tpu.memory_space<semaphore_mem>>)
      %dma_wait3A_152 = arith.constant 0 : i32
      %dma_wait3A_153 = tpu.memref_slice %arg7[%add3A_102, %dma_wait3A_152] : memref<16x128xi32, #tpu.memory_space<vmem>> -> memref<1x128xi32, #tpu.memory_space<vmem>>
      %dma_wait3A_154 = tpu.memref_squeeze %dma_wait3A_153 : memref<1x128xi32, #tpu.memory_space<vmem>> -> memref<128xi32, #tpu.memory_space<vmem>>
      %dma_wait3A_155 = arith.constant 0 : i32
      %dma_wait3A_156 = arith.constant 0 : i32
      %dma_wait3A_157 = tpu.memref_slice %arg2[%dma_wait3A_155, %dma_wait3A_156] : memref<524288x128xf32, #tpu.memory_space<hbm>> -> memref<524288x128xf32, #tpu.memory_space<hbm>>
      tpu.wait_indirect_dma semaphore(%arg13 : memref<!tpu.dma_semaphore, #tpu.memory_space<semaphore_mem>>) src(%dma_wait3A_157 : memref<524288x128xf32, #tpu.memory_space<hbm>>) dst(%arg10 : memref<128x128xf32, #tpu.memory_space<vmem>>)
      %dma_wait3A_158 = arith.constant 0 : i32
      %dma_wait3A_159 = tpu.memref_slice %arg7[%add3A_102, %dma_wait3A_158] : memref<16x128xi32, #tpu.memory_space<vmem>> -> memref<1x128xi32, #tpu.memory_space<vmem>>
      %dma_wait3A_160 = tpu.memref_squeeze %dma_wait3A_159 : memref<1x128xi32, #tpu.memory_space<vmem>> -> memref<128xi32, #tpu.memory_space<vmem>>
      %dma_wait3A_161 = arith.constant 0 : i32
      %dma_wait3A_162 = arith.constant 0 : i32
      %dma_wait3A_163 = tpu.memref_slice %arg3[%dma_wait3A_161, %dma_wait3A_162] : memref<524288x128xf32, #tpu.memory_space<hbm>> -> memref<524288x128xf32, #tpu.memory_space<hbm>>
      tpu.wait_indirect_dma semaphore(%arg13 : memref<!tpu.dma_semaphore, #tpu.memory_space<semaphore_mem>>) src(%dma_wait3A_163 : memref<524288x128xf32, #tpu.memory_space<hbm>>) dst(%arg11 : memref<128x128xf32, #tpu.memory_space<vmem>>)
      %add3A_164 = arith.addi %mul3A_2, %add3A_102 : i32
      %shift_right_arithmetic3A_165 = arith.constant 2 : i32
      %shift_right_arithmetic3A_166 = arith.shrsi %add3A_164, %shift_right_arithmetic3A_165 : i32
      %mul3A_167 = arith.constant 1024 : i32
      %mul3A_168 = arith.muli %shift_right_arithmetic3A_166, %mul3A_167 : i32
      %and3A_169 = arith.constant 3 : i32
      %and3A_170 = arith.andi %add3A_164, %and3A_169 : i32
      %mul3A_171 = arith.constant 128 : i32
      %mul3A_172 = arith.muli %and3A_170, %mul3A_171 : i32
      %add3A_173 = arith.addi %mul3A_168, %mul3A_172 : i32
      "tpu.region"() ({
        %run_scoped3A = tpu.sem_alloc : memref<!tpu.dma_semaphore, #tpu.memory_space<semaphore_mem>>
        %dma_start3A_174 = arith.constant 0 : i32
        %dma_start3A_175 = tpu.memref_slice %arg5[%add3A_173, %dma_start3A_174] : memref<131072x128xf32, #tpu.memory_space<hbm>> -> memref<128x128xf32, #tpu.memory_space<hbm>>
        %dma_start3A_176 = arith.constant 0 : i32
        %dma_start3A_177 = tpu.memref_slice %arg5[%add3A_173, %dma_start3A_176] : memref<131072x128xf32, #tpu.memory_space<hbm>> -> memref<128x128xf32, #tpu.memory_space<hbm>>
        tpu.enqueue_dma source(%arg10 : memref<128x128xf32, #tpu.memory_space<vmem>>) target(%dma_start3A_177 : memref<128x128xf32, #tpu.memory_space<hbm>>) target_semaphore(%run_scoped3A : memref<!tpu.dma_semaphore, #tpu.memory_space<semaphore_mem>>)
        %dma_wait3A_178 = arith.constant 0 : i32
        %dma_wait3A_179 = tpu.memref_slice %arg5[%add3A_173, %dma_wait3A_178] : memref<131072x128xf32, #tpu.memory_space<hbm>> -> memref<128x128xf32, #tpu.memory_space<hbm>>
        %dma_wait3A_180 = arith.constant 0 : i32
        %dma_wait3A_181 = tpu.memref_slice %arg5[%add3A_173, %dma_wait3A_180] : memref<131072x128xf32, #tpu.memory_space<hbm>> -> memref<128x128xf32, #tpu.memory_space<hbm>>
        tpu.wait_dma2 semaphore(%run_scoped3A : memref<!tpu.dma_semaphore, #tpu.memory_space<semaphore_mem>>) src(%arg10 : memref<128x128xf32, #tpu.memory_space<vmem>>) dst(%dma_wait3A_181 : memref<128x128xf32, #tpu.memory_space<hbm>>)
        tpu.yield
      }) : () -> ()
      "tpu.region"() ({
        %run_scoped3A = tpu.sem_alloc : memref<!tpu.dma_semaphore, #tpu.memory_space<semaphore_mem>>
        %dma_start3A_174 = arith.constant 0 : i32
        %dma_start3A_175 = tpu.memref_slice %arg6[%add3A_173, %dma_start3A_174] : memref<131072x128xf32, #tpu.memory_space<hbm>> -> memref<128x128xf32, #tpu.memory_space<hbm>>
        %dma_start3A_176 = arith.constant 0 : i32
        %dma_start3A_177 = tpu.memref_slice %arg6[%add3A_173, %dma_start3A_176] : memref<131072x128xf32, #tpu.memory_space<hbm>> -> memref<128x128xf32, #tpu.memory_space<hbm>>
        tpu.enqueue_dma source(%arg11 : memref<128x128xf32, #tpu.memory_space<vmem>>) target(%dma_start3A_177 : memref<128x128xf32, #tpu.memory_space<hbm>>) target_semaphore(%run_scoped3A : memref<!tpu.dma_semaphore, #tpu.memory_space<semaphore_mem>>)
        %dma_wait3A_178 = arith.constant 0 : i32
        %dma_wait3A_179 = tpu.memref_slice %arg6[%add3A_173, %dma_wait3A_178] : memref<131072x128xf32, #tpu.memory_space<hbm>> -> memref<128x128xf32, #tpu.memory_space<hbm>>
        %dma_wait3A_180 = arith.constant 0 : i32
        %dma_wait3A_181 = tpu.memref_slice %arg6[%add3A_173, %dma_wait3A_180] : memref<131072x128xf32, #tpu.memory_space<hbm>> -> memref<128x128xf32, #tpu.memory_space<hbm>>
        tpu.wait_dma2 semaphore(%run_scoped3A : memref<!tpu.dma_semaphore, #tpu.memory_space<semaphore_mem>>) src(%arg11 : memref<128x128xf32, #tpu.memory_space<vmem>>) dst(%dma_wait3A_181 : memref<128x128xf32, #tpu.memory_space<hbm>>)
        tpu.yield
      }) : () -> ()
    }
    %scan3A_20 = arith.constant 8 : i32
    %dma_wait3A = arith.constant 0 : i32
    %dma_wait3A_21 = arith.constant 0 : i32
    %dma_wait3A_22 = tpu.memref_slice %arg7[%dma_wait3A, %dma_wait3A_21] : memref<16x128xi32, #tpu.memory_space<vmem>> -> memref<1x128xi32, #tpu.memory_space<vmem>>
    %dma_wait3A_23 = tpu.memref_squeeze %dma_wait3A_22 : memref<1x128xi32, #tpu.memory_space<vmem>> -> memref<128xi32, #tpu.memory_space<vmem>>
    %dma_wait3A_24 = arith.constant 0 : i32
    %dma_wait3A_25 = arith.constant 0 : i32
    %dma_wait3A_26 = tpu.memref_slice %arg2[%dma_wait3A_24, %dma_wait3A_25] : memref<524288x128xf32, #tpu.memory_space<hbm>> -> memref<524288x128xf32, #tpu.memory_space<hbm>>
    tpu.wait_indirect_dma semaphore(%arg12 : memref<!tpu.dma_semaphore, #tpu.memory_space<semaphore_mem>>) src(%dma_wait3A_26 : memref<524288x128xf32, #tpu.memory_space<hbm>>) dst(%arg8 : memref<128x128xf32, #tpu.memory_space<vmem>>)
    %dma_wait3A_27 = arith.constant 0 : i32
    %dma_wait3A_28 = arith.constant 0 : i32
    %dma_wait3A_29 = tpu.memref_slice %arg7[%dma_wait3A_27, %dma_wait3A_28] : memref<16x128xi32, #tpu.memory_space<vmem>> -> memref<1x128xi32, #tpu.memory_space<vmem>>
    %dma_wait3A_30 = tpu.memref_squeeze %dma_wait3A_29 : memref<1x128xi32, #tpu.memory_space<vmem>> -> memref<128xi32, #tpu.memory_space<vmem>>
    %dma_wait3A_31 = arith.constant 0 : i32
    %dma_wait3A_32 = arith.constant 0 : i32
    %dma_wait3A_33 = tpu.memref_slice %arg3[%dma_wait3A_31, %dma_wait3A_32] : memref<524288x128xf32, #tpu.memory_space<hbm>> -> memref<524288x128xf32, #tpu.memory_space<hbm>>
    tpu.wait_indirect_dma semaphore(%arg12 : memref<!tpu.dma_semaphore, #tpu.memory_space<semaphore_mem>>) src(%dma_wait3A_33 : memref<524288x128xf32, #tpu.memory_space<hbm>>) dst(%arg9 : memref<128x128xf32, #tpu.memory_space<vmem>>)
    %mul3A_34 = arith.constant 4 : i32
    %mul3A_35 = arith.muli %add3A, %mul3A_34 : i32
    %add3A_36 = arith.constant 0 : i32
    %add3A_37 = arith.addi %mul3A_35, %add3A_36 : i32
    %mul3A_38 = arith.constant 4096 : i32
    %mul3A_39 = arith.muli %add3A_37, %mul3A_38 : i32
    %add3A_40 = arith.constant 3584 : i32
    %add3A_41 = arith.addi %mul3A_39, %add3A_40 : i32
    %add3A_42 = arith.constant 0 : i32
    %add3A_43 = arith.addi %add3A_41, %add3A_42 : i32
    %dma_start3A_44 = arith.constant 0 : i32
    %dma_start3A_45 = tpu.memref_slice %arg2[%add3A_43, %dma_start3A_44] : memref<524288x128xf32, #tpu.memory_space<hbm>> -> memref<128x128xf32, #tpu.memory_space<hbm>>
    %dma_start3A_46 = arith.constant 0 : i32
    %dma_start3A_47 = tpu.memref_slice %arg2[%add3A_43, %dma_start3A_46] : memref<524288x128xf32, #tpu.memory_space<hbm>> -> memref<128x128xf32, #tpu.memory_space<hbm>>
    tpu.enqueue_dma source(%dma_start3A_47 : memref<128x128xf32, #tpu.memory_space<hbm>>) target(%arg8 : memref<128x128xf32, #tpu.memory_space<vmem>>) target_semaphore(%arg12 : memref<!tpu.dma_semaphore, #tpu.memory_space<semaphore_mem>>)
    %mul3A_48 = arith.constant 4 : i32
    %mul3A_49 = arith.muli %add3A, %mul3A_48 : i32
    %add3A_50 = arith.constant 0 : i32
    %add3A_51 = arith.addi %mul3A_49, %add3A_50 : i32
    %mul3A_52 = arith.constant 4096 : i32
    %mul3A_53 = arith.muli %add3A_51, %mul3A_52 : i32
    %add3A_54 = arith.constant 3584 : i32
    %add3A_55 = arith.addi %mul3A_53, %add3A_54 : i32
    %add3A_56 = arith.constant 0 : i32
    %add3A_57 = arith.addi %add3A_55, %add3A_56 : i32
    %dma_start3A_58 = arith.constant 0 : i32
    %dma_start3A_59 = tpu.memref_slice %arg3[%add3A_57, %dma_start3A_58] : memref<524288x128xf32, #tpu.memory_space<hbm>> -> memref<128x128xf32, #tpu.memory_space<hbm>>
    %dma_start3A_60 = arith.constant 0 : i32
    %dma_start3A_61 = tpu.memref_slice %arg3[%add3A_57, %dma_start3A_60] : memref<524288x128xf32, #tpu.memory_space<hbm>> -> memref<128x128xf32, #tpu.memory_space<hbm>>
    tpu.enqueue_dma source(%dma_start3A_61 : memref<128x128xf32, #tpu.memory_space<hbm>>) target(%arg9 : memref<128x128xf32, #tpu.memory_space<vmem>>) target_semaphore(%arg12 : memref<!tpu.dma_semaphore, #tpu.memory_space<semaphore_mem>>)
    %scan3A_62 = arith.constant 0 : i32
    %scan3A_63 = arith.constant 0 : i32
    %scan3A_64 = arith.constant 8 : i32
    %scan3A_65 = arith.addi %scan3A_63, %scan3A_64 : i32
    %scan3A_66 = arith.constant 1 : i32
    scf.for %scan3A_96 = %scan3A_63 to %scan3A_65 step %scan3A_66  : i32 {
      %mul3A_97 = arith.constant 2 : i32
      %mul3A_98 = arith.muli %mul3A_97, %scan3A_96 : i32
      %mul3A_99 = arith.constant 2 : i32
      %mul3A_100 = arith.muli %mul3A_99, %scan3A_96 : i32
      %add3A_101 = arith.constant 1 : i32
      %add3A_102 = arith.addi %mul3A_100, %add3A_101 : i32
      %mul3A_103 = arith.constant 2 : i32
      %mul3A_104 = arith.muli %mul3A_103, %scan3A_96 : i32
      %add3A_105 = arith.constant 2 : i32
      %add3A_106 = arith.addi %mul3A_104, %add3A_105 : i32
      %min3A = arith.constant 15 : i32
      %min3A_107 = arith.minsi %add3A_106, %min3A : i32
      %mul3A_108 = arith.constant 4 : i32
      %mul3A_109 = arith.muli %add3A, %mul3A_108 : i32
      %shift_right_arithmetic3A = arith.constant 2 : i32
      %shift_right_arithmetic3A_110 = arith.shrsi %add3A_102, %shift_right_arithmetic3A : i32
      %add3A_111 = arith.addi %mul3A_109, %shift_right_arithmetic3A_110 : i32
      %mul3A_112 = arith.constant 4096 : i32
      %mul3A_113 = arith.muli %add3A_111, %mul3A_112 : i32
      %add3A_114 = arith.constant 3584 : i32
      %add3A_115 = arith.addi %mul3A_113, %add3A_114 : i32
      %and3A = arith.constant 3 : i32
      %and3A_116 = arith.andi %add3A_102, %and3A : i32
      %mul3A_117 = arith.constant 128 : i32
      %mul3A_118 = arith.muli %and3A_116, %mul3A_117 : i32
      %add3A_119 = arith.addi %add3A_115, %mul3A_118 : i32
      %dma_start3A_120 = arith.constant 0 : i32
      %dma_start3A_121 = tpu.memref_slice %arg2[%add3A_119, %dma_start3A_120] : memref<524288x128xf32, #tpu.memory_space<hbm>> -> memref<128x128xf32, #tpu.memory_space<hbm>>
      %dma_start3A_122 = arith.constant 0 : i32
      %dma_start3A_123 = tpu.memref_slice %arg2[%add3A_119, %dma_start3A_122] : memref<524288x128xf32, #tpu.memory_space<hbm>> -> memref<128x128xf32, #tpu.memory_space<hbm>>
      tpu.enqueue_dma source(%dma_start3A_123 : memref<128x128xf32, #tpu.memory_space<hbm>>) target(%arg10 : memref<128x128xf32, #tpu.memory_space<vmem>>) target_semaphore(%arg13 : memref<!tpu.dma_semaphore, #tpu.memory_space<semaphore_mem>>)
      %mul3A_124 = arith.constant 4 : i32
      %mul3A_125 = arith.muli %add3A, %mul3A_124 : i32
      %shift_right_arithmetic3A_126 = arith.constant 2 : i32
      %shift_right_arithmetic3A_127 = arith.shrsi %add3A_102, %shift_right_arithmetic3A_126 : i32
      %add3A_128 = arith.addi %mul3A_125, %shift_right_arithmetic3A_127 : i32
      %mul3A_129 = arith.constant 4096 : i32
      %mul3A_130 = arith.muli %add3A_128, %mul3A_129 : i32
      %add3A_131 = arith.constant 3584 : i32
      %add3A_132 = arith.addi %mul3A_130, %add3A_131 : i32
      %and3A_133 = arith.constant 3 : i32
      %and3A_134 = arith.andi %add3A_102, %and3A_133 : i32
      %mul3A_135 = arith.constant 128 : i32
      %mul3A_136 = arith.muli %and3A_134, %mul3A_135 : i32
      %add3A_137 = arith.addi %add3A_132, %mul3A_136 : i32
      %dma_start3A_138 = arith.constant 0 : i32
      %dma_start3A_139 = tpu.memref_slice %arg3[%add3A_137, %dma_start3A_138] : memref<524288x128xf32, #tpu.memory_space<hbm>> -> memref<128x128xf32, #tpu.memory_space<hbm>>
      %dma_start3A_140 = arith.constant 0 : i32
      %dma_start3A_141 = tpu.memref_slice %arg3[%add3A_137, %dma_start3A_140] : memref<524288x128xf32, #tpu.memory_space<hbm>> -> memref<128x128xf32, #tpu.memory_space<hbm>>
      tpu.enqueue_dma source(%dma_start3A_141 : memref<128x128xf32, #tpu.memory_space<hbm>>) target(%arg11 : memref<128x128xf32, #tpu.memory_space<vmem>>) target_semaphore(%arg13 : memref<!tpu.dma_semaphore, #tpu.memory_space<semaphore_mem>>)
      %mul3A_142 = arith.constant 4 : i32
      %mul3A_143 = arith.muli %add3A, %mul3A_142 : i32
      %shift_right_arithmetic3A_144 = arith.constant 2 : i32
      %shift_right_arithmetic3A_145 = arith.shrsi %mul3A_98, %shift_right_arithmetic3A_144 : i32
      %add3A_146 = arith.addi %mul3A_143, %shift_right_arithmetic3A_145 : i32
      %mul3A_147 = arith.constant 4096 : i32
      %mul3A_148 = arith.muli %add3A_146, %mul3A_147 : i32
      %add3A_149 = arith.constant 3584 : i32
      %add3A_150 = arith.addi %mul3A_148, %add3A_149 : i32
      %and3A_151 = arith.constant 3 : i32
      %and3A_152 = arith.andi %mul3A_98, %and3A_151 : i32
      %mul3A_153 = arith.constant 128 : i32
      %mul3A_154 = arith.muli %and3A_152, %mul3A_153 : i32
      %add3A_155 = arith.addi %add3A_150, %mul3A_154 : i32
      %dma_wait3A_156 = arith.constant 0 : i32
      %dma_wait3A_157 = tpu.memref_slice %arg2[%add3A_155, %dma_wait3A_156] : memref<524288x128xf32, #tpu.memory_space<hbm>> -> memref<128x128xf32, #tpu.memory_space<hbm>>
      %dma_wait3A_158 = arith.constant 0 : i32
      %dma_wait3A_159 = tpu.memref_slice %arg2[%add3A_155, %dma_wait3A_158] : memref<524288x128xf32, #tpu.memory_space<hbm>> -> memref<128x128xf32, #tpu.memory_space<hbm>>
      tpu.wait_dma2 semaphore(%arg12 : memref<!tpu.dma_semaphore, #tpu.memory_space<semaphore_mem>>) src(%dma_wait3A_159 : memref<128x128xf32, #tpu.memory_space<hbm>>) dst(%arg8 : memref<128x128xf32, #tpu.memory_space<vmem>>)
      %mul3A_160 = arith.constant 4 : i32
      %mul3A_161 = arith.muli %add3A, %mul3A_160 : i32
      %shift_right_arithmetic3A_162 = arith.constant 2 : i32
      %shift_right_arithmetic3A_163 = arith.shrsi %mul3A_98, %shift_right_arithmetic3A_162 : i32
      %add3A_164 = arith.addi %mul3A_161, %shift_right_arithmetic3A_163 : i32
      %mul3A_165 = arith.constant 4096 : i32
      %mul3A_166 = arith.muli %add3A_164, %mul3A_165 : i32
      %add3A_167 = arith.constant 3584 : i32
      %add3A_168 = arith.addi %mul3A_166, %add3A_167 : i32
      %and3A_169 = arith.constant 3 : i32
      %and3A_170 = arith.andi %mul3A_98, %and3A_169 : i32
      %mul3A_171 = arith.constant 128 : i32
      %mul3A_172 = arith.muli %and3A_170, %mul3A_171 : i32
      %add3A_173 = arith.addi %add3A_168, %mul3A_172 : i32
      %dma_wait3A_174 = arith.constant 0 : i32
      %dma_wait3A_175 = tpu.memref_slice %arg3[%add3A_173, %dma_wait3A_174] : memref<524288x128xf32, #tpu.memory_space<hbm>> -> memref<128x128xf32, #tpu.memory_space<hbm>>
      %dma_wait3A_176 = arith.constant 0 : i32
      %dma_wait3A_177 = tpu.memref_slice %arg3[%add3A_173, %dma_wait3A_176] : memref<524288x128xf32, #tpu.memory_space<hbm>> -> memref<128x128xf32, #tpu.memory_space<hbm>>
      tpu.wait_dma2 semaphore(%arg12 : memref<!tpu.dma_semaphore, #tpu.memory_space<semaphore_mem>>) src(%dma_wait3A_177 : memref<128x128xf32, #tpu.memory_space<hbm>>) dst(%arg9 : memref<128x128xf32, #tpu.memory_space<vmem>>)
      %mul3A_178 = arith.constant 4 : i32
      %mul3A_179 = arith.muli %add3A, %mul3A_178 : i32
      %shift_right_arithmetic3A_180 = arith.constant 2 : i32
      %shift_right_arithmetic3A_181 = arith.shrsi %mul3A_98, %shift_right_arithmetic3A_180 : i32
      %add3A_182 = arith.addi %mul3A_179, %shift_right_arithmetic3A_181 : i32
      %mul3A_183 = arith.constant 1024 : i32
      %mul3A_184 = arith.muli %add3A_182, %mul3A_183 : i32
      %add3A_185 = arith.constant 512 : i32
      %add3A_186 = arith.addi %mul3A_184, %add3A_185 : i32
      %and3A_187 = arith.constant 3 : i32
      %and3A_188 = arith.andi %mul3A_98, %and3A_187 : i32
      %mul3A_189 = arith.constant 128 : i32
      %mul3A_190 = arith.muli %and3A_188, %mul3A_189 : i32
      %add3A_191 = arith.addi %add3A_186, %mul3A_190 : i32
      "tpu.region"() ({
        %run_scoped3A = tpu.sem_alloc : memref<!tpu.dma_semaphore, #tpu.memory_space<semaphore_mem>>
        %dma_start3A_250 = arith.constant 0 : i32
        %dma_start3A_251 = tpu.memref_slice %arg5[%add3A_191, %dma_start3A_250] : memref<131072x128xf32, #tpu.memory_space<hbm>> -> memref<128x128xf32, #tpu.memory_space<hbm>>
        %dma_start3A_252 = arith.constant 0 : i32
        %dma_start3A_253 = tpu.memref_slice %arg5[%add3A_191, %dma_start3A_252] : memref<131072x128xf32, #tpu.memory_space<hbm>> -> memref<128x128xf32, #tpu.memory_space<hbm>>
        tpu.enqueue_dma source(%arg8 : memref<128x128xf32, #tpu.memory_space<vmem>>) target(%dma_start3A_253 : memref<128x128xf32, #tpu.memory_space<hbm>>) target_semaphore(%run_scoped3A : memref<!tpu.dma_semaphore, #tpu.memory_space<semaphore_mem>>)
        %dma_wait3A_254 = arith.constant 0 : i32
        %dma_wait3A_255 = tpu.memref_slice %arg5[%add3A_191, %dma_wait3A_254] : memref<131072x128xf32, #tpu.memory_space<hbm>> -> memref<128x128xf32, #tpu.memory_space<hbm>>
        %dma_wait3A_256 = arith.constant 0 : i32
        %dma_wait3A_257 = tpu.memref_slice %arg5[%add3A_191, %dma_wait3A_256] : memref<131072x128xf32, #tpu.memory_space<hbm>> -> memref<128x128xf32, #tpu.memory_space<hbm>>
        tpu.wait_dma2 semaphore(%run_scoped3A : memref<!tpu.dma_semaphore, #tpu.memory_space<semaphore_mem>>) src(%arg8 : memref<128x128xf32, #tpu.memory_space<vmem>>) dst(%dma_wait3A_257 : memref<128x128xf32, #tpu.memory_space<hbm>>)
        tpu.yield
      }) : () -> ()
      "tpu.region"() ({
        %run_scoped3A = tpu.sem_alloc : memref<!tpu.dma_semaphore, #tpu.memory_space<semaphore_mem>>
        %dma_start3A_250 = arith.constant 0 : i32
        %dma_start3A_251 = tpu.memref_slice %arg6[%add3A_191, %dma_start3A_250] : memref<131072x128xf32, #tpu.memory_space<hbm>> -> memref<128x128xf32, #tpu.memory_space<hbm>>
        %dma_start3A_252 = arith.constant 0 : i32
        %dma_start3A_253 = tpu.memref_slice %arg6[%add3A_191, %dma_start3A_252] : memref<131072x128xf32, #tpu.memory_space<hbm>> -> memref<128x128xf32, #tpu.memory_space<hbm>>
        tpu.enqueue_dma source(%arg9 : memref<128x128xf32, #tpu.memory_space<vmem>>) target(%dma_start3A_253 : memref<128x128xf32, #tpu.memory_space<hbm>>) target_semaphore(%run_scoped3A : memref<!tpu.dma_semaphore, #tpu.memory_space<semaphore_mem>>)
        %dma_wait3A_254 = arith.constant 0 : i32
        %dma_wait3A_255 = tpu.memref_slice %arg6[%add3A_191, %dma_wait3A_254] : memref<131072x128xf32, #tpu.memory_space<hbm>> -> memref<128x128xf32, #tpu.memory_space<hbm>>
        %dma_wait3A_256 = arith.constant 0 : i32
        %dma_wait3A_257 = tpu.memref_slice %arg6[%add3A_191, %dma_wait3A_256] : memref<131072x128xf32, #tpu.memory_space<hbm>> -> memref<128x128xf32, #tpu.memory_space<hbm>>
        tpu.wait_dma2 semaphore(%run_scoped3A : memref<!tpu.dma_semaphore, #tpu.memory_space<semaphore_mem>>) src(%arg9 : memref<128x128xf32, #tpu.memory_space<vmem>>) dst(%dma_wait3A_257 : memref<128x128xf32, #tpu.memory_space<hbm>>)
        tpu.yield
      }) : () -> ()
      %mul3A_192 = arith.constant 4 : i32
      %mul3A_193 = arith.muli %add3A, %mul3A_192 : i32
      %shift_right_arithmetic3A_194 = arith.constant 2 : i32
      %shift_right_arithmetic3A_195 = arith.shrsi %min3A_107, %shift_right_arithmetic3A_194 : i32
      %add3A_196 = arith.addi %mul3A_193, %shift_right_arithmetic3A_195 : i32
      %mul3A_197 = arith.constant 4096 : i32
      %mul3A_198 = arith.muli %add3A_196, %mul3A_197 : i32
      %add3A_199 = arith.constant 3584 : i32
      %add3A_200 = arith.addi %mul3A_198, %add3A_199 : i32
      %and3A_201 = arith.constant 3 : i32
      %and3A_202 = arith.andi %min3A_107, %and3A_201 : i32
      %mul3A_203 = arith.constant 128 : i32
      %mul3A_204 = arith.muli %and3A_202, %mul3A_203 : i32
      %add3A_205 = arith.addi %add3A_200, %mul3A_204 : i32
      %dma_start3A_206 = arith.constant 0 : i32
      %dma_start3A_207 = tpu.memref_slice %arg2[%add3A_205, %dma_start3A_206] : memref<524288x128xf32, #tpu.memory_space<hbm>> -> memref<128x128xf32, #tpu.memory_space<hbm>>
      %dma_start3A_208 = arith.constant 0 : i32
      %dma_start3A_209 = tpu.memref_slice %arg2[%add3A_205, %dma_start3A_208] : memref<524288x128xf32, #tpu.memory_space<hbm>> -> memref<128x128xf32, #tpu.memory_space<hbm>>
      tpu.enqueue_dma source(%dma_start3A_209 : memref<128x128xf32, #tpu.memory_space<hbm>>) target(%arg8 : memref<128x128xf32, #tpu.memory_space<vmem>>) target_semaphore(%arg12 : memref<!tpu.dma_semaphore, #tpu.memory_space<semaphore_mem>>)
      %mul3A_210 = arith.constant 4 : i32
      %mul3A_211 = arith.muli %add3A, %mul3A_210 : i32
      %shift_right_arithmetic3A_212 = arith.constant 2 : i32
      %shift_right_arithmetic3A_213 = arith.shrsi %min3A_107, %shift_right_arithmetic3A_212 : i32
      %add3A_214 = arith.addi %mul3A_211, %shift_right_arithmetic3A_213 : i32
      %mul3A_215 = arith.constant 4096 : i32
      %mul3A_216 = arith.muli %add3A_214, %mul3A_215 : i32
      %add3A_217 = arith.constant 3584 : i32
      %add3A_218 = arith.addi %mul3A_216, %add3A_217 : i32
      %and3A_219 = arith.constant 3 : i32
      %and3A_220 = arith.andi %min3A_107, %and3A_219 : i32
      %mul3A_221 = arith.constant 128 : i32
      %mul3A_222 = arith.muli %and3A_220, %mul3A_221 : i32
      %add3A_223 = arith.addi %add3A_218, %mul3A_222 : i32
      %dma_start3A_224 = arith.constant 0 : i32
      %dma_start3A_225 = tpu.memref_slice %arg3[%add3A_223, %dma_start3A_224] : memref<524288x128xf32, #tpu.memory_space<hbm>> -> memref<128x128xf32, #tpu.memory_space<hbm>>
      %dma_start3A_226 = arith.constant 0 : i32
      %dma_start3A_227 = tpu.memref_slice %arg3[%add3A_223, %dma_start3A_226] : memref<524288x128xf32, #tpu.memory_space<hbm>> -> memref<128x128xf32, #tpu.memory_space<hbm>>
      tpu.enqueue_dma source(%dma_start3A_227 : memref<128x128xf32, #tpu.memory_space<hbm>>) target(%arg9 : memref<128x128xf32, #tpu.memory_space<vmem>>) target_semaphore(%arg12 : memref<!tpu.dma_semaphore, #tpu.memory_space<semaphore_mem>>)
      %dma_wait3A_228 = arith.constant 0 : i32
      %dma_wait3A_229 = tpu.memref_slice %arg2[%add3A_119, %dma_wait3A_228] : memref<524288x128xf32, #tpu.memory_space<hbm>> -> memref<128x128xf32, #tpu.memory_space<hbm>>
      %dma_wait3A_230 = arith.constant 0 : i32
      %dma_wait3A_231 = tpu.memref_slice %arg2[%add3A_119, %dma_wait3A_230] : memref<524288x128xf32, #tpu.memory_space<hbm>> -> memref<128x128xf32, #tpu.memory_space<hbm>>
      tpu.wait_dma2 semaphore(%arg13 : memref<!tpu.dma_semaphore, #tpu.memory_space<semaphore_mem>>) src(%dma_wait3A_231 : memref<128x128xf32, #tpu.memory_space<hbm>>) dst(%arg10 : memref<128x128xf32, #tpu.memory_space<vmem>>)
      %dma_wait3A_232 = arith.constant 0 : i32
      %dma_wait3A_233 = tpu.memref_slice %arg3[%add3A_137, %dma_wait3A_232] : memref<524288x128xf32, #tpu.memory_space<hbm>> -> memref<128x128xf32, #tpu.memory_space<hbm>>
      %dma_wait3A_234 = arith.constant 0 : i32
      %dma_wait3A_235 = tpu.memref_slice %arg3[%add3A_137, %dma_wait3A_234] : memref<524288x128xf32, #tpu.memory_space<hbm>> -> memref<128x128xf32, #tpu.memory_space<hbm>>
      tpu.wait_dma2 semaphore(%arg13 : memref<!tpu.dma_semaphore, #tpu.memory_space<semaphore_mem>>) src(%dma_wait3A_235 : memref<128x128xf32, #tpu.memory_space<hbm>>) dst(%arg11 : memref<128x128xf32, #tpu.memory_space<vmem>>)
      %mul3A_236 = arith.constant 4 : i32
      %mul3A_237 = arith.muli %add3A, %mul3A_236 : i32
      %shift_right_arithmetic3A_238 = arith.constant 2 : i32
      %shift_right_arithmetic3A_239 = arith.shrsi %add3A_102, %shift_right_arithmetic3A_238 : i32
      %add3A_240 = arith.addi %mul3A_237, %shift_right_arithmetic3A_239 : i32
      %mul3A_241 = arith.constant 1024 : i32
      %mul3A_242 = arith.muli %add3A_240, %mul3A_241 : i32
      %add3A_243 = arith.constant 512 : i32
      %add3A_244 = arith.addi %mul3A_242, %add3A_243 : i32
      %and3A_245 = arith.constant 3 : i32
      %and3A_246 = arith.andi %add3A_102, %and3A_245 : i32
      %mul3A_247 = arith.constant 128 : i32
      %mul3A_248 = arith.muli %and3A_246, %mul3A_247 : i32
      %add3A_249 = arith.addi %add3A_244, %mul3A_248 : i32
      "tpu.region"() ({
        %run_scoped3A = tpu.sem_alloc : memref<!tpu.dma_semaphore, #tpu.memory_space<semaphore_mem>>
        %dma_start3A_250 = arith.constant 0 : i32
        %dma_start3A_251 = tpu.memref_slice %arg5[%add3A_249, %dma_start3A_250] : memref<131072x128xf32, #tpu.memory_space<hbm>> -> memref<128x128xf32, #tpu.memory_space<hbm>>
        %dma_start3A_252 = arith.constant 0 : i32
        %dma_start3A_253 = tpu.memref_slice %arg5[%add3A_249, %dma_start3A_252] : memref<131072x128xf32, #tpu.memory_space<hbm>> -> memref<128x128xf32, #tpu.memory_space<hbm>>
        tpu.enqueue_dma source(%arg10 : memref<128x128xf32, #tpu.memory_space<vmem>>) target(%dma_start3A_253 : memref<128x128xf32, #tpu.memory_space<hbm>>) target_semaphore(%run_scoped3A : memref<!tpu.dma_semaphore, #tpu.memory_space<semaphore_mem>>)
        %dma_wait3A_254 = arith.constant 0 : i32
        %dma_wait3A_255 = tpu.memref_slice %arg5[%add3A_249, %dma_wait3A_254] : memref<131072x128xf32, #tpu.memory_space<hbm>> -> memref<128x128xf32, #tpu.memory_space<hbm>>
        %dma_wait3A_256 = arith.constant 0 : i32
        %dma_wait3A_257 = tpu.memref_slice %arg5[%add3A_249, %dma_wait3A_256] : memref<131072x128xf32, #tpu.memory_space<hbm>> -> memref<128x128xf32, #tpu.memory_space<hbm>>
        tpu.wait_dma2 semaphore(%run_scoped3A : memref<!tpu.dma_semaphore, #tpu.memory_space<semaphore_mem>>) src(%arg10 : memref<128x128xf32, #tpu.memory_space<vmem>>) dst(%dma_wait3A_257 : memref<128x128xf32, #tpu.memory_space<hbm>>)
        tpu.yield
      }) : () -> ()
      "tpu.region"() ({
        %run_scoped3A = tpu.sem_alloc : memref<!tpu.dma_semaphore, #tpu.memory_space<semaphore_mem>>
        %dma_start3A_250 = arith.constant 0 : i32
        %dma_start3A_251 = tpu.memref_slice %arg6[%add3A_249, %dma_start3A_250] : memref<131072x128xf32, #tpu.memory_space<hbm>> -> memref<128x128xf32, #tpu.memory_space<hbm>>
        %dma_start3A_252 = arith.constant 0 : i32
        %dma_start3A_253 = tpu.memref_slice %arg6[%add3A_249, %dma_start3A_252] : memref<131072x128xf32, #tpu.memory_space<hbm>> -> memref<128x128xf32, #tpu.memory_space<hbm>>
        tpu.enqueue_dma source(%arg11 : memref<128x128xf32, #tpu.memory_space<vmem>>) target(%dma_start3A_253 : memref<128x128xf32, #tpu.memory_space<hbm>>) target_semaphore(%run_scoped3A : memref<!tpu.dma_semaphore, #tpu.memory_space<semaphore_mem>>)
        %dma_wait3A_254 = arith.constant 0 : i32
        %dma_wait3A_255 = tpu.memref_slice %arg6[%add3A_249, %dma_wait3A_254] : memref<131072x128xf32, #tpu.memory_space<hbm>> -> memref<128x128xf32, #tpu.memory_space<hbm>>
        %dma_wait3A_256 = arith.constant 0 : i32
        %dma_wait3A_257 = tpu.memref_slice %arg6[%add3A_249, %dma_wait3A_256] : memref<131072x128xf32, #tpu.memory_space<hbm>> -> memref<128x128xf32, #tpu.memory_space<hbm>>
        tpu.wait_dma2 semaphore(%run_scoped3A : memref<!tpu.dma_semaphore, #tpu.memory_space<semaphore_mem>>) src(%arg11 : memref<128x128xf32, #tpu.memory_space<vmem>>) dst(%dma_wait3A_257 : memref<128x128xf32, #tpu.memory_space<hbm>>)
        tpu.yield
      }) : () -> ()
    }
    %scan3A_67 = arith.constant 8 : i32
    %mul3A_68 = arith.constant 4 : i32
    %mul3A_69 = arith.muli %add3A, %mul3A_68 : i32
    %add3A_70 = arith.constant 0 : i32
    %add3A_71 = arith.addi %mul3A_69, %add3A_70 : i32
    %mul3A_72 = arith.constant 4096 : i32
    %mul3A_73 = arith.muli %add3A_71, %mul3A_72 : i32
    %add3A_74 = arith.constant 3584 : i32
    %add3A_75 = arith.addi %mul3A_73, %add3A_74 : i32
    %add3A_76 = arith.constant 0 : i32
    %add3A_77 = arith.addi %add3A_75, %add3A_76 : i32
    %dma_wait3A_78 = arith.constant 0 : i32
    %dma_wait3A_79 = tpu.memref_slice %arg2[%add3A_77, %dma_wait3A_78] : memref<524288x128xf32, #tpu.memory_space<hbm>> -> memref<128x128xf32, #tpu.memory_space<hbm>>
    %dma_wait3A_80 = arith.constant 0 : i32
    %dma_wait3A_81 = tpu.memref_slice %arg2[%add3A_77, %dma_wait3A_80] : memref<524288x128xf32, #tpu.memory_space<hbm>> -> memref<128x128xf32, #tpu.memory_space<hbm>>
    tpu.wait_dma2 semaphore(%arg12 : memref<!tpu.dma_semaphore, #tpu.memory_space<semaphore_mem>>) src(%dma_wait3A_81 : memref<128x128xf32, #tpu.memory_space<hbm>>) dst(%arg8 : memref<128x128xf32, #tpu.memory_space<vmem>>)
    %mul3A_82 = arith.constant 4 : i32
    %mul3A_83 = arith.muli %add3A, %mul3A_82 : i32
    %add3A_84 = arith.constant 0 : i32
    %add3A_85 = arith.addi %mul3A_83, %add3A_84 : i32
    %mul3A_86 = arith.constant 4096 : i32
    %mul3A_87 = arith.muli %add3A_85, %mul3A_86 : i32
    %add3A_88 = arith.constant 3584 : i32
    %add3A_89 = arith.addi %mul3A_87, %add3A_88 : i32
    %add3A_90 = arith.constant 0 : i32
    %add3A_91 = arith.addi %add3A_89, %add3A_90 : i32
    %dma_wait3A_92 = arith.constant 0 : i32
    %dma_wait3A_93 = tpu.memref_slice %arg3[%add3A_91, %dma_wait3A_92] : memref<524288x128xf32, #tpu.memory_space<hbm>> -> memref<128x128xf32, #tpu.memory_space<hbm>>
    %dma_wait3A_94 = arith.constant 0 : i32
    %dma_wait3A_95 = tpu.memref_slice %arg3[%add3A_91, %dma_wait3A_94] : memref<524288x128xf32, #tpu.memory_space<hbm>> -> memref<128x128xf32, #tpu.memory_space<hbm>>
    tpu.wait_dma2 semaphore(%arg12 : memref<!tpu.dma_semaphore, #tpu.memory_space<semaphore_mem>>) src(%dma_wait3A_95 : memref<128x128xf32, #tpu.memory_space<hbm>>) dst(%arg9 : memref<128x128xf32, #tpu.memory_space<vmem>>)
    return
  }
}

module attributes {stable_mosaic.version = 14 : i64} {
  func.func @_tc_search_body(%arg0: memref<8x16x4x32x128xf32, #tpu.memory_space<vmem>>, %arg1: memref<8x32x128xf32, #tpu.memory_space<vmem>>, %arg2: memref<8x1x1xi32, #tpu.memory_space<vmem>>) attributes {dimension_semantics = [], scalar_prefetch = 0 : i64, scratch_operands = 0 : i64, tpu.core_type = #tpu.core_type<tc>} {
    %get3A = arith.constant 0 : index
    %get3A_0 = arith.constant 0 : index
    %get3A_1 = arith.constant 0 : index
    %get3A_2 = arith.constant 0 : index
    %get3A_3 = arith.constant 0 : index
    %get3A_4 = vector.load %arg0[%get3A, %get3A_0, %get3A_1, %get3A_2, %get3A_3] : memref<8x16x4x32x128xf32, #tpu.memory_space<vmem>>, vector<8x16x4x32x128xf32>
    %reduce_sum3A = arith.constant dense<0.000000e+00> : vector<8x16x32x128xf32>
    %reduce_sum3A_5 = vector.multi_reduction <add>, %get3A_4, %reduce_sum3A [2] : vector<8x16x4x32x128xf32> to vector<8x16x32x128xf32>
    %reduce_sum3A_6 = arith.constant dense<0.000000e+00> : vector<8x32x128xf32>
    %reduce_sum3A_7 = vector.multi_reduction <add>, %reduce_sum3A_5, %reduce_sum3A_6 [1] : vector<8x16x32x128xf32> to vector<8x32x128xf32>
    %div3A = arith.constant 1.600000e+01 : f32
    %div3A_8 = vector.broadcast %div3A : f32 to vector<8x32x128xf32>
    %div3A_9 = arith.divf %reduce_sum3A_7, %div3A_8 : vector<8x32x128xf32>
    %swap3A = arith.constant 0 : index
    %swap3A_10 = arith.constant 0 : index
    %swap3A_11 = arith.constant 0 : index
    %swap3A_12 = vector.load %arg1[%swap3A, %swap3A_10, %swap3A_11] : memref<8x32x128xf32, #tpu.memory_space<vmem>>, vector<8x32x128xf32>
    tpu.vector_store %arg1[%swap3A, %swap3A_10, %swap3A_11], %div3A_9 {strides = array<i32>} : memref<8x32x128xf32, #tpu.memory_space<vmem>>, vector<8x32x128xf32>,
    %iota3A = tpu.iota {dimensions = array<i32: 1>} : vector<8x32x128xi32>
    %iota3A_13 = tpu.iota {dimensions = array<i32: 2>} : vector<8x32x128xi32>
    %mul3A = arith.constant 128 : i32
    %mul3A_14 = vector.broadcast %mul3A : i32 to vector<8x32x128xi32>
    %mul3A_15 = arith.muli %iota3A, %mul3A_14 : vector<8x32x128xi32>
    %add3A = arith.addi %mul3A_15, %iota3A_13 : vector<8x32x128xi32>
    %lt3A = arith.constant 3584 : i32
    %lt3A_16 = vector.broadcast %lt3A : i32 to vector<8x32x128xi32>
    %lt3A_17 = arith.cmpi slt, %add3A, %lt3A_16 : vector<8x32x128xi32>
    %bitcast_convert_type3A = tpu.bitcast %div3A_9 : vector<8x32x128xf32> -> vector<8x32x128xi32>
    %jit3A = arith.constant -1 : i32
    %broadcast_in_dim3A = vector.broadcast %jit3A : i32 to vector<8x32x128xi32>
    %select_n3A = arith.select %lt3A_17, %bitcast_convert_type3A, %broadcast_in_dim3A : vector<8x32x128xi1>, vector<8x32x128xi32>
    %broadcast_in_dim3A_18 = arith.constant 0 : i32
    %broadcast_in_dim3A_19 = vector.broadcast %broadcast_in_dim3A_18 : i32 to vector<8x1xi32>
    %scan3A = arith.constant 0 : i32
    %scan3A_20 = arith.constant 31 : i32
    %scan3A_21 = arith.addi %scan3A, %scan3A_20 : i32
    %scan3A_22 = arith.constant 1 : i32
    %scan3A_23 = scf.for %scan3A_30 = %scan3A to %scan3A_21 step %scan3A_22 iter_args(%scan3A_31 = %broadcast_in_dim3A_19) -> (vector<8x1xi32>)  : i32 {
      %sub3A = arith.constant 30 : i32
      %sub3A_32 = arith.subi %sub3A, %scan3A_30 : i32
      %shift_left3A = arith.constant 1 : i32
      %shift_left3A_33 = arith.shli %shift_left3A, %sub3A_32 : i32
      %or3A = vector.broadcast %shift_left3A_33 : i32 to vector<8x1xi32>
      %or3A_34 = arith.ori %scan3A_31, %or3A : vector<8x1xi32>
      %broadcast_in_dim3A_35 = vector.shape_cast %or3A_34 : vector<8x1xi32> to vector<8x1x1xi32>
      %ge3A = vector.broadcast %broadcast_in_dim3A_35 : vector<8x1x1xi32> to vector<8x32x128xi32>
      %ge3A_36 = arith.cmpi sge, %select_n3A, %ge3A : vector<8x32x128xi32>
      %convert_element_type3A = arith.extui %ge3A_36 : vector<8x32x128xi1> to vector<8x32x128xi32>
      %reduce_sum3A_37 = arith.constant dense<0> : vector<8x32xi32>
      %reduce_sum3A_38 = vector.multi_reduction <add>, %convert_element_type3A, %reduce_sum3A_37 [2] : vector<8x32x128xi32> to vector<8x32xi32>
      %reduce_sum3A_39 = arith.constant dense<0> : vector<8xi32>
      %reduce_sum3A_40 = vector.multi_reduction <add>, %reduce_sum3A_38, %reduce_sum3A_39 [1] : vector<8x32xi32> to vector<8xi32>
      %broadcast_in_dim3A_41 = vector.shape_cast %reduce_sum3A_40 : vector<8xi32> to vector<8x1xi32>
      %ge3A_42 = arith.constant 512 : i32
      %ge3A_43 = vector.broadcast %ge3A_42 : i32 to vector<8x1xi32>
      %ge3A_44 = arith.cmpi sge, %broadcast_in_dim3A_41, %ge3A_43 : vector<8x1xi32>
      %select_n3A_45 = arith.select %ge3A_44, %or3A_34, %scan3A_31 : vector<8x1xi1>, vector<8x1xi32>
      scf.yield %select_n3A_45 : vector<8x1xi32>
    }
    %scan3A_24 = arith.constant 31 : i32
    %broadcast_in_dim3A_25 = vector.shape_cast %scan3A_23 : vector<8x1xi32> to vector<8x1x1xi32>
    %swap3A_26 = arith.constant 0 : index
    %swap3A_27 = arith.constant 0 : index
    %swap3A_28 = arith.constant 0 : index
    %swap3A_29 = vector.load %arg2[%swap3A_26, %swap3A_27, %swap3A_28] : memref<8x1x1xi32, #tpu.memory_space<vmem>>, vector<8x1x1xi32>
    tpu.vector_store %arg2[%swap3A_26, %swap3A_27, %swap3A_28], %broadcast_in_dim3A_25 {strides = array<i32>} : memref<8x1x1xi32, #tpu.memory_space<vmem>>, vector<8x1x1xi32>,
    return
  }
}

module attributes {stable_mosaic.version = 14 : i64} {
  func.func @_tc_select_body(%arg0: i32, %arg1: memref<1x32x128xf32, #tpu.memory_space<vmem>>, %arg2: memref<1x1x1xi32, #tpu.memory_space<smem>>, %arg3: memref<1x16x4x128xi32, #tpu.memory_space<vmem>>, %arg4: memref<1x8x128xf32, #tpu.memory_space<vmem>>, %arg5: memref<1x8x128xf32, #tpu.memory_space<vmem>>) attributes {dimension_semantics = [#tpu.dimension_semantics<arbitrary>], iteration_bounds = array<i64: 8>, scalar_prefetch = 0 : i64, scratch_operands = 0 : i64, tpu.core_type = #tpu.core_type<tc>, window_params = [{transform_indices = @transform_0, window_bounds = array<i64: 1, 32, 128>}, {transform_indices = @transform_1, window_bounds = array<i64: 1, 1, 1>}, {transform_indices = @transform_2, window_bounds = array<i64: 1, 16, 4, 128>}, {transform_indices = @transform_3, window_bounds = array<i64: 1, 8, 128>}, {transform_indices = @transform_4, window_bounds = array<i64: 1, 8, 128>}]} {
    %get3A = arith.constant 0 : index
    %get3A_0 = arith.constant 0 : index
    %get3A_1 = arith.constant 0 : index
    %get3A_2 = vector.load %arg1[%get3A, %get3A_0, %get3A_1] : memref<1x32x128xf32, #tpu.memory_space<vmem>>, vector<1x32x128xf32>
    %get3A_3 = vector.shape_cast %get3A_2 : vector<1x32x128xf32> to vector<32x128xf32>
    %iota3A = tpu.iota {dimensions = array<i32: 0>} : vector<32x128xi32>
    %iota3A_4 = tpu.iota {dimensions = array<i32: 1>} : vector<32x128xi32>
    %mul3A = arith.constant 128 : i32
    %mul3A_5 = vector.broadcast %mul3A : i32 to vector<32x128xi32>
    %mul3A_6 = arith.muli %iota3A, %mul3A_5 : vector<32x128xi32>
    %add3A = arith.addi %mul3A_6, %iota3A_4 : vector<32x128xi32>
    %lt3A = arith.constant 3584 : i32
    %lt3A_7 = vector.broadcast %lt3A : i32 to vector<32x128xi32>
    %lt3A_8 = arith.cmpi slt, %add3A, %lt3A_7 : vector<32x128xi32>
    %bitcast_convert_type3A = tpu.bitcast %get3A_3 : vector<32x128xf32> -> vector<32x128xi32>
    %jit3A = arith.constant -1 : i32
    %broadcast_in_dim3A = vector.broadcast %jit3A : i32 to vector<32x128xi32>
    %select_n3A = arith.select %lt3A_8, %bitcast_convert_type3A, %broadcast_in_dim3A : vector<32x128xi1>, vector<32x128xi32>
    %get3A_9 = arith.constant 0 : index
    %get3A_10 = arith.constant 0 : index
    %get3A_11 = arith.constant 0 : index
    %get3A_12 = memref.load %arg2[%get3A_9, %get3A_10, %get3A_11] : memref<1x1x1xi32, #tpu.memory_space<smem>>
    %gt3A = vector.broadcast %get3A_12 : i32 to vector<32x128xi32>
    %gt3A_13 = arith.cmpi sgt, %select_n3A, %gt3A : vector<32x128xi32>
    %eq3A = vector.broadcast %get3A_12 : i32 to vector<32x128xi32>
    %eq3A_14 = arith.cmpi eq, %select_n3A, %eq3A : vector<32x128xi32>
    %convert_element_type3A = arith.extui %gt3A_13 : vector<32x128xi1> to vector<32x128xi32>
    %reduce_sum3A = vector.shape_cast %convert_element_type3A : vector<32x128xi32> to vector<1x32x128xi32>
    %reduce_sum3A_15 = arith.constant dense<0> : vector<1xi32>
    %reduce_sum3A_16 = vector.multi_reduction <add>, %reduce_sum3A, %reduce_sum3A_15 [1, 2] : vector<1x32x128xi32> to vector<1xi32>
    %reduce_sum3A_17 = vector.shape_cast %reduce_sum3A_16 : vector<1xi32> to vector<1x1x1xi32>
    %reduce_sum3A_18 = vector.extract %reduce_sum3A_17[0, 0, 0] : i32 from vector<1x1x1xi32>
    %sub3A = arith.constant 512 : i32
    %sub3A_19 = arith.subi %sub3A, %reduce_sum3A_18 : i32
    %convert_element_type3A_20 = arith.sitofp %sub3A_19 : i32 to f32
    %iota3A_21 = tpu.iota {dimensions = array<i32: 0>} : vector<128x128xi32>
    %iota3A_22 = tpu.iota {dimensions = array<i32: 1>} : vector<128x128xi32>
    %lt3A_23 = arith.cmpi slt, %iota3A_21, %iota3A_22 : vector<128x128xi32>
    %convert_element_type3A_24 = arith.extui %lt3A_23 : vector<128x128xi1> to vector<128x128xi32>
    %convert_element_type3A_25 = arith.sitofp %convert_element_type3A_24 : vector<128x128xi32> to vector<128x128xf32>
    %iota3A_26 = tpu.iota {dimensions = array<i32: 1>} : vector<32x32xi32>
    %iota3A_27 = tpu.iota {dimensions = array<i32: 0>} : vector<32x32xi32>
    %lt3A_28 = arith.cmpi slt, %iota3A_26, %iota3A_27 : vector<32x32xi32>
    %convert_element_type3A_29 = arith.extui %lt3A_28 : vector<32x32xi1> to vector<32x32xi32>
    %convert_element_type3A_30 = arith.sitofp %convert_element_type3A_29 : vector<32x32xi32> to vector<32x32xf32>
    %convert_element_type3A_31 = arith.extui %eq3A_14 : vector<32x128xi1> to vector<32x128xi32>
    %convert_element_type3A_32 = arith.sitofp %convert_element_type3A_31 : vector<32x128xi32> to vector<32x128xf32>
    %dot_general3A = arith.constant dense<0.000000e+00> : vector<32x128xf32>
    %dot_general3A_33 = tpu.matmul %convert_element_type3A_32, %convert_element_type3A_25, %dot_general3A {dimension_numbers = #tpu.dot_dimension_numbers<[1], [0], [0], [1], [0, 0, 1, 1], [], []>, precision = #tpu.contract_precision<fp32>, transpose_lhs_hint = false} : vector<32x128xf32>, vector<128x128xf32>, vector<32x128xf32> -> vector<32x128xf32>
    %reduce_sum3A_34 = arith.constant dense<0.000000e+00> : vector<32xf32>
    %reduce_sum3A_35 = vector.multi_reduction <add>, %convert_element_type3A_32, %reduce_sum3A_34 [1] : vector<32x128xf32> to vector<32xf32>
    %broadcast_in_dim3A_36 = vector.shape_cast %reduce_sum3A_35 : vector<32xf32> to vector<32x1xf32>
    %dot_general3A_37 = arith.constant dense<0.000000e+00> : vector<32x1xf32>
    %dot_general3A_38 = tpu.matmul %convert_element_type3A_30, %broadcast_in_dim3A_36, %dot_general3A_37 {dimension_numbers = #tpu.dot_dimension_numbers<[1], [0], [0], [1], [0, 0, 1, 1], [], []>, precision = #tpu.contract_precision<fp32>, transpose_lhs_hint = false} : vector<32x32xf32>, vector<32x1xf32>, vector<32x1xf32> -> vector<32x1xf32>
    %add3A_39 = vector.broadcast %dot_general3A_38 : vector<32x1xf32> to vector<32x128xf32>
    %add3A_40 = arith.addf %dot_general3A_33, %add3A_39 : vector<32x128xf32>
    %lt3A_41 = vector.broadcast %convert_element_type3A_20 : f32 to vector<32x128xf32>
    %lt3A_42 = arith.cmpf olt, %add3A_40, %lt3A_41 : vector<32x128xf32>
    %and3A = arith.andi %eq3A_14, %lt3A_42 : vector<32x128xi1>
    %or3A = arith.ori %gt3A_13, %and3A : vector<32x128xi1>
    %convert_element_type3A_43 = arith.extui %or3A : vector<32x128xi1> to vector<32x128xi32>
    %convert_element_type3A_44 = arith.sitofp %convert_element_type3A_43 : vector<32x128xi32> to vector<32x128xf32>
    %dot_general3A_45 = arith.constant dense<0.000000e+00> : vector<32x128xf32>
    %dot_general3A_46 = tpu.matmul %convert_element_type3A_44, %convert_element_type3A_25, %dot_general3A_45 {dimension_numbers = #tpu.dot_dimension_numbers<[1], [0], [0], [1], [0, 0, 1, 1], [], []>, precision = #tpu.contract_precision<fp32>, transpose_lhs_hint = false} : vector<32x128xf32>, vector<128x128xf32>, vector<32x128xf32> -> vector<32x128xf32>
    %reduce_sum3A_47 = arith.constant dense<0.000000e+00> : vector<32xf32>
    %reduce_sum3A_48 = vector.multi_reduction <add>, %convert_element_type3A_44, %reduce_sum3A_47 [1] : vector<32x128xf32> to vector<32xf32>
    %broadcast_in_dim3A_49 = vector.shape_cast %reduce_sum3A_48 : vector<32xf32> to vector<32x1xf32>
    %dot_general3A_50 = arith.constant dense<0.000000e+00> : vector<32x1xf32>
    %dot_general3A_51 = tpu.matmul %convert_element_type3A_30, %broadcast_in_dim3A_49, %dot_general3A_50 {dimension_numbers = #tpu.dot_dimension_numbers<[1], [0], [0], [1], [0, 0, 1, 1], [], []>, precision = #tpu.contract_precision<fp32>, transpose_lhs_hint = false} : vector<32x32xf32>, vector<32x1xf32>, vector<32x1xf32> -> vector<32x1xf32>
    %add3A_52 = vector.broadcast %dot_general3A_51 : vector<32x1xf32> to vector<32x128xf32>
    %add3A_53 = arith.addf %dot_general3A_46, %add3A_52 : vector<32x128xf32>
    %convert_element_type3A_54 = arith.fptosi %add3A_53 : vector<32x128xf32> to vector<32x128xi32>
    %shift_right_arithmetic3A = arith.constant 7 : i32
    %shift_right_arithmetic3A_55 = vector.broadcast %shift_right_arithmetic3A : i32 to vector<32x128xi32>
    %shift_right_arithmetic3A_56 = arith.shrsi %convert_element_type3A_54, %shift_right_arithmetic3A_55 : vector<32x128xi32>
    %and3A_57 = arith.constant 127 : i32
    %and3A_58 = vector.broadcast %and3A_57 : i32 to vector<32x128xi32>
    %and3A_59 = arith.andi %convert_element_type3A_54, %and3A_58 : vector<32x128xi32>
    %jit3A_60 = arith.constant -1 : i32
    %broadcast_in_dim3A_61 = vector.broadcast %jit3A_60 : i32 to vector<32x128xi32>
    %select_n3A_62 = arith.select %or3A, %and3A_59, %broadcast_in_dim3A_61 : vector<32x128xi1>, vector<32x128xi32>
    %convert_element_type3A_63 = arith.sitofp %shift_right_arithmetic3A_56 : vector<32x128xi32> to vector<32x128xf32>
    %convert_element_type3A_64 = arith.sitofp %select_n3A_62 : vector<32x128xi32> to vector<32x128xf32>
    %and3A_65 = arith.constant 255 : i32
    %and3A_66 = vector.broadcast %and3A_65 : i32 to vector<32x128xi32>
    %and3A_67 = arith.andi %bitcast_convert_type3A, %and3A_66 : vector<32x128xi32>
    %convert_element_type3A_68 = arith.sitofp %and3A_67 : vector<32x128xi32> to vector<32x128xf32>
    %shift_right_arithmetic3A_69 = arith.constant 8 : i32
    %shift_right_arithmetic3A_70 = vector.broadcast %shift_right_arithmetic3A_69 : i32 to vector<32x128xi32>
    %shift_right_arithmetic3A_71 = arith.shrsi %bitcast_convert_type3A, %shift_right_arithmetic3A_70 : vector<32x128xi32>
    %and3A_72 = arith.constant 255 : i32
    %and3A_73 = vector.broadcast %and3A_72 : i32 to vector<32x128xi32>
    %and3A_74 = arith.andi %shift_right_arithmetic3A_71, %and3A_73 : vector<32x128xi32>
    %convert_element_type3A_75 = arith.sitofp %and3A_74 : vector<32x128xi32> to vector<32x128xf32>
    %shift_right_arithmetic3A_76 = arith.constant 16 : i32
    %shift_right_arithmetic3A_77 = vector.broadcast %shift_right_arithmetic3A_76 : i32 to vector<32x128xi32>
    %shift_right_arithmetic3A_78 = arith.shrsi %bitcast_convert_type3A, %shift_right_arithmetic3A_77 : vector<32x128xi32>
    %and3A_79 = arith.constant 255 : i32
    %and3A_80 = vector.broadcast %and3A_79 : i32 to vector<32x128xi32>
    %and3A_81 = arith.andi %shift_right_arithmetic3A_78, %and3A_80 : vector<32x128xi32>
    %convert_element_type3A_82 = arith.sitofp %and3A_81 : vector<32x128xi32> to vector<32x128xf32>
    %shift_right_arithmetic3A_83 = arith.constant 24 : i32
    %shift_right_arithmetic3A_84 = vector.broadcast %shift_right_arithmetic3A_83 : i32 to vector<32x128xi32>
    %shift_right_arithmetic3A_85 = arith.shrsi %bitcast_convert_type3A, %shift_right_arithmetic3A_84 : vector<32x128xi32>
    %and3A_86 = arith.constant 127 : i32
    %and3A_87 = vector.broadcast %and3A_86 : i32 to vector<32x128xi32>
    %and3A_88 = arith.andi %shift_right_arithmetic3A_85, %and3A_87 : vector<32x128xi32>
    %convert_element_type3A_89 = arith.sitofp %and3A_88 : vector<32x128xi32> to vector<32x128xf32>
    %convert_element_type3A_90 = arith.sitofp %iota3A_4 : vector<32x128xi32> to vector<32x128xf32>
    %iota3A_91 = tpu.iota {dimensions = array<i32: 0>} : vector<128x128xi32>
    %convert_element_type3A_92 = arith.sitofp %iota3A_91 : vector<128x128xi32> to vector<128x128xf32>
    %broadcast_in_dim3A_93 = arith.constant 0.000000e+00 : f32
    %broadcast_in_dim3A_94 = vector.broadcast %broadcast_in_dim3A_93 : f32 to vector<6x128xf32>
    %broadcast_in_dim3A_95 = arith.constant 0.000000e+00 : f32
    %broadcast_in_dim3A_96 = vector.broadcast %broadcast_in_dim3A_95 : f32 to vector<6x128xf32>
    %broadcast_in_dim3A_97 = arith.constant 0.000000e+00 : f32
    %broadcast_in_dim3A_98 = vector.broadcast %broadcast_in_dim3A_97 : f32 to vector<6x128xf32>
    %broadcast_in_dim3A_99 = arith.constant 0.000000e+00 : f32
    %broadcast_in_dim3A_100 = vector.broadcast %broadcast_in_dim3A_99 : f32 to vector<6x128xf32>
    %slice3A = vector.extract_strided_slice %convert_element_type3A_64 {offsets = [0, 0], sizes = [1, 128], strides = [1, 1]} : vector<32x128xf32> to vector<1x128xf32>
    %slice3A_101 = vector.extract_strided_slice %convert_element_type3A_63 {offsets = [0, 0], sizes = [1, 128], strides = [1, 1]} : vector<32x128xf32> to vector<1x128xf32>
    %eq3A_102 = vector.broadcast %slice3A : vector<1x128xf32> to vector<128x128xf32>
    %eq3A_103 = arith.cmpf oeq, %convert_element_type3A_92, %eq3A_102 : vector<128x128xf32>
    %jit3A_104 = arith.constant 1.000000e+00 : f32
    %jit3A_105 = arith.constant 0.000000e+00 : f32
    %broadcast_in_dim3A_106 = vector.broadcast %jit3A_104 : f32 to vector<128x128xf32>
    %broadcast_in_dim3A_107 = vector.broadcast %jit3A_105 : f32 to vector<128x128xf32>
    %select_n3A_108 = arith.select %eq3A_103, %broadcast_in_dim3A_106, %broadcast_in_dim3A_107 : vector<128x128xi1>, vector<128x128xf32>
    %broadcast_in_dim3A_109 = arith.constant 0.000000e+00 : f32
    %broadcast_in_dim3A_110 = vector.broadcast %broadcast_in_dim3A_109 : f32 to vector<1x128xf32>
    %slice3A_111 = vector.extract_strided_slice %convert_element_type3A_90 {offsets = [0, 0], sizes = [1, 128], strides = [1, 1]} : vector<32x128xf32> to vector<1x128xf32>
    %slice3A_112 = vector.extract_strided_slice %convert_element_type3A_68 {offsets = [0, 0], sizes = [1, 128], strides = [1, 1]} : vector<32x128xf32> to vector<1x128xf32>
    %slice3A_113 = vector.extract_strided_slice %convert_element_type3A_75 {offsets = [0, 0], sizes = [1, 128], strides = [1, 1]} : vector<32x128xf32> to vector<1x128xf32>
    %slice3A_114 = vector.extract_strided_slice %convert_element_type3A_82 {offsets = [0, 0], sizes = [1, 128], strides = [1, 1]} : vector<32x128xf32> to vector<1x128xf32>
    %slice3A_115 = vector.extract_strided_slice %convert_element_type3A_89 {offsets = [0, 0], sizes = [1, 128], strides = [1, 1]} : vector<32x128xf32> to vector<1x128xf32>
    %concatenate3A = tpu.concatenate %broadcast_in_dim3A_110, %slice3A_111, %slice3A_112, %slice3A_113, %slice3A_114, %slice3A_115 in 0 : vector<1x128xf32>, vector<1x128xf32>, vector<1x128xf32>, vector<1x128xf32>, vector<1x128xf32>, vector<1x128xf32> -> vector<6x128xf32>
    %eq3A_116 = arith.constant 0.000000e+00 : f32
    %eq3A_117 = vector.broadcast %eq3A_116 : f32 to vector<1x128xf32>
    %eq3A_118 = arith.cmpf oeq, %slice3A_101, %eq3A_117 : vector<1x128xf32>
    %jit3A_119 = arith.constant 1.000000e+00 : f32
    %jit3A_120 = arith.constant 0.000000e+00 : f32
    %broadcast_in_dim3A_121 = vector.broadcast %jit3A_119 : f32 to vector<1x128xf32>
    %broadcast_in_dim3A_122 = vector.broadcast %jit3A_120 : f32 to vector<1x128xf32>
    %select_n3A_123 = arith.select %eq3A_118, %broadcast_in_dim3A_121, %broadcast_in_dim3A_122 : vector<1x128xi1>, vector<1x128xf32>
    %mul3A_124 = vector.broadcast %select_n3A_123 : vector<1x128xf32> to vector<6x128xf32>
    %mul3A_125 = arith.mulf %concatenate3A, %mul3A_124 : vector<6x128xf32>
    %dot_general3A_126 = arith.constant dense<0.000000e+00> : vector<6x128xf32>
    %dot_general3A_127 = tpu.matmul %mul3A_125, %select_n3A_108, %dot_general3A_126 {dimension_numbers = #tpu.dot_dimension_numbers<[1], [1], [0], [0], [0, 0, 1, 0], [], []>, transpose_lhs_hint = false} : vector<6x128xf32>, vector<128x128xf32>, vector<6x128xf32> -> vector<6x128xf32>
    %add3A_128 = arith.addf %broadcast_in_dim3A_94, %dot_general3A_127 : vector<6x128xf32>
    %eq3A_129 = arith.constant 1.000000e+00 : f32
    %eq3A_130 = vector.broadcast %eq3A_129 : f32 to vector<1x128xf32>
    %eq3A_131 = arith.cmpf oeq, %slice3A_101, %eq3A_130 : vector<1x128xf32>
    %jit3A_132 = arith.constant 1.000000e+00 : f32
    %jit3A_133 = arith.constant 0.000000e+00 : f32
    %broadcast_in_dim3A_134 = vector.broadcast %jit3A_132 : f32 to vector<1x128xf32>
    %broadcast_in_dim3A_135 = vector.broadcast %jit3A_133 : f32 to vector<1x128xf32>
    %select_n3A_136 = arith.select %eq3A_131, %broadcast_in_dim3A_134, %broadcast_in_dim3A_135 : vector<1x128xi1>, vector<1x128xf32>
    %mul3A_137 = vector.broadcast %select_n3A_136 : vector<1x128xf32> to vector<6x128xf32>
    %mul3A_138 = arith.mulf %concatenate3A, %mul3A_137 : vector<6x128xf32>
    %dot_general3A_139 = arith.constant dense<0.000000e+00> : vector<6x128xf32>
    %dot_general3A_140 = tpu.matmul %mul3A_138, %select_n3A_108, %dot_general3A_139 {dimension_numbers = #tpu.dot_dimension_numbers<[1], [1], [0], [0], [0, 0, 1, 0], [], []>, transpose_lhs_hint = false} : vector<6x128xf32>, vector<128x128xf32>, vector<6x128xf32> -> vector<6x128xf32>
    %add3A_141 = arith.addf %broadcast_in_dim3A_96, %dot_general3A_140 : vector<6x128xf32>
    %eq3A_142 = arith.constant 2.000000e+00 : f32
    %eq3A_143 = vector.broadcast %eq3A_142 : f32 to vector<1x128xf32>
    %eq3A_144 = arith.cmpf oeq, %slice3A_101, %eq3A_143 : vector<1x128xf32>
    %jit3A_145 = arith.constant 1.000000e+00 : f32
    %jit3A_146 = arith.constant 0.000000e+00 : f32
    %broadcast_in_dim3A_147 = vector.broadcast %jit3A_145 : f32 to vector<1x128xf32>
    %broadcast_in_dim3A_148 = vector.broadcast %jit3A_146 : f32 to vector<1x128xf32>
    %select_n3A_149 = arith.select %eq3A_144, %broadcast_in_dim3A_147, %broadcast_in_dim3A_148 : vector<1x128xi1>, vector<1x128xf32>
    %mul3A_150 = vector.broadcast %select_n3A_149 : vector<1x128xf32> to vector<6x128xf32>
    %mul3A_151 = arith.mulf %concatenate3A, %mul3A_150 : vector<6x128xf32>
    %dot_general3A_152 = arith.constant dense<0.000000e+00> : vector<6x128xf32>
    %dot_general3A_153 = tpu.matmul %mul3A_151, %select_n3A_108, %dot_general3A_152 {dimension_numbers = #tpu.dot_dimension_numbers<[1], [1], [0], [0], [0, 0, 1, 0], [], []>, transpose_lhs_hint = false} : vector<6x128xf32>, vector<128x128xf32>, vector<6x128xf32> -> vector<6x128xf32>
    %add3A_154 = arith.addf %broadcast_in_dim3A_98, %dot_general3A_153 : vector<6x128xf32>
    %eq3A_155 = arith.constant 3.000000e+00 : f32
    %eq3A_156 = vector.broadcast %eq3A_155 : f32 to vector<1x128xf32>
    %eq3A_157 = arith.cmpf oeq, %slice3A_101, %eq3A_156 : vector<1x128xf32>
    %jit3A_158 = arith.constant 1.000000e+00 : f32
    %jit3A_159 = arith.constant 0.000000e+00 : f32
    %broadcast_in_dim3A_160 = vector.broadcast %jit3A_158 : f32 to vector<1x128xf32>
    %broadcast_in_dim3A_161 = vector.broadcast %jit3A_159 : f32 to vector<1x128xf32>
    %select_n3A_162 = arith.select %eq3A_157, %broadcast_in_dim3A_160, %broadcast_in_dim3A_161 : vector<1x128xi1>, vector<1x128xf32>
    %mul3A_163 = vector.broadcast %select_n3A_162 : vector<1x128xf32> to vector<6x128xf32>
    %mul3A_164 = arith.mulf %concatenate3A, %mul3A_163 : vector<6x128xf32>
    %dot_general3A_165 = arith.constant dense<0.000000e+00> : vector<6x128xf32>
    %dot_general3A_166 = tpu.matmul %mul3A_164, %select_n3A_108, %dot_general3A_165 {dimension_numbers = #tpu.dot_dimension_numbers<[1], [1], [0], [0], [0, 0, 1, 0], [], []>, transpose_lhs_hint = false} : vector<6x128xf32>, vector<128x128xf32>, vector<6x128xf32> -> vector<6x128xf32>
    %add3A_167 = arith.addf %broadcast_in_dim3A_100, %dot_general3A_166 : vector<6x128xf32>
    %slice3A_168 = vector.extract_strided_slice %convert_element_type3A_64 {offsets = [1, 0], sizes = [1, 128], strides = [1, 1]} : vector<32x128xf32> to vector<1x128xf32>
    %slice3A_169 = vector.extract_strided_slice %convert_element_type3A_63 {offsets = [1, 0], sizes = [1, 128], strides = [1, 1]} : vector<32x128xf32> to vector<1x128xf32>
    %eq3A_170 = vector.broadcast %slice3A_168 : vector<1x128xf32> to vector<128x128xf32>
    %eq3A_171 = arith.cmpf oeq, %convert_element_type3A_92, %eq3A_170 : vector<128x128xf32>
    %jit3A_172 = arith.constant 1.000000e+00 : f32
    %jit3A_173 = arith.constant 0.000000e+00 : f32
    %broadcast_in_dim3A_174 = vector.broadcast %jit3A_172 : f32 to vector<128x128xf32>
    %broadcast_in_dim3A_175 = vector.broadcast %jit3A_173 : f32 to vector<128x128xf32>
    %select_n3A_176 = arith.select %eq3A_171, %broadcast_in_dim3A_174, %broadcast_in_dim3A_175 : vector<128x128xi1>, vector<128x128xf32>
    %broadcast_in_dim3A_177 = arith.constant 1.000000e+00 : f32
    %broadcast_in_dim3A_178 = vector.broadcast %broadcast_in_dim3A_177 : f32 to vector<1x128xf32>
    %slice3A_179 = vector.extract_strided_slice %convert_element_type3A_90 {offsets = [1, 0], sizes = [1, 128], strides = [1, 1]} : vector<32x128xf32> to vector<1x128xf32>
    %slice3A_180 = vector.extract_strided_slice %convert_element_type3A_68 {offsets = [1, 0], sizes = [1, 128], strides = [1, 1]} : vector<32x128xf32> to vector<1x128xf32>
    %slice3A_181 = vector.extract_strided_slice %convert_element_type3A_75 {offsets = [1, 0], sizes = [1, 128], strides = [1, 1]} : vector<32x128xf32> to vector<1x128xf32>
    %slice3A_182 = vector.extract_strided_slice %convert_element_type3A_82 {offsets = [1, 0], sizes = [1, 128], strides = [1, 1]} : vector<32x128xf32> to vector<1x128xf32>
    %slice3A_183 = vector.extract_strided_slice %convert_element_type3A_89 {offsets = [1, 0], sizes = [1, 128], strides = [1, 1]} : vector<32x128xf32> to vector<1x128xf32>
    %concatenate3A_184 = tpu.concatenate %broadcast_in_dim3A_178, %slice3A_179, %slice3A_180, %slice3A_181, %slice3A_182, %slice3A_183 in 0 : vector<1x128xf32>, vector<1x128xf32>, vector<1x128xf32>, vector<1x128xf32>, vector<1x128xf32>, vector<1x128xf32> -> vector<6x128xf32>
    %eq3A_185 = arith.constant 0.000000e+00 : f32
    %eq3A_186 = vector.broadcast %eq3A_185 : f32 to vector<1x128xf32>
    %eq3A_187 = arith.cmpf oeq, %slice3A_169, %eq3A_186 : vector<1x128xf32>
    %jit3A_188 = arith.constant 1.000000e+00 : f32
    %jit3A_189 = arith.constant 0.000000e+00 : f32
    %broadcast_in_dim3A_190 = vector.broadcast %jit3A_188 : f32 to vector<1x128xf32>
    %broadcast_in_dim3A_191 = vector.broadcast %jit3A_189 : f32 to vector<1x128xf32>
    %select_n3A_192 = arith.select %eq3A_187, %broadcast_in_dim3A_190, %broadcast_in_dim3A_191 : vector<1x128xi1>, vector<1x128xf32>
    %mul3A_193 = vector.broadcast %select_n3A_192 : vector<1x128xf32> to vector<6x128xf32>
    %mul3A_194 = arith.mulf %concatenate3A_184, %mul3A_193 : vector<6x128xf32>
    %dot_general3A_195 = arith.constant dense<0.000000e+00> : vector<6x128xf32>
    %dot_general3A_196 = tpu.matmul %mul3A_194, %select_n3A_176, %dot_general3A_195 {dimension_numbers = #tpu.dot_dimension_numbers<[1], [1], [0], [0], [0, 0, 1, 0], [], []>, transpose_lhs_hint = false} : vector<6x128xf32>, vector<128x128xf32>, vector<6x128xf32> -> vector<6x128xf32>
    %add3A_197 = arith.addf %add3A_128, %dot_general3A_196 : vector<6x128xf32>
    %eq3A_198 = arith.constant 1.000000e+00 : f32
    %eq3A_199 = vector.broadcast %eq3A_198 : f32 to vector<1x128xf32>
    %eq3A_200 = arith.cmpf oeq, %slice3A_169, %eq3A_199 : vector<1x128xf32>
    %jit3A_201 = arith.constant 1.000000e+00 : f32
    %jit3A_202 = arith.constant 0.000000e+00 : f32
    %broadcast_in_dim3A_203 = vector.broadcast %jit3A_201 : f32 to vector<1x128xf32>
    %broadcast_in_dim3A_204 = vector.broadcast %jit3A_202 : f32 to vector<1x128xf32>
    %select_n3A_205 = arith.select %eq3A_200, %broadcast_in_dim3A_203, %broadcast_in_dim3A_204 : vector<1x128xi1>, vector<1x128xf32>
    %mul3A_206 = vector.broadcast %select_n3A_205 : vector<1x128xf32> to vector<6x128xf32>
    %mul3A_207 = arith.mulf %concatenate3A_184, %mul3A_206 : vector<6x128xf32>
    %dot_general3A_208 = arith.constant dense<0.000000e+00> : vector<6x128xf32>
    %dot_general3A_209 = tpu.matmul %mul3A_207, %select_n3A_176, %dot_general3A_208 {dimension_numbers = #tpu.dot_dimension_numbers<[1], [1], [0], [0], [0, 0, 1, 0], [], []>, transpose_lhs_hint = false} : vector<6x128xf32>, vector<128x128xf32>, vector<6x128xf32> -> vector<6x128xf32>
    %add3A_210 = arith.addf %add3A_141, %dot_general3A_209 : vector<6x128xf32>
    %eq3A_211 = arith.constant 2.000000e+00 : f32
    %eq3A_212 = vector.broadcast %eq3A_211 : f32 to vector<1x128xf32>
    %eq3A_213 = arith.cmpf oeq, %slice3A_169, %eq3A_212 : vector<1x128xf32>
    %jit3A_214 = arith.constant 1.000000e+00 : f32
    %jit3A_215 = arith.constant 0.000000e+00 : f32
    %broadcast_in_dim3A_216 = vector.broadcast %jit3A_214 : f32 to vector<1x128xf32>
    %broadcast_in_dim3A_217 = vector.broadcast %jit3A_215 : f32 to vector<1x128xf32>
    %select_n3A_218 = arith.select %eq3A_213, %broadcast_in_dim3A_216, %broadcast_in_dim3A_217 : vector<1x128xi1>, vector<1x128xf32>
    %mul3A_219 = vector.broadcast %select_n3A_218 : vector<1x128xf32> to vector<6x128xf32>
    %mul3A_220 = arith.mulf %concatenate3A_184, %mul3A_219 : vector<6x128xf32>
    %dot_general3A_221 = arith.constant dense<0.000000e+00> : vector<6x128xf32>
    %dot_general3A_222 = tpu.matmul %mul3A_220, %select_n3A_176, %dot_general3A_221 {dimension_numbers = #tpu.dot_dimension_numbers<[1], [1], [0], [0], [0, 0, 1, 0], [], []>, transpose_lhs_hint = false} : vector<6x128xf32>, vector<128x128xf32>, vector<6x128xf32> -> vector<6x128xf32>
    %add3A_223 = arith.addf %add3A_154, %dot_general3A_222 : vector<6x128xf32>
    %eq3A_224 = arith.constant 3.000000e+00 : f32
    %eq3A_225 = vector.broadcast %eq3A_224 : f32 to vector<1x128xf32>
    %eq3A_226 = arith.cmpf oeq, %slice3A_169, %eq3A_225 : vector<1x128xf32>
    %jit3A_227 = arith.constant 1.000000e+00 : f32
    %jit3A_228 = arith.constant 0.000000e+00 : f32
    %broadcast_in_dim3A_229 = vector.broadcast %jit3A_227 : f32 to vector<1x128xf32>
    %broadcast_in_dim3A_230 = vector.broadcast %jit3A_228 : f32 to vector<1x128xf32>
    %select_n3A_231 = arith.select %eq3A_226, %broadcast_in_dim3A_229, %broadcast_in_dim3A_230 : vector<1x128xi1>, vector<1x128xf32>
    %mul3A_232 = vector.broadcast %select_n3A_231 : vector<1x128xf32> to vector<6x128xf32>
    %mul3A_233 = arith.mulf %concatenate3A_184, %mul3A_232 : vector<6x128xf32>
    %dot_general3A_234 = arith.constant dense<0.000000e+00> : vector<6x128xf32>
    %dot_general3A_235 = tpu.matmul %mul3A_233, %select_n3A_176, %dot_general3A_234 {dimension_numbers = #tpu.dot_dimension_numbers<[1], [1], [0], [0], [0, 0, 1, 0], [], []>, transpose_lhs_hint = false} : vector<6x128xf32>, vector<128x128xf32>, vector<6x128xf32> -> vector<6x128xf32>
    %add3A_236 = arith.addf %add3A_167, %dot_general3A_235 : vector<6x128xf32>
    %slice3A_237 = vector.extract_strided_slice %convert_element_type3A_64 {offsets = [2, 0], sizes = [1, 128], strides = [1, 1]} : vector<32x128xf32> to vector<1x128xf32>
    %slice3A_238 = vector.extract_strided_slice %convert_element_type3A_63 {offsets = [2, 0], sizes = [1, 128], strides = [1, 1]} : vector<32x128xf32> to vector<1x128xf32>
    %eq3A_239 = vector.broadcast %slice3A_237 : vector<1x128xf32> to vector<128x128xf32>
    %eq3A_240 = arith.cmpf oeq, %convert_element_type3A_92, %eq3A_239 : vector<128x128xf32>
    %jit3A_241 = arith.constant 1.000000e+00 : f32
    %jit3A_242 = arith.constant 0.000000e+00 : f32
    %broadcast_in_dim3A_243 = vector.broadcast %jit3A_241 : f32 to vector<128x128xf32>
    %broadcast_in_dim3A_244 = vector.broadcast %jit3A_242 : f32 to vector<128x128xf32>
    %select_n3A_245 = arith.select %eq3A_240, %broadcast_in_dim3A_243, %broadcast_in_dim3A_244 : vector<128x128xi1>, vector<128x128xf32>
    %broadcast_in_dim3A_246 = arith.constant 2.000000e+00 : f32
    %broadcast_in_dim3A_247 = vector.broadcast %broadcast_in_dim3A_246 : f32 to vector<1x128xf32>
    %slice3A_248 = vector.extract_strided_slice %convert_element_type3A_90 {offsets = [2, 0], sizes = [1, 128], strides = [1, 1]} : vector<32x128xf32> to vector<1x128xf32>
    %slice3A_249 = vector.extract_strided_slice %convert_element_type3A_68 {offsets = [2, 0], sizes = [1, 128], strides = [1, 1]} : vector<32x128xf32> to vector<1x128xf32>
    %slice3A_250 = vector.extract_strided_slice %convert_element_type3A_75 {offsets = [2, 0], sizes = [1, 128], strides = [1, 1]} : vector<32x128xf32> to vector<1x128xf32>
    %slice3A_251 = vector.extract_strided_slice %convert_element_type3A_82 {offsets = [2, 0], sizes = [1, 128], strides = [1, 1]} : vector<32x128xf32> to vector<1x128xf32>
    %slice3A_252 = vector.extract_strided_slice %convert_element_type3A_89 {offsets = [2, 0], sizes = [1, 128], strides = [1, 1]} : vector<32x128xf32> to vector<1x128xf32>
    %concatenate3A_253 = tpu.concatenate %broadcast_in_dim3A_247, %slice3A_248, %slice3A_249, %slice3A_250, %slice3A_251, %slice3A_252 in 0 : vector<1x128xf32>, vector<1x128xf32>, vector<1x128xf32>, vector<1x128xf32>, vector<1x128xf32>, vector<1x128xf32> -> vector<6x128xf32>
    %eq3A_254 = arith.constant 0.000000e+00 : f32
    %eq3A_255 = vector.broadcast %eq3A_254 : f32 to vector<1x128xf32>
    %eq3A_256 = arith.cmpf oeq, %slice3A_238, %eq3A_255 : vector<1x128xf32>
    %jit3A_257 = arith.constant 1.000000e+00 : f32
    %jit3A_258 = arith.constant 0.000000e+00 : f32
    %broadcast_in_dim3A_259 = vector.broadcast %jit3A_257 : f32 to vector<1x128xf32>
    %broadcast_in_dim3A_260 = vector.broadcast %jit3A_258 : f32 to vector<1x128xf32>
    %select_n3A_261 = arith.select %eq3A_256, %broadcast_in_dim3A_259, %broadcast_in_dim3A_260 : vector<1x128xi1>, vector<1x128xf32>
    %mul3A_262 = vector.broadcast %select_n3A_261 : vector<1x128xf32> to vector<6x128xf32>
    %mul3A_263 = arith.mulf %concatenate3A_253, %mul3A_262 : vector<6x128xf32>
    %dot_general3A_264 = arith.constant dense<0.000000e+00> : vector<6x128xf32>
    %dot_general3A_265 = tpu.matmul %mul3A_263, %select_n3A_245, %dot_general3A_264 {dimension_numbers = #tpu.dot_dimension_numbers<[1], [1], [0], [0], [0, 0, 1, 0], [], []>, transpose_lhs_hint = false} : vector<6x128xf32>, vector<128x128xf32>, vector<6x128xf32> -> vector<6x128xf32>
    %add3A_266 = arith.addf %add3A_197, %dot_general3A_265 : vector<6x128xf32>
    %eq3A_267 = arith.constant 1.000000e+00 : f32
    %eq3A_268 = vector.broadcast %eq3A_267 : f32 to vector<1x128xf32>
    %eq3A_269 = arith.cmpf oeq, %slice3A_238, %eq3A_268 : vector<1x128xf32>
    %jit3A_270 = arith.constant 1.000000e+00 : f32
    %jit3A_271 = arith.constant 0.000000e+00 : f32
    %broadcast_in_dim3A_272 = vector.broadcast %jit3A_270 : f32 to vector<1x128xf32>
    %broadcast_in_dim3A_273 = vector.broadcast %jit3A_271 : f32 to vector<1x128xf32>
    %select_n3A_274 = arith.select %eq3A_269, %broadcast_in_dim3A_272, %broadcast_in_dim3A_273 : vector<1x128xi1>, vector<1x128xf32>
    %mul3A_275 = vector.broadcast %select_n3A_274 : vector<1x128xf32> to vector<6x128xf32>
    %mul3A_276 = arith.mulf %concatenate3A_253, %mul3A_275 : vector<6x128xf32>
    %dot_general3A_277 = arith.constant dense<0.000000e+00> : vector<6x128xf32>
    %dot_general3A_278 = tpu.matmul %mul3A_276, %select_n3A_245, %dot_general3A_277 {dimension_numbers = #tpu.dot_dimension_numbers<[1], [1], [0], [0], [0, 0, 1, 0], [], []>, transpose_lhs_hint = false} : vector<6x128xf32>, vector<128x128xf32>, vector<6x128xf32> -> vector<6x128xf32>
    %add3A_279 = arith.addf %add3A_210, %dot_general3A_278 : vector<6x128xf32>
    %eq3A_280 = arith.constant 2.000000e+00 : f32
    %eq3A_281 = vector.broadcast %eq3A_280 : f32 to vector<1x128xf32>
    %eq3A_282 = arith.cmpf oeq, %slice3A_238, %eq3A_281 : vector<1x128xf32>
    %jit3A_283 = arith.constant 1.000000e+00 : f32
    %jit3A_284 = arith.constant 0.000000e+00 : f32
    %broadcast_in_dim3A_285 = vector.broadcast %jit3A_283 : f32 to vector<1x128xf32>
    %broadcast_in_dim3A_286 = vector.broadcast %jit3A_284 : f32 to vector<1x128xf32>
    %select_n3A_287 = arith.select %eq3A_282, %broadcast_in_dim3A_285, %broadcast_in_dim3A_286 : vector<1x128xi1>, vector<1x128xf32>
    %mul3A_288 = vector.broadcast %select_n3A_287 : vector<1x128xf32> to vector<6x128xf32>
    %mul3A_289 = arith.mulf %concatenate3A_253, %mul3A_288 : vector<6x128xf32>
    %dot_general3A_290 = arith.constant dense<0.000000e+00> : vector<6x128xf32>
    %dot_general3A_291 = tpu.matmul %mul3A_289, %select_n3A_245, %dot_general3A_290 {dimension_numbers = #tpu.dot_dimension_numbers<[1], [1], [0], [0], [0, 0, 1, 0], [], []>, transpose_lhs_hint = false} : vector<6x128xf32>, vector<128x128xf32>, vector<6x128xf32> -> vector<6x128xf32>
    %add3A_292 = arith.addf %add3A_223, %dot_general3A_291 : vector<6x128xf32>
    %eq3A_293 = arith.constant 3.000000e+00 : f32
    %eq3A_294 = vector.broadcast %eq3A_293 : f32 to vector<1x128xf32>
    %eq3A_295 = arith.cmpf oeq, %slice3A_238, %eq3A_294 : vector<1x128xf32>
    %jit3A_296 = arith.constant 1.000000e+00 : f32
    %jit3A_297 = arith.constant 0.000000e+00 : f32
    %broadcast_in_dim3A_298 = vector.broadcast %jit3A_296 : f32 to vector<1x128xf32>
    %broadcast_in_dim3A_299 = vector.broadcast %jit3A_297 : f32 to vector<1x128xf32>
    %select_n3A_300 = arith.select %eq3A_295, %broadcast_in_dim3A_298, %broadcast_in_dim3A_299 : vector<1x128xi1>, vector<1x128xf32>
    %mul3A_301 = vector.broadcast %select_n3A_300 : vector<1x128xf32> to vector<6x128xf32>
    %mul3A_302 = arith.mulf %concatenate3A_253, %mul3A_301 : vector<6x128xf32>
    %dot_general3A_303 = arith.constant dense<0.000000e+00> : vector<6x128xf32>
    %dot_general3A_304 = tpu.matmul %mul3A_302, %select_n3A_245, %dot_general3A_303 {dimension_numbers = #tpu.dot_dimension_numbers<[1], [1], [0], [0], [0, 0, 1, 0], [], []>, transpose_lhs_hint = false} : vector<6x128xf32>, vector<128x128xf32>, vector<6x128xf32> -> vector<6x128xf32>
    %add3A_305 = arith.addf %add3A_236, %dot_general3A_304 : vector<6x128xf32>
    %slice3A_306 = vector.extract_strided_slice %convert_element_type3A_64 {offsets = [3, 0], sizes = [1, 128], strides = [1, 1]} : vector<32x128xf32> to vector<1x128xf32>
    %slice3A_307 = vector.extract_strided_slice %convert_element_type3A_63 {offsets = [3, 0], sizes = [1, 128], strides = [1, 1]} : vector<32x128xf32> to vector<1x128xf32>
    %eq3A_308 = vector.broadcast %slice3A_306 : vector<1x128xf32> to vector<128x128xf32>
    %eq3A_309 = arith.cmpf oeq, %convert_element_type3A_92, %eq3A_308 : vector<128x128xf32>
    %jit3A_310 = arith.constant 1.000000e+00 : f32
    %jit3A_311 = arith.constant 0.000000e+00 : f32
    %broadcast_in_dim3A_312 = vector.broadcast %jit3A_310 : f32 to vector<128x128xf32>
    %broadcast_in_dim3A_313 = vector.broadcast %jit3A_311 : f32 to vector<128x128xf32>
    %select_n3A_314 = arith.select %eq3A_309, %broadcast_in_dim3A_312, %broadcast_in_dim3A_313 : vector<128x128xi1>, vector<128x128xf32>
    %broadcast_in_dim3A_315 = arith.constant 3.000000e+00 : f32
    %broadcast_in_dim3A_316 = vector.broadcast %broadcast_in_dim3A_315 : f32 to vector<1x128xf32>
    %slice3A_317 = vector.extract_strided_slice %convert_element_type3A_90 {offsets = [3, 0], sizes = [1, 128], strides = [1, 1]} : vector<32x128xf32> to vector<1x128xf32>
    %slice3A_318 = vector.extract_strided_slice %convert_element_type3A_68 {offsets = [3, 0], sizes = [1, 128], strides = [1, 1]} : vector<32x128xf32> to vector<1x128xf32>
    %slice3A_319 = vector.extract_strided_slice %convert_element_type3A_75 {offsets = [3, 0], sizes = [1, 128], strides = [1, 1]} : vector<32x128xf32> to vector<1x128xf32>
    %slice3A_320 = vector.extract_strided_slice %convert_element_type3A_82 {offsets = [3, 0], sizes = [1, 128], strides = [1, 1]} : vector<32x128xf32> to vector<1x128xf32>
    %slice3A_321 = vector.extract_strided_slice %convert_element_type3A_89 {offsets = [3, 0], sizes = [1, 128], strides = [1, 1]} : vector<32x128xf32> to vector<1x128xf32>
    %concatenate3A_322 = tpu.concatenate %broadcast_in_dim3A_316, %slice3A_317, %slice3A_318, %slice3A_319, %slice3A_320, %slice3A_321 in 0 : vector<1x128xf32>, vector<1x128xf32>, vector<1x128xf32>, vector<1x128xf32>, vector<1x128xf32>, vector<1x128xf32> -> vector<6x128xf32>
    %eq3A_323 = arith.constant 0.000000e+00 : f32
    %eq3A_324 = vector.broadcast %eq3A_323 : f32 to vector<1x128xf32>
    %eq3A_325 = arith.cmpf oeq, %slice3A_307, %eq3A_324 : vector<1x128xf32>
    %jit3A_326 = arith.constant 1.000000e+00 : f32
    %jit3A_327 = arith.constant 0.000000e+00 : f32
    %broadcast_in_dim3A_328 = vector.broadcast %jit3A_326 : f32 to vector<1x128xf32>
    %broadcast_in_dim3A_329 = vector.broadcast %jit3A_327 : f32 to vector<1x128xf32>
    %select_n3A_330 = arith.select %eq3A_325, %broadcast_in_dim3A_328, %broadcast_in_dim3A_329 : vector<1x128xi1>, vector<1x128xf32>
    %mul3A_331 = vector.broadcast %select_n3A_330 : vector<1x128xf32> to vector<6x128xf32>
    %mul3A_332 = arith.mulf %concatenate3A_322, %mul3A_331 : vector<6x128xf32>
    %dot_general3A_333 = arith.constant dense<0.000000e+00> : vector<6x128xf32>
    %dot_general3A_334 = tpu.matmul %mul3A_332, %select_n3A_314, %dot_general3A_333 {dimension_numbers = #tpu.dot_dimension_numbers<[1], [1], [0], [0], [0, 0, 1, 0], [], []>, transpose_lhs_hint = false} : vector<6x128xf32>, vector<128x128xf32>, vector<6x128xf32> -> vector<6x128xf32>
    %add3A_335 = arith.addf %add3A_266, %dot_general3A_334 : vector<6x128xf32>
    %eq3A_336 = arith.constant 1.000000e+00 : f32
    %eq3A_337 = vector.broadcast %eq3A_336 : f32 to vector<1x128xf32>
    %eq3A_338 = arith.cmpf oeq, %slice3A_307, %eq3A_337 : vector<1x128xf32>
    %jit3A_339 = arith.constant 1.000000e+00 : f32
    %jit3A_340 = arith.constant 0.000000e+00 : f32
    %broadcast_in_dim3A_341 = vector.broadcast %jit3A_339 : f32 to vector<1x128xf32>
    %broadcast_in_dim3A_342 = vector.broadcast %jit3A_340 : f32 to vector<1x128xf32>
    %select_n3A_343 = arith.select %eq3A_338, %broadcast_in_dim3A_341, %broadcast_in_dim3A_342 : vector<1x128xi1>, vector<1x128xf32>
    %mul3A_344 = vector.broadcast %select_n3A_343 : vector<1x128xf32> to vector<6x128xf32>
    %mul3A_345 = arith.mulf %concatenate3A_322, %mul3A_344 : vector<6x128xf32>
    %dot_general3A_346 = arith.constant dense<0.000000e+00> : vector<6x128xf32>
    %dot_general3A_347 = tpu.matmul %mul3A_345, %select_n3A_314, %dot_general3A_346 {dimension_numbers = #tpu.dot_dimension_numbers<[1], [1], [0], [0], [0, 0, 1, 0], [], []>, transpose_lhs_hint = false} : vector<6x128xf32>, vector<128x128xf32>, vector<6x128xf32> -> vector<6x128xf32>
    %add3A_348 = arith.addf %add3A_279, %dot_general3A_347 : vector<6x128xf32>
    %eq3A_349 = arith.constant 2.000000e+00 : f32
    %eq3A_350 = vector.broadcast %eq3A_349 : f32 to vector<1x128xf32>
    %eq3A_351 = arith.cmpf oeq, %slice3A_307, %eq3A_350 : vector<1x128xf32>
    %jit3A_352 = arith.constant 1.000000e+00 : f32
    %jit3A_353 = arith.constant 0.000000e+00 : f32
    %broadcast_in_dim3A_354 = vector.broadcast %jit3A_352 : f32 to vector<1x128xf32>
    %broadcast_in_dim3A_355 = vector.broadcast %jit3A_353 : f32 to vector<1x128xf32>
    %select_n3A_356 = arith.select %eq3A_351, %broadcast_in_dim3A_354, %broadcast_in_dim3A_355 : vector<1x128xi1>, vector<1x128xf32>
    %mul3A_357 = vector.broadcast %select_n3A_356 : vector<1x128xf32> to vector<6x128xf32>
    %mul3A_358 = arith.mulf %concatenate3A_322, %mul3A_357 : vector<6x128xf32>
    %dot_general3A_359 = arith.constant dense<0.000000e+00> : vector<6x128xf32>
    %dot_general3A_360 = tpu.matmul %mul3A_358, %select_n3A_314, %dot_general3A_359 {dimension_numbers = #tpu.dot_dimension_numbers<[1], [1], [0], [0], [0, 0, 1, 0], [], []>, transpose_lhs_hint = false} : vector<6x128xf32>, vector<128x128xf32>, vector<6x128xf32> -> vector<6x128xf32>
    %add3A_361 = arith.addf %add3A_292, %dot_general3A_360 : vector<6x128xf32>
    %eq3A_362 = arith.constant 3.000000e+00 : f32
    %eq3A_363 = vector.broadcast %eq3A_362 : f32 to vector<1x128xf32>
    %eq3A_364 = arith.cmpf oeq, %slice3A_307, %eq3A_363 : vector<1x128xf32>
    %jit3A_365 = arith.constant 1.000000e+00 : f32
    %jit3A_366 = arith.constant 0.000000e+00 : f32
    %broadcast_in_dim3A_367 = vector.broadcast %jit3A_365 : f32 to vector<1x128xf32>
    %broadcast_in_dim3A_368 = vector.broadcast %jit3A_366 : f32 to vector<1x128xf32>
    %select_n3A_369 = arith.select %eq3A_364, %broadcast_in_dim3A_367, %broadcast_in_dim3A_368 : vector<1x128xi1>, vector<1x128xf32>
    %mul3A_370 = vector.broadcast %select_n3A_369 : vector<1x128xf32> to vector<6x128xf32>
    %mul3A_371 = arith.mulf %concatenate3A_322, %mul3A_370 : vector<6x128xf32>
    %dot_general3A_372 = arith.constant dense<0.000000e+00> : vector<6x128xf32>
    %dot_general3A_373 = tpu.matmul %mul3A_371, %select_n3A_314, %dot_general3A_372 {dimension_numbers = #tpu.dot_dimension_numbers<[1], [1], [0], [0], [0, 0, 1, 0], [], []>, transpose_lhs_hint = false} : vector<6x128xf32>, vector<128x128xf32>, vector<6x128xf32> -> vector<6x128xf32>
    %add3A_374 = arith.addf %add3A_305, %dot_general3A_373 : vector<6x128xf32>
    %slice3A_375 = vector.extract_strided_slice %convert_element_type3A_64 {offsets = [4, 0], sizes = [1, 128], strides = [1, 1]} : vector<32x128xf32> to vector<1x128xf32>
    %slice3A_376 = vector.extract_strided_slice %convert_element_type3A_63 {offsets = [4, 0], sizes = [1, 128], strides = [1, 1]} : vector<32x128xf32> to vector<1x128xf32>
    %eq3A_377 = vector.broadcast %slice3A_375 : vector<1x128xf32> to vector<128x128xf32>
    %eq3A_378 = arith.cmpf oeq, %convert_element_type3A_92, %eq3A_377 : vector<128x128xf32>
    %jit3A_379 = arith.constant 1.000000e+00 : f32
    %jit3A_380 = arith.constant 0.000000e+00 : f32
    %broadcast_in_dim3A_381 = vector.broadcast %jit3A_379 : f32 to vector<128x128xf32>
    %broadcast_in_dim3A_382 = vector.broadcast %jit3A_380 : f32 to vector<128x128xf32>
    %select_n3A_383 = arith.select %eq3A_378, %broadcast_in_dim3A_381, %broadcast_in_dim3A_382 : vector<128x128xi1>, vector<128x128xf32>
    %broadcast_in_dim3A_384 = arith.constant 4.000000e+00 : f32
    %broadcast_in_dim3A_385 = vector.broadcast %broadcast_in_dim3A_384 : f32 to vector<1x128xf32>
    %slice3A_386 = vector.extract_strided_slice %convert_element_type3A_90 {offsets = [4, 0], sizes = [1, 128], strides = [1, 1]} : vector<32x128xf32> to vector<1x128xf32>
    %slice3A_387 = vector.extract_strided_slice %convert_element_type3A_68 {offsets = [4, 0], sizes = [1, 128], strides = [1, 1]} : vector<32x128xf32> to vector<1x128xf32>
    %slice3A_388 = vector.extract_strided_slice %convert_element_type3A_75 {offsets = [4, 0], sizes = [1, 128], strides = [1, 1]} : vector<32x128xf32> to vector<1x128xf32>
    %slice3A_389 = vector.extract_strided_slice %convert_element_type3A_82 {offsets = [4, 0], sizes = [1, 128], strides = [1, 1]} : vector<32x128xf32> to vector<1x128xf32>
    %slice3A_390 = vector.extract_strided_slice %convert_element_type3A_89 {offsets = [4, 0], sizes = [1, 128], strides = [1, 1]} : vector<32x128xf32> to vector<1x128xf32>
    %concatenate3A_391 = tpu.concatenate %broadcast_in_dim3A_385, %slice3A_386, %slice3A_387, %slice3A_388, %slice3A_389, %slice3A_390 in 0 : vector<1x128xf32>, vector<1x128xf32>, vector<1x128xf32>, vector<1x128xf32>, vector<1x128xf32>, vector<1x128xf32> -> vector<6x128xf32>
    %eq3A_392 = arith.constant 0.000000e+00 : f32
    %eq3A_393 = vector.broadcast %eq3A_392 : f32 to vector<1x128xf32>
    %eq3A_394 = arith.cmpf oeq, %slice3A_376, %eq3A_393 : vector<1x128xf32>
    %jit3A_395 = arith.constant 1.000000e+00 : f32
    %jit3A_396 = arith.constant 0.000000e+00 : f32
    %broadcast_in_dim3A_397 = vector.broadcast %jit3A_395 : f32 to vector<1x128xf32>
    %broadcast_in_dim3A_398 = vector.broadcast %jit3A_396 : f32 to vector<1x128xf32>
    %select_n3A_399 = arith.select %eq3A_394, %broadcast_in_dim3A_397, %broadcast_in_dim3A_398 : vector<1x128xi1>, vector<1x128xf32>
    %mul3A_400 = vector.broadcast %select_n3A_399 : vector<1x128xf32> to vector<6x128xf32>
    %mul3A_401 = arith.mulf %concatenate3A_391, %mul3A_400 : vector<6x128xf32>
    %dot_general3A_402 = arith.constant dense<0.000000e+00> : vector<6x128xf32>
    %dot_general3A_403 = tpu.matmul %mul3A_401, %select_n3A_383, %dot_general3A_402 {dimension_numbers = #tpu.dot_dimension_numbers<[1], [1], [0], [0], [0, 0, 1, 0], [], []>, transpose_lhs_hint = false} : vector<6x128xf32>, vector<128x128xf32>, vector<6x128xf32> -> vector<6x128xf32>
    %add3A_404 = arith.addf %add3A_335, %dot_general3A_403 : vector<6x128xf32>
    %eq3A_405 = arith.constant 1.000000e+00 : f32
    %eq3A_406 = vector.broadcast %eq3A_405 : f32 to vector<1x128xf32>
    %eq3A_407 = arith.cmpf oeq, %slice3A_376, %eq3A_406 : vector<1x128xf32>
    %jit3A_408 = arith.constant 1.000000e+00 : f32
    %jit3A_409 = arith.constant 0.000000e+00 : f32
    %broadcast_in_dim3A_410 = vector.broadcast %jit3A_408 : f32 to vector<1x128xf32>
    %broadcast_in_dim3A_411 = vector.broadcast %jit3A_409 : f32 to vector<1x128xf32>
    %select_n3A_412 = arith.select %eq3A_407, %broadcast_in_dim3A_410, %broadcast_in_dim3A_411 : vector<1x128xi1>, vector<1x128xf32>
    %mul3A_413 = vector.broadcast %select_n3A_412 : vector<1x128xf32> to vector<6x128xf32>
    %mul3A_414 = arith.mulf %concatenate3A_391, %mul3A_413 : vector<6x128xf32>
    %dot_general3A_415 = arith.constant dense<0.000000e+00> : vector<6x128xf32>
    %dot_general3A_416 = tpu.matmul %mul3A_414, %select_n3A_383, %dot_general3A_415 {dimension_numbers = #tpu.dot_dimension_numbers<[1], [1], [0], [0], [0, 0, 1, 0], [], []>, transpose_lhs_hint = false} : vector<6x128xf32>, vector<128x128xf32>, vector<6x128xf32> -> vector<6x128xf32>
    %add3A_417 = arith.addf %add3A_348, %dot_general3A_416 : vector<6x128xf32>
    %eq3A_418 = arith.constant 2.000000e+00 : f32
    %eq3A_419 = vector.broadcast %eq3A_418 : f32 to vector<1x128xf32>
    %eq3A_420 = arith.cmpf oeq, %slice3A_376, %eq3A_419 : vector<1x128xf32>
    %jit3A_421 = arith.constant 1.000000e+00 : f32
    %jit3A_422 = arith.constant 0.000000e+00 : f32
    %broadcast_in_dim3A_423 = vector.broadcast %jit3A_421 : f32 to vector<1x128xf32>
    %broadcast_in_dim3A_424 = vector.broadcast %jit3A_422 : f32 to vector<1x128xf32>
    %select_n3A_425 = arith.select %eq3A_420, %broadcast_in_dim3A_423, %broadcast_in_dim3A_424 : vector<1x128xi1>, vector<1x128xf32>
    %mul3A_426 = vector.broadcast %select_n3A_425 : vector<1x128xf32> to vector<6x128xf32>
    %mul3A_427 = arith.mulf %concatenate3A_391, %mul3A_426 : vector<6x128xf32>
    %dot_general3A_428 = arith.constant dense<0.000000e+00> : vector<6x128xf32>
    %dot_general3A_429 = tpu.matmul %mul3A_427, %select_n3A_383, %dot_general3A_428 {dimension_numbers = #tpu.dot_dimension_numbers<[1], [1], [0], [0], [0, 0, 1, 0], [], []>, transpose_lhs_hint = false} : vector<6x128xf32>, vector<128x128xf32>, vector<6x128xf32> -> vector<6x128xf32>
    %add3A_430 = arith.addf %add3A_361, %dot_general3A_429 : vector<6x128xf32>
    %eq3A_431 = arith.constant 3.000000e+00 : f32
    %eq3A_432 = vector.broadcast %eq3A_431 : f32 to vector<1x128xf32>
    %eq3A_433 = arith.cmpf oeq, %slice3A_376, %eq3A_432 : vector<1x128xf32>
    %jit3A_434 = arith.constant 1.000000e+00 : f32
    %jit3A_435 = arith.constant 0.000000e+00 : f32
    %broadcast_in_dim3A_436 = vector.broadcast %jit3A_434 : f32 to vector<1x128xf32>
    %broadcast_in_dim3A_437 = vector.broadcast %jit3A_435 : f32 to vector<1x128xf32>
    %select_n3A_438 = arith.select %eq3A_433, %broadcast_in_dim3A_436, %broadcast_in_dim3A_437 : vector<1x128xi1>, vector<1x128xf32>
    %mul3A_439 = vector.broadcast %select_n3A_438 : vector<1x128xf32> to vector<6x128xf32>
    %mul3A_440 = arith.mulf %concatenate3A_391, %mul3A_439 : vector<6x128xf32>
    %dot_general3A_441 = arith.constant dense<0.000000e+00> : vector<6x128xf32>
    %dot_general3A_442 = tpu.matmul %mul3A_440, %select_n3A_383, %dot_general3A_441 {dimension_numbers = #tpu.dot_dimension_numbers<[1], [1], [0], [0], [0, 0, 1, 0], [], []>, transpose_lhs_hint = false} : vector<6x128xf32>, vector<128x128xf32>, vector<6x128xf32> -> vector<6x128xf32>
    %add3A_443 = arith.addf %add3A_374, %dot_general3A_442 : vector<6x128xf32>
    %slice3A_444 = vector.extract_strided_slice %convert_element_type3A_64 {offsets = [5, 0], sizes = [1, 128], strides = [1, 1]} : vector<32x128xf32> to vector<1x128xf32>
    %slice3A_445 = vector.extract_strided_slice %convert_element_type3A_63 {offsets = [5, 0], sizes = [1, 128], strides = [1, 1]} : vector<32x128xf32> to vector<1x128xf32>
    %eq3A_446 = vector.broadcast %slice3A_444 : vector<1x128xf32> to vector<128x128xf32>
    %eq3A_447 = arith.cmpf oeq, %convert_element_type3A_92, %eq3A_446 : vector<128x128xf32>
    %jit3A_448 = arith.constant 1.000000e+00 : f32
    %jit3A_449 = arith.constant 0.000000e+00 : f32
    %broadcast_in_dim3A_450 = vector.broadcast %jit3A_448 : f32 to vector<128x128xf32>
    %broadcast_in_dim3A_451 = vector.broadcast %jit3A_449 : f32 to vector<128x128xf32>
    %select_n3A_452 = arith.select %eq3A_447, %broadcast_in_dim3A_450, %broadcast_in_dim3A_451 : vector<128x128xi1>, vector<128x128xf32>
    %broadcast_in_dim3A_453 = arith.constant 5.000000e+00 : f32
    %broadcast_in_dim3A_454 = vector.broadcast %broadcast_in_dim3A_453 : f32 to vector<1x128xf32>
    %slice3A_455 = vector.extract_strided_slice %convert_element_type3A_90 {offsets = [5, 0], sizes = [1, 128], strides = [1, 1]} : vector<32x128xf32> to vector<1x128xf32>
    %slice3A_456 = vector.extract_strided_slice %convert_element_type3A_68 {offsets = [5, 0], sizes = [1, 128], strides = [1, 1]} : vector<32x128xf32> to vector<1x128xf32>
    %slice3A_457 = vector.extract_strided_slice %convert_element_type3A_75 {offsets = [5, 0], sizes = [1, 128], strides = [1, 1]} : vector<32x128xf32> to vector<1x128xf32>
    %slice3A_458 = vector.extract_strided_slice %convert_element_type3A_82 {offsets = [5, 0], sizes = [1, 128], strides = [1, 1]} : vector<32x128xf32> to vector<1x128xf32>
    %slice3A_459 = vector.extract_strided_slice %convert_element_type3A_89 {offsets = [5, 0], sizes = [1, 128], strides = [1, 1]} : vector<32x128xf32> to vector<1x128xf32>
    %concatenate3A_460 = tpu.concatenate %broadcast_in_dim3A_454, %slice3A_455, %slice3A_456, %slice3A_457, %slice3A_458, %slice3A_459 in 0 : vector<1x128xf32>, vector<1x128xf32>, vector<1x128xf32>, vector<1x128xf32>, vector<1x128xf32>, vector<1x128xf32> -> vector<6x128xf32>
    %eq3A_461 = arith.constant 0.000000e+00 : f32
    %eq3A_462 = vector.broadcast %eq3A_461 : f32 to vector<1x128xf32>
    %eq3A_463 = arith.cmpf oeq, %slice3A_445, %eq3A_462 : vector<1x128xf32>
    %jit3A_464 = arith.constant 1.000000e+00 : f32
    %jit3A_465 = arith.constant 0.000000e+00 : f32
    %broadcast_in_dim3A_466 = vector.broadcast %jit3A_464 : f32 to vector<1x128xf32>
    %broadcast_in_dim3A_467 = vector.broadcast %jit3A_465 : f32 to vector<1x128xf32>
    %select_n3A_468 = arith.select %eq3A_463, %broadcast_in_dim3A_466, %broadcast_in_dim3A_467 : vector<1x128xi1>, vector<1x128xf32>
    %mul3A_469 = vector.broadcast %select_n3A_468 : vector<1x128xf32> to vector<6x128xf32>
    %mul3A_470 = arith.mulf %concatenate3A_460, %mul3A_469 : vector<6x128xf32>
    %dot_general3A_471 = arith.constant dense<0.000000e+00> : vector<6x128xf32>
    %dot_general3A_472 = tpu.matmul %mul3A_470, %select_n3A_452, %dot_general3A_471 {dimension_numbers = #tpu.dot_dimension_numbers<[1], [1], [0], [0], [0, 0, 1, 0], [], []>, transpose_lhs_hint = false} : vector<6x128xf32>, vector<128x128xf32>, vector<6x128xf32> -> vector<6x128xf32>
    %add3A_473 = arith.addf %add3A_404, %dot_general3A_472 : vector<6x128xf32>
    %eq3A_474 = arith.constant 1.000000e+00 : f32
    %eq3A_475 = vector.broadcast %eq3A_474 : f32 to vector<1x128xf32>
    %eq3A_476 = arith.cmpf oeq, %slice3A_445, %eq3A_475 : vector<1x128xf32>
    %jit3A_477 = arith.constant 1.000000e+00 : f32
    %jit3A_478 = arith.constant 0.000000e+00 : f32
    %broadcast_in_dim3A_479 = vector.broadcast %jit3A_477 : f32 to vector<1x128xf32>
    %broadcast_in_dim3A_480 = vector.broadcast %jit3A_478 : f32 to vector<1x128xf32>
    %select_n3A_481 = arith.select %eq3A_476, %broadcast_in_dim3A_479, %broadcast_in_dim3A_480 : vector<1x128xi1>, vector<1x128xf32>
    %mul3A_482 = vector.broadcast %select_n3A_481 : vector<1x128xf32> to vector<6x128xf32>
    %mul3A_483 = arith.mulf %concatenate3A_460, %mul3A_482 : vector<6x128xf32>
    %dot_general3A_484 = arith.constant dense<0.000000e+00> : vector<6x128xf32>
    %dot_general3A_485 = tpu.matmul %mul3A_483, %select_n3A_452, %dot_general3A_484 {dimension_numbers = #tpu.dot_dimension_numbers<[1], [1], [0], [0], [0, 0, 1, 0], [], []>, transpose_lhs_hint = false} : vector<6x128xf32>, vector<128x128xf32>, vector<6x128xf32> -> vector<6x128xf32>
    %add3A_486 = arith.addf %add3A_417, %dot_general3A_485 : vector<6x128xf32>
    %eq3A_487 = arith.constant 2.000000e+00 : f32
    %eq3A_488 = vector.broadcast %eq3A_487 : f32 to vector<1x128xf32>
    %eq3A_489 = arith.cmpf oeq, %slice3A_445, %eq3A_488 : vector<1x128xf32>
    %jit3A_490 = arith.constant 1.000000e+00 : f32
    %jit3A_491 = arith.constant 0.000000e+00 : f32
    %broadcast_in_dim3A_492 = vector.broadcast %jit3A_490 : f32 to vector<1x128xf32>
    %broadcast_in_dim3A_493 = vector.broadcast %jit3A_491 : f32 to vector<1x128xf32>
    %select_n3A_494 = arith.select %eq3A_489, %broadcast_in_dim3A_492, %broadcast_in_dim3A_493 : vector<1x128xi1>, vector<1x128xf32>
    %mul3A_495 = vector.broadcast %select_n3A_494 : vector<1x128xf32> to vector<6x128xf32>
    %mul3A_496 = arith.mulf %concatenate3A_460, %mul3A_495 : vector<6x128xf32>
    %dot_general3A_497 = arith.constant dense<0.000000e+00> : vector<6x128xf32>
    %dot_general3A_498 = tpu.matmul %mul3A_496, %select_n3A_452, %dot_general3A_497 {dimension_numbers = #tpu.dot_dimension_numbers<[1], [1], [0], [0], [0, 0, 1, 0], [], []>, transpose_lhs_hint = false} : vector<6x128xf32>, vector<128x128xf32>, vector<6x128xf32> -> vector<6x128xf32>
    %add3A_499 = arith.addf %add3A_430, %dot_general3A_498 : vector<6x128xf32>
    %eq3A_500 = arith.constant 3.000000e+00 : f32
    %eq3A_501 = vector.broadcast %eq3A_500 : f32 to vector<1x128xf32>
    %eq3A_502 = arith.cmpf oeq, %slice3A_445, %eq3A_501 : vector<1x128xf32>
    %jit3A_503 = arith.constant 1.000000e+00 : f32
    %jit3A_504 = arith.constant 0.000000e+00 : f32
    %broadcast_in_dim3A_505 = vector.broadcast %jit3A_503 : f32 to vector<1x128xf32>
    %broadcast_in_dim3A_506 = vector.broadcast %jit3A_504 : f32 to vector<1x128xf32>
    %select_n3A_507 = arith.select %eq3A_502, %broadcast_in_dim3A_505, %broadcast_in_dim3A_506 : vector<1x128xi1>, vector<1x128xf32>
    %mul3A_508 = vector.broadcast %select_n3A_507 : vector<1x128xf32> to vector<6x128xf32>
    %mul3A_509 = arith.mulf %concatenate3A_460, %mul3A_508 : vector<6x128xf32>
    %dot_general3A_510 = arith.constant dense<0.000000e+00> : vector<6x128xf32>
    %dot_general3A_511 = tpu.matmul %mul3A_509, %select_n3A_452, %dot_general3A_510 {dimension_numbers = #tpu.dot_dimension_numbers<[1], [1], [0], [0], [0, 0, 1, 0], [], []>, transpose_lhs_hint = false} : vector<6x128xf32>, vector<128x128xf32>, vector<6x128xf32> -> vector<6x128xf32>
    %add3A_512 = arith.addf %add3A_443, %dot_general3A_511 : vector<6x128xf32>
    %slice3A_513 = vector.extract_strided_slice %convert_element_type3A_64 {offsets = [6, 0], sizes = [1, 128], strides = [1, 1]} : vector<32x128xf32> to vector<1x128xf32>
    %slice3A_514 = vector.extract_strided_slice %convert_element_type3A_63 {offsets = [6, 0], sizes = [1, 128], strides = [1, 1]} : vector<32x128xf32> to vector<1x128xf32>
    %eq3A_515 = vector.broadcast %slice3A_513 : vector<1x128xf32> to vector<128x128xf32>
    %eq3A_516 = arith.cmpf oeq, %convert_element_type3A_92, %eq3A_515 : vector<128x128xf32>
    %jit3A_517 = arith.constant 1.000000e+00 : f32
    %jit3A_518 = arith.constant 0.000000e+00 : f32
    %broadcast_in_dim3A_519 = vector.broadcast %jit3A_517 : f32 to vector<128x128xf32>
    %broadcast_in_dim3A_520 = vector.broadcast %jit3A_518 : f32 to vector<128x128xf32>
    %select_n3A_521 = arith.select %eq3A_516, %broadcast_in_dim3A_519, %broadcast_in_dim3A_520 : vector<128x128xi1>, vector<128x128xf32>
    %broadcast_in_dim3A_522 = arith.constant 6.000000e+00 : f32
    %broadcast_in_dim3A_523 = vector.broadcast %broadcast_in_dim3A_522 : f32 to vector<1x128xf32>
    %slice3A_524 = vector.extract_strided_slice %convert_element_type3A_90 {offsets = [6, 0], sizes = [1, 128], strides = [1, 1]} : vector<32x128xf32> to vector<1x128xf32>
    %slice3A_525 = vector.extract_strided_slice %convert_element_type3A_68 {offsets = [6, 0], sizes = [1, 128], strides = [1, 1]} : vector<32x128xf32> to vector<1x128xf32>
    %slice3A_526 = vector.extract_strided_slice %convert_element_type3A_75 {offsets = [6, 0], sizes = [1, 128], strides = [1, 1]} : vector<32x128xf32> to vector<1x128xf32>
    %slice3A_527 = vector.extract_strided_slice %convert_element_type3A_82 {offsets = [6, 0], sizes = [1, 128], strides = [1, 1]} : vector<32x128xf32> to vector<1x128xf32>
    %slice3A_528 = vector.extract_strided_slice %convert_element_type3A_89 {offsets = [6, 0], sizes = [1, 128], strides = [1, 1]} : vector<32x128xf32> to vector<1x128xf32>
    %concatenate3A_529 = tpu.concatenate %broadcast_in_dim3A_523, %slice3A_524, %slice3A_525, %slice3A_526, %slice3A_527, %slice3A_528 in 0 : vector<1x128xf32>, vector<1x128xf32>, vector<1x128xf32>, vector<1x128xf32>, vector<1x128xf32>, vector<1x128xf32> -> vector<6x128xf32>
    %eq3A_530 = arith.constant 0.000000e+00 : f32
    %eq3A_531 = vector.broadcast %eq3A_530 : f32 to vector<1x128xf32>
    %eq3A_532 = arith.cmpf oeq, %slice3A_514, %eq3A_531 : vector<1x128xf32>
    %jit3A_533 = arith.constant 1.000000e+00 : f32
    %jit3A_534 = arith.constant 0.000000e+00 : f32
    %broadcast_in_dim3A_535 = vector.broadcast %jit3A_533 : f32 to vector<1x128xf32>
    %broadcast_in_dim3A_536 = vector.broadcast %jit3A_534 : f32 to vector<1x128xf32>
    %select_n3A_537 = arith.select %eq3A_532, %broadcast_in_dim3A_535, %broadcast_in_dim3A_536 : vector<1x128xi1>, vector<1x128xf32>
    %mul3A_538 = vector.broadcast %select_n3A_537 : vector<1x128xf32> to vector<6x128xf32>
    %mul3A_539 = arith.mulf %concatenate3A_529, %mul3A_538 : vector<6x128xf32>
    %dot_general3A_540 = arith.constant dense<0.000000e+00> : vector<6x128xf32>
    %dot_general3A_541 = tpu.matmul %mul3A_539, %select_n3A_521, %dot_general3A_540 {dimension_numbers = #tpu.dot_dimension_numbers<[1], [1], [0], [0], [0, 0, 1, 0], [], []>, transpose_lhs_hint = false} : vector<6x128xf32>, vector<128x128xf32>, vector<6x128xf32> -> vector<6x128xf32>
    %add3A_542 = arith.addf %add3A_473, %dot_general3A_541 : vector<6x128xf32>
    %eq3A_543 = arith.constant 1.000000e+00 : f32
    %eq3A_544 = vector.broadcast %eq3A_543 : f32 to vector<1x128xf32>
    %eq3A_545 = arith.cmpf oeq, %slice3A_514, %eq3A_544 : vector<1x128xf32>
    %jit3A_546 = arith.constant 1.000000e+00 : f32
    %jit3A_547 = arith.constant 0.000000e+00 : f32
    %broadcast_in_dim3A_548 = vector.broadcast %jit3A_546 : f32 to vector<1x128xf32>
    %broadcast_in_dim3A_549 = vector.broadcast %jit3A_547 : f32 to vector<1x128xf32>
    %select_n3A_550 = arith.select %eq3A_545, %broadcast_in_dim3A_548, %broadcast_in_dim3A_549 : vector<1x128xi1>, vector<1x128xf32>
    %mul3A_551 = vector.broadcast %select_n3A_550 : vector<1x128xf32> to vector<6x128xf32>
    %mul3A_552 = arith.mulf %concatenate3A_529, %mul3A_551 : vector<6x128xf32>
    %dot_general3A_553 = arith.constant dense<0.000000e+00> : vector<6x128xf32>
    %dot_general3A_554 = tpu.matmul %mul3A_552, %select_n3A_521, %dot_general3A_553 {dimension_numbers = #tpu.dot_dimension_numbers<[1], [1], [0], [0], [0, 0, 1, 0], [], []>, transpose_lhs_hint = false} : vector<6x128xf32>, vector<128x128xf32>, vector<6x128xf32> -> vector<6x128xf32>
    %add3A_555 = arith.addf %add3A_486, %dot_general3A_554 : vector<6x128xf32>
    %eq3A_556 = arith.constant 2.000000e+00 : f32
    %eq3A_557 = vector.broadcast %eq3A_556 : f32 to vector<1x128xf32>
    %eq3A_558 = arith.cmpf oeq, %slice3A_514, %eq3A_557 : vector<1x128xf32>
    %jit3A_559 = arith.constant 1.000000e+00 : f32
    %jit3A_560 = arith.constant 0.000000e+00 : f32
    %broadcast_in_dim3A_561 = vector.broadcast %jit3A_559 : f32 to vector<1x128xf32>
    %broadcast_in_dim3A_562 = vector.broadcast %jit3A_560 : f32 to vector<1x128xf32>
    %select_n3A_563 = arith.select %eq3A_558, %broadcast_in_dim3A_561, %broadcast_in_dim3A_562 : vector<1x128xi1>, vector<1x128xf32>
    %mul3A_564 = vector.broadcast %select_n3A_563 : vector<1x128xf32> to vector<6x128xf32>
    %mul3A_565 = arith.mulf %concatenate3A_529, %mul3A_564 : vector<6x128xf32>
    %dot_general3A_566 = arith.constant dense<0.000000e+00> : vector<6x128xf32>
    %dot_general3A_567 = tpu.matmul %mul3A_565, %select_n3A_521, %dot_general3A_566 {dimension_numbers = #tpu.dot_dimension_numbers<[1], [1], [0], [0], [0, 0, 1, 0], [], []>, transpose_lhs_hint = false} : vector<6x128xf32>, vector<128x128xf32>, vector<6x128xf32> -> vector<6x128xf32>
    %add3A_568 = arith.addf %add3A_499, %dot_general3A_567 : vector<6x128xf32>
    %eq3A_569 = arith.constant 3.000000e+00 : f32
    %eq3A_570 = vector.broadcast %eq3A_569 : f32 to vector<1x128xf32>
    %eq3A_571 = arith.cmpf oeq, %slice3A_514, %eq3A_570 : vector<1x128xf32>
    %jit3A_572 = arith.constant 1.000000e+00 : f32
    %jit3A_573 = arith.constant 0.000000e+00 : f32
    %broadcast_in_dim3A_574 = vector.broadcast %jit3A_572 : f32 to vector<1x128xf32>
    %broadcast_in_dim3A_575 = vector.broadcast %jit3A_573 : f32 to vector<1x128xf32>
    %select_n3A_576 = arith.select %eq3A_571, %broadcast_in_dim3A_574, %broadcast_in_dim3A_575 : vector<1x128xi1>, vector<1x128xf32>
    %mul3A_577 = vector.broadcast %select_n3A_576 : vector<1x128xf32> to vector<6x128xf32>
    %mul3A_578 = arith.mulf %concatenate3A_529, %mul3A_577 : vector<6x128xf32>
    %dot_general3A_579 = arith.constant dense<0.000000e+00> : vector<6x128xf32>
    %dot_general3A_580 = tpu.matmul %mul3A_578, %select_n3A_521, %dot_general3A_579 {dimension_numbers = #tpu.dot_dimension_numbers<[1], [1], [0], [0], [0, 0, 1, 0], [], []>, transpose_lhs_hint = false} : vector<6x128xf32>, vector<128x128xf32>, vector<6x128xf32> -> vector<6x128xf32>
    %add3A_581 = arith.addf %add3A_512, %dot_general3A_580 : vector<6x128xf32>
    %slice3A_582 = vector.extract_strided_slice %convert_element_type3A_64 {offsets = [7, 0], sizes = [1, 128], strides = [1, 1]} : vector<32x128xf32> to vector<1x128xf32>
    %slice3A_583 = vector.extract_strided_slice %convert_element_type3A_63 {offsets = [7, 0], sizes = [1, 128], strides = [1, 1]} : vector<32x128xf32> to vector<1x128xf32>
    %eq3A_584 = vector.broadcast %slice3A_582 : vector<1x128xf32> to vector<128x128xf32>
    %eq3A_585 = arith.cmpf oeq, %convert_element_type3A_92, %eq3A_584 : vector<128x128xf32>
    %jit3A_586 = arith.constant 1.000000e+00 : f32
    %jit3A_587 = arith.constant 0.000000e+00 : f32
    %broadcast_in_dim3A_588 = vector.broadcast %jit3A_586 : f32 to vector<128x128xf32>
    %broadcast_in_dim3A_589 = vector.broadcast %jit3A_587 : f32 to vector<128x128xf32>
    %select_n3A_590 = arith.select %eq3A_585, %broadcast_in_dim3A_588, %broadcast_in_dim3A_589 : vector<128x128xi1>, vector<128x128xf32>
    %broadcast_in_dim3A_591 = arith.constant 7.000000e+00 : f32
    %broadcast_in_dim3A_592 = vector.broadcast %broadcast_in_dim3A_591 : f32 to vector<1x128xf32>
    %slice3A_593 = vector.extract_strided_slice %convert_element_type3A_90 {offsets = [7, 0], sizes = [1, 128], strides = [1, 1]} : vector<32x128xf32> to vector<1x128xf32>
    %slice3A_594 = vector.extract_strided_slice %convert_element_type3A_68 {offsets = [7, 0], sizes = [1, 128], strides = [1, 1]} : vector<32x128xf32> to vector<1x128xf32>
    %slice3A_595 = vector.extract_strided_slice %convert_element_type3A_75 {offsets = [7, 0], sizes = [1, 128], strides = [1, 1]} : vector<32x128xf32> to vector<1x128xf32>
    %slice3A_596 = vector.extract_strided_slice %convert_element_type3A_82 {offsets = [7, 0], sizes = [1, 128], strides = [1, 1]} : vector<32x128xf32> to vector<1x128xf32>
    %slice3A_597 = vector.extract_strided_slice %convert_element_type3A_89 {offsets = [7, 0], sizes = [1, 128], strides = [1, 1]} : vector<32x128xf32> to vector<1x128xf32>
    %concatenate3A_598 = tpu.concatenate %broadcast_in_dim3A_592, %slice3A_593, %slice3A_594, %slice3A_595, %slice3A_596, %slice3A_597 in 0 : vector<1x128xf32>, vector<1x128xf32>, vector<1x128xf32>, vector<1x128xf32>, vector<1x128xf32>, vector<1x128xf32> -> vector<6x128xf32>
    %eq3A_599 = arith.constant 0.000000e+00 : f32
    %eq3A_600 = vector.broadcast %eq3A_599 : f32 to vector<1x128xf32>
    %eq3A_601 = arith.cmpf oeq, %slice3A_583, %eq3A_600 : vector<1x128xf32>
    %jit3A_602 = arith.constant 1.000000e+00 : f32
    %jit3A_603 = arith.constant 0.000000e+00 : f32
    %broadcast_in_dim3A_604 = vector.broadcast %jit3A_602 : f32 to vector<1x128xf32>
    %broadcast_in_dim3A_605 = vector.broadcast %jit3A_603 : f32 to vector<1x128xf32>
    %select_n3A_606 = arith.select %eq3A_601, %broadcast_in_dim3A_604, %broadcast_in_dim3A_605 : vector<1x128xi1>, vector<1x128xf32>
    %mul3A_607 = vector.broadcast %select_n3A_606 : vector<1x128xf32> to vector<6x128xf32>
    %mul3A_608 = arith.mulf %concatenate3A_598, %mul3A_607 : vector<6x128xf32>
    %dot_general3A_609 = arith.constant dense<0.000000e+00> : vector<6x128xf32>
    %dot_general3A_610 = tpu.matmul %mul3A_608, %select_n3A_590, %dot_general3A_609 {dimension_numbers = #tpu.dot_dimension_numbers<[1], [1], [0], [0], [0, 0, 1, 0], [], []>, transpose_lhs_hint = false} : vector<6x128xf32>, vector<128x128xf32>, vector<6x128xf32> -> vector<6x128xf32>
    %add3A_611 = arith.addf %add3A_542, %dot_general3A_610 : vector<6x128xf32>
    %eq3A_612 = arith.constant 1.000000e+00 : f32
    %eq3A_613 = vector.broadcast %eq3A_612 : f32 to vector<1x128xf32>
    %eq3A_614 = arith.cmpf oeq, %slice3A_583, %eq3A_613 : vector<1x128xf32>
    %jit3A_615 = arith.constant 1.000000e+00 : f32
    %jit3A_616 = arith.constant 0.000000e+00 : f32
    %broadcast_in_dim3A_617 = vector.broadcast %jit3A_615 : f32 to vector<1x128xf32>
    %broadcast_in_dim3A_618 = vector.broadcast %jit3A_616 : f32 to vector<1x128xf32>
    %select_n3A_619 = arith.select %eq3A_614, %broadcast_in_dim3A_617, %broadcast_in_dim3A_618 : vector<1x128xi1>, vector<1x128xf32>
    %mul3A_620 = vector.broadcast %select_n3A_619 : vector<1x128xf32> to vector<6x128xf32>
    %mul3A_621 = arith.mulf %concatenate3A_598, %mul3A_620 : vector<6x128xf32>
    %dot_general3A_622 = arith.constant dense<0.000000e+00> : vector<6x128xf32>
    %dot_general3A_623 = tpu.matmul %mul3A_621, %select_n3A_590, %dot_general3A_622 {dimension_numbers = #tpu.dot_dimension_numbers<[1], [1], [0], [0], [0, 0, 1, 0], [], []>, transpose_lhs_hint = false} : vector<6x128xf32>, vector<128x128xf32>, vector<6x128xf32> -> vector<6x128xf32>
    %add3A_624 = arith.addf %add3A_555, %dot_general3A_623 : vector<6x128xf32>
    %eq3A_625 = arith.constant 2.000000e+00 : f32
    %eq3A_626 = vector.broadcast %eq3A_625 : f32 to vector<1x128xf32>
    %eq3A_627 = arith.cmpf oeq, %slice3A_583, %eq3A_626 : vector<1x128xf32>
    %jit3A_628 = arith.constant 1.000000e+00 : f32
    %jit3A_629 = arith.constant 0.000000e+00 : f32
    %broadcast_in_dim3A_630 = vector.broadcast %jit3A_628 : f32 to vector<1x128xf32>
    %broadcast_in_dim3A_631 = vector.broadcast %jit3A_629 : f32 to vector<1x128xf32>
    %select_n3A_632 = arith.select %eq3A_627, %broadcast_in_dim3A_630, %broadcast_in_dim3A_631 : vector<1x128xi1>, vector<1x128xf32>
    %mul3A_633 = vector.broadcast %select_n3A_632 : vector<1x128xf32> to vector<6x128xf32>
    %mul3A_634 = arith.mulf %concatenate3A_598, %mul3A_633 : vector<6x128xf32>
    %dot_general3A_635 = arith.constant dense<0.000000e+00> : vector<6x128xf32>
    %dot_general3A_636 = tpu.matmul %mul3A_634, %select_n3A_590, %dot_general3A_635 {dimension_numbers = #tpu.dot_dimension_numbers<[1], [1], [0], [0], [0, 0, 1, 0], [], []>, transpose_lhs_hint = false} : vector<6x128xf32>, vector<128x128xf32>, vector<6x128xf32> -> vector<6x128xf32>
    %add3A_637 = arith.addf %add3A_568, %dot_general3A_636 : vector<6x128xf32>
    %eq3A_638 = arith.constant 3.000000e+00 : f32
    %eq3A_639 = vector.broadcast %eq3A_638 : f32 to vector<1x128xf32>
    %eq3A_640 = arith.cmpf oeq, %slice3A_583, %eq3A_639 : vector<1x128xf32>
    %jit3A_641 = arith.constant 1.000000e+00 : f32
    %jit3A_642 = arith.constant 0.000000e+00 : f32
    %broadcast_in_dim3A_643 = vector.broadcast %jit3A_641 : f32 to vector<1x128xf32>
    %broadcast_in_dim3A_644 = vector.broadcast %jit3A_642 : f32 to vector<1x128xf32>
    %select_n3A_645 = arith.select %eq3A_640, %broadcast_in_dim3A_643, %broadcast_in_dim3A_644 : vector<1x128xi1>, vector<1x128xf32>
    %mul3A_646 = vector.broadcast %select_n3A_645 : vector<1x128xf32> to vector<6x128xf32>
    %mul3A_647 = arith.mulf %concatenate3A_598, %mul3A_646 : vector<6x128xf32>
    %dot_general3A_648 = arith.constant dense<0.000000e+00> : vector<6x128xf32>
    %dot_general3A_649 = tpu.matmul %mul3A_647, %select_n3A_590, %dot_general3A_648 {dimension_numbers = #tpu.dot_dimension_numbers<[1], [1], [0], [0], [0, 0, 1, 0], [], []>, transpose_lhs_hint = false} : vector<6x128xf32>, vector<128x128xf32>, vector<6x128xf32> -> vector<6x128xf32>
    %add3A_650 = arith.addf %add3A_581, %dot_general3A_649 : vector<6x128xf32>
    %slice3A_651 = vector.extract_strided_slice %convert_element_type3A_64 {offsets = [8, 0], sizes = [1, 128], strides = [1, 1]} : vector<32x128xf32> to vector<1x128xf32>
    %slice3A_652 = vector.extract_strided_slice %convert_element_type3A_63 {offsets = [8, 0], sizes = [1, 128], strides = [1, 1]} : vector<32x128xf32> to vector<1x128xf32>
    %eq3A_653 = vector.broadcast %slice3A_651 : vector<1x128xf32> to vector<128x128xf32>
    %eq3A_654 = arith.cmpf oeq, %convert_element_type3A_92, %eq3A_653 : vector<128x128xf32>
    %jit3A_655 = arith.constant 1.000000e+00 : f32
    %jit3A_656 = arith.constant 0.000000e+00 : f32
    %broadcast_in_dim3A_657 = vector.broadcast %jit3A_655 : f32 to vector<128x128xf32>
    %broadcast_in_dim3A_658 = vector.broadcast %jit3A_656 : f32 to vector<128x128xf32>
    %select_n3A_659 = arith.select %eq3A_654, %broadcast_in_dim3A_657, %broadcast_in_dim3A_658 : vector<128x128xi1>, vector<128x128xf32>
    %broadcast_in_dim3A_660 = arith.constant 8.000000e+00 : f32
    %broadcast_in_dim3A_661 = vector.broadcast %broadcast_in_dim3A_660 : f32 to vector<1x128xf32>
    %slice3A_662 = vector.extract_strided_slice %convert_element_type3A_90 {offsets = [8, 0], sizes = [1, 128], strides = [1, 1]} : vector<32x128xf32> to vector<1x128xf32>
    %slice3A_663 = vector.extract_strided_slice %convert_element_type3A_68 {offsets = [8, 0], sizes = [1, 128], strides = [1, 1]} : vector<32x128xf32> to vector<1x128xf32>
    %slice3A_664 = vector.extract_strided_slice %convert_element_type3A_75 {offsets = [8, 0], sizes = [1, 128], strides = [1, 1]} : vector<32x128xf32> to vector<1x128xf32>
    %slice3A_665 = vector.extract_strided_slice %convert_element_type3A_82 {offsets = [8, 0], sizes = [1, 128], strides = [1, 1]} : vector<32x128xf32> to vector<1x128xf32>
    %slice3A_666 = vector.extract_strided_slice %convert_element_type3A_89 {offsets = [8, 0], sizes = [1, 128], strides = [1, 1]} : vector<32x128xf32> to vector<1x128xf32>
    %concatenate3A_667 = tpu.concatenate %broadcast_in_dim3A_661, %slice3A_662, %slice3A_663, %slice3A_664, %slice3A_665, %slice3A_666 in 0 : vector<1x128xf32>, vector<1x128xf32>, vector<1x128xf32>, vector<1x128xf32>, vector<1x128xf32>, vector<1x128xf32> -> vector<6x128xf32>
    %eq3A_668 = arith.constant 0.000000e+00 : f32
    %eq3A_669 = vector.broadcast %eq3A_668 : f32 to vector<1x128xf32>
    %eq3A_670 = arith.cmpf oeq, %slice3A_652, %eq3A_669 : vector<1x128xf32>
    %jit3A_671 = arith.constant 1.000000e+00 : f32
    %jit3A_672 = arith.constant 0.000000e+00 : f32
    %broadcast_in_dim3A_673 = vector.broadcast %jit3A_671 : f32 to vector<1x128xf32>
    %broadcast_in_dim3A_674 = vector.broadcast %jit3A_672 : f32 to vector<1x128xf32>
    %select_n3A_675 = arith.select %eq3A_670, %broadcast_in_dim3A_673, %broadcast_in_dim3A_674 : vector<1x128xi1>, vector<1x128xf32>
    %mul3A_676 = vector.broadcast %select_n3A_675 : vector<1x128xf32> to vector<6x128xf32>
    %mul3A_677 = arith.mulf %concatenate3A_667, %mul3A_676 : vector<6x128xf32>
    %dot_general3A_678 = arith.constant dense<0.000000e+00> : vector<6x128xf32>
    %dot_general3A_679 = tpu.matmul %mul3A_677, %select_n3A_659, %dot_general3A_678 {dimension_numbers = #tpu.dot_dimension_numbers<[1], [1], [0], [0], [0, 0, 1, 0], [], []>, transpose_lhs_hint = false} : vector<6x128xf32>, vector<128x128xf32>, vector<6x128xf32> -> vector<6x128xf32>
    %add3A_680 = arith.addf %add3A_611, %dot_general3A_679 : vector<6x128xf32>
    %eq3A_681 = arith.constant 1.000000e+00 : f32
    %eq3A_682 = vector.broadcast %eq3A_681 : f32 to vector<1x128xf32>
    %eq3A_683 = arith.cmpf oeq, %slice3A_652, %eq3A_682 : vector<1x128xf32>
    %jit3A_684 = arith.constant 1.000000e+00 : f32
    %jit3A_685 = arith.constant 0.000000e+00 : f32
    %broadcast_in_dim3A_686 = vector.broadcast %jit3A_684 : f32 to vector<1x128xf32>
    %broadcast_in_dim3A_687 = vector.broadcast %jit3A_685 : f32 to vector<1x128xf32>
    %select_n3A_688 = arith.select %eq3A_683, %broadcast_in_dim3A_686, %broadcast_in_dim3A_687 : vector<1x128xi1>, vector<1x128xf32>
    %mul3A_689 = vector.broadcast %select_n3A_688 : vector<1x128xf32> to vector<6x128xf32>
    %mul3A_690 = arith.mulf %concatenate3A_667, %mul3A_689 : vector<6x128xf32>
    %dot_general3A_691 = arith.constant dense<0.000000e+00> : vector<6x128xf32>
    %dot_general3A_692 = tpu.matmul %mul3A_690, %select_n3A_659, %dot_general3A_691 {dimension_numbers = #tpu.dot_dimension_numbers<[1], [1], [0], [0], [0, 0, 1, 0], [], []>, transpose_lhs_hint = false} : vector<6x128xf32>, vector<128x128xf32>, vector<6x128xf32> -> vector<6x128xf32>
    %add3A_693 = arith.addf %add3A_624, %dot_general3A_692 : vector<6x128xf32>
    %eq3A_694 = arith.constant 2.000000e+00 : f32
    %eq3A_695 = vector.broadcast %eq3A_694 : f32 to vector<1x128xf32>
    %eq3A_696 = arith.cmpf oeq, %slice3A_652, %eq3A_695 : vector<1x128xf32>
    %jit3A_697 = arith.constant 1.000000e+00 : f32
    %jit3A_698 = arith.constant 0.000000e+00 : f32
    %broadcast_in_dim3A_699 = vector.broadcast %jit3A_697 : f32 to vector<1x128xf32>
    %broadcast_in_dim3A_700 = vector.broadcast %jit3A_698 : f32 to vector<1x128xf32>
    %select_n3A_701 = arith.select %eq3A_696, %broadcast_in_dim3A_699, %broadcast_in_dim3A_700 : vector<1x128xi1>, vector<1x128xf32>
    %mul3A_702 = vector.broadcast %select_n3A_701 : vector<1x128xf32> to vector<6x128xf32>
    %mul3A_703 = arith.mulf %concatenate3A_667, %mul3A_702 : vector<6x128xf32>
    %dot_general3A_704 = arith.constant dense<0.000000e+00> : vector<6x128xf32>
    %dot_general3A_705 = tpu.matmul %mul3A_703, %select_n3A_659, %dot_general3A_704 {dimension_numbers = #tpu.dot_dimension_numbers<[1], [1], [0], [0], [0, 0, 1, 0], [], []>, transpose_lhs_hint = false} : vector<6x128xf32>, vector<128x128xf32>, vector<6x128xf32> -> vector<6x128xf32>
    %add3A_706 = arith.addf %add3A_637, %dot_general3A_705 : vector<6x128xf32>
    %eq3A_707 = arith.constant 3.000000e+00 : f32
    %eq3A_708 = vector.broadcast %eq3A_707 : f32 to vector<1x128xf32>
    %eq3A_709 = arith.cmpf oeq, %slice3A_652, %eq3A_708 : vector<1x128xf32>
    %jit3A_710 = arith.constant 1.000000e+00 : f32
    %jit3A_711 = arith.constant 0.000000e+00 : f32
    %broadcast_in_dim3A_712 = vector.broadcast %jit3A_710 : f32 to vector<1x128xf32>
    %broadcast_in_dim3A_713 = vector.broadcast %jit3A_711 : f32 to vector<1x128xf32>
    %select_n3A_714 = arith.select %eq3A_709, %broadcast_in_dim3A_712, %broadcast_in_dim3A_713 : vector<1x128xi1>, vector<1x128xf32>
    %mul3A_715 = vector.broadcast %select_n3A_714 : vector<1x128xf32> to vector<6x128xf32>
    %mul3A_716 = arith.mulf %concatenate3A_667, %mul3A_715 : vector<6x128xf32>
    %dot_general3A_717 = arith.constant dense<0.000000e+00> : vector<6x128xf32>
    %dot_general3A_718 = tpu.matmul %mul3A_716, %select_n3A_659, %dot_general3A_717 {dimension_numbers = #tpu.dot_dimension_numbers<[1], [1], [0], [0], [0, 0, 1, 0], [], []>, transpose_lhs_hint = false} : vector<6x128xf32>, vector<128x128xf32>, vector<6x128xf32> -> vector<6x128xf32>
    %add3A_719 = arith.addf %add3A_650, %dot_general3A_718 : vector<6x128xf32>
    %slice3A_720 = vector.extract_strided_slice %convert_element_type3A_64 {offsets = [9, 0], sizes = [1, 128], strides = [1, 1]} : vector<32x128xf32> to vector<1x128xf32>
    %slice3A_721 = vector.extract_strided_slice %convert_element_type3A_63 {offsets = [9, 0], sizes = [1, 128], strides = [1, 1]} : vector<32x128xf32> to vector<1x128xf32>
    %eq3A_722 = vector.broadcast %slice3A_720 : vector<1x128xf32> to vector<128x128xf32>
    %eq3A_723 = arith.cmpf oeq, %convert_element_type3A_92, %eq3A_722 : vector<128x128xf32>
    %jit3A_724 = arith.constant 1.000000e+00 : f32
    %jit3A_725 = arith.constant 0.000000e+00 : f32
    %broadcast_in_dim3A_726 = vector.broadcast %jit3A_724 : f32 to vector<128x128xf32>
    %broadcast_in_dim3A_727 = vector.broadcast %jit3A_725 : f32 to vector<128x128xf32>
    %select_n3A_728 = arith.select %eq3A_723, %broadcast_in_dim3A_726, %broadcast_in_dim3A_727 : vector<128x128xi1>, vector<128x128xf32>
    %broadcast_in_dim3A_729 = arith.constant 9.000000e+00 : f32
    %broadcast_in_dim3A_730 = vector.broadcast %broadcast_in_dim3A_729 : f32 to vector<1x128xf32>
    %slice3A_731 = vector.extract_strided_slice %convert_element_type3A_90 {offsets = [9, 0], sizes = [1, 128], strides = [1, 1]} : vector<32x128xf32> to vector<1x128xf32>
    %slice3A_732 = vector.extract_strided_slice %convert_element_type3A_68 {offsets = [9, 0], sizes = [1, 128], strides = [1, 1]} : vector<32x128xf32> to vector<1x128xf32>
    %slice3A_733 = vector.extract_strided_slice %convert_element_type3A_75 {offsets = [9, 0], sizes = [1, 128], strides = [1, 1]} : vector<32x128xf32> to vector<1x128xf32>
    %slice3A_734 = vector.extract_strided_slice %convert_element_type3A_82 {offsets = [9, 0], sizes = [1, 128], strides = [1, 1]} : vector<32x128xf32> to vector<1x128xf32>
    %slice3A_735 = vector.extract_strided_slice %convert_element_type3A_89 {offsets = [9, 0], sizes = [1, 128], strides = [1, 1]} : vector<32x128xf32> to vector<1x128xf32>
    %concatenate3A_736 = tpu.concatenate %broadcast_in_dim3A_730, %slice3A_731, %slice3A_732, %slice3A_733, %slice3A_734, %slice3A_735 in 0 : vector<1x128xf32>, vector<1x128xf32>, vector<1x128xf32>, vector<1x128xf32>, vector<1x128xf32>, vector<1x128xf32> -> vector<6x128xf32>
    %eq3A_737 = arith.constant 0.000000e+00 : f32
    %eq3A_738 = vector.broadcast %eq3A_737 : f32 to vector<1x128xf32>
    %eq3A_739 = arith.cmpf oeq, %slice3A_721, %eq3A_738 : vector<1x128xf32>
    %jit3A_740 = arith.constant 1.000000e+00 : f32
    %jit3A_741 = arith.constant 0.000000e+00 : f32
    %broadcast_in_dim3A_742 = vector.broadcast %jit3A_740 : f32 to vector<1x128xf32>
    %broadcast_in_dim3A_743 = vector.broadcast %jit3A_741 : f32 to vector<1x128xf32>
    %select_n3A_744 = arith.select %eq3A_739, %broadcast_in_dim3A_742, %broadcast_in_dim3A_743 : vector<1x128xi1>, vector<1x128xf32>
    %mul3A_745 = vector.broadcast %select_n3A_744 : vector<1x128xf32> to vector<6x128xf32>
    %mul3A_746 = arith.mulf %concatenate3A_736, %mul3A_745 : vector<6x128xf32>
    %dot_general3A_747 = arith.constant dense<0.000000e+00> : vector<6x128xf32>
    %dot_general3A_748 = tpu.matmul %mul3A_746, %select_n3A_728, %dot_general3A_747 {dimension_numbers = #tpu.dot_dimension_numbers<[1], [1], [0], [0], [0, 0, 1, 0], [], []>, transpose_lhs_hint = false} : vector<6x128xf32>, vector<128x128xf32>, vector<6x128xf32> -> vector<6x128xf32>
    %add3A_749 = arith.addf %add3A_680, %dot_general3A_748 : vector<6x128xf32>
    %eq3A_750 = arith.constant 1.000000e+00 : f32
    %eq3A_751 = vector.broadcast %eq3A_750 : f32 to vector<1x128xf32>
    %eq3A_752 = arith.cmpf oeq, %slice3A_721, %eq3A_751 : vector<1x128xf32>
    %jit3A_753 = arith.constant 1.000000e+00 : f32
    %jit3A_754 = arith.constant 0.000000e+00 : f32
    %broadcast_in_dim3A_755 = vector.broadcast %jit3A_753 : f32 to vector<1x128xf32>
    %broadcast_in_dim3A_756 = vector.broadcast %jit3A_754 : f32 to vector<1x128xf32>
    %select_n3A_757 = arith.select %eq3A_752, %broadcast_in_dim3A_755, %broadcast_in_dim3A_756 : vector<1x128xi1>, vector<1x128xf32>
    %mul3A_758 = vector.broadcast %select_n3A_757 : vector<1x128xf32> to vector<6x128xf32>
    %mul3A_759 = arith.mulf %concatenate3A_736, %mul3A_758 : vector<6x128xf32>
    %dot_general3A_760 = arith.constant dense<0.000000e+00> : vector<6x128xf32>
    %dot_general3A_761 = tpu.matmul %mul3A_759, %select_n3A_728, %dot_general3A_760 {dimension_numbers = #tpu.dot_dimension_numbers<[1], [1], [0], [0], [0, 0, 1, 0], [], []>, transpose_lhs_hint = false} : vector<6x128xf32>, vector<128x128xf32>, vector<6x128xf32> -> vector<6x128xf32>
    %add3A_762 = arith.addf %add3A_693, %dot_general3A_761 : vector<6x128xf32>
    %eq3A_763 = arith.constant 2.000000e+00 : f32
    %eq3A_764 = vector.broadcast %eq3A_763 : f32 to vector<1x128xf32>
    %eq3A_765 = arith.cmpf oeq, %slice3A_721, %eq3A_764 : vector<1x128xf32>
    %jit3A_766 = arith.constant 1.000000e+00 : f32
    %jit3A_767 = arith.constant 0.000000e+00 : f32
    %broadcast_in_dim3A_768 = vector.broadcast %jit3A_766 : f32 to vector<1x128xf32>
    %broadcast_in_dim3A_769 = vector.broadcast %jit3A_767 : f32 to vector<1x128xf32>
    %select_n3A_770 = arith.select %eq3A_765, %broadcast_in_dim3A_768, %broadcast_in_dim3A_769 : vector<1x128xi1>, vector<1x128xf32>
    %mul3A_771 = vector.broadcast %select_n3A_770 : vector<1x128xf32> to vector<6x128xf32>
    %mul3A_772 = arith.mulf %concatenate3A_736, %mul3A_771 : vector<6x128xf32>
    %dot_general3A_773 = arith.constant dense<0.000000e+00> : vector<6x128xf32>
    %dot_general3A_774 = tpu.matmul %mul3A_772, %select_n3A_728, %dot_general3A_773 {dimension_numbers = #tpu.dot_dimension_numbers<[1], [1], [0], [0], [0, 0, 1, 0], [], []>, transpose_lhs_hint = false} : vector<6x128xf32>, vector<128x128xf32>, vector<6x128xf32> -> vector<6x128xf32>
    %add3A_775 = arith.addf %add3A_706, %dot_general3A_774 : vector<6x128xf32>
    %eq3A_776 = arith.constant 3.000000e+00 : f32
    %eq3A_777 = vector.broadcast %eq3A_776 : f32 to vector<1x128xf32>
    %eq3A_778 = arith.cmpf oeq, %slice3A_721, %eq3A_777 : vector<1x128xf32>
    %jit3A_779 = arith.constant 1.000000e+00 : f32
    %jit3A_780 = arith.constant 0.000000e+00 : f32
    %broadcast_in_dim3A_781 = vector.broadcast %jit3A_779 : f32 to vector<1x128xf32>
    %broadcast_in_dim3A_782 = vector.broadcast %jit3A_780 : f32 to vector<1x128xf32>
    %select_n3A_783 = arith.select %eq3A_778, %broadcast_in_dim3A_781, %broadcast_in_dim3A_782 : vector<1x128xi1>, vector<1x128xf32>
    %mul3A_784 = vector.broadcast %select_n3A_783 : vector<1x128xf32> to vector<6x128xf32>
    %mul3A_785 = arith.mulf %concatenate3A_736, %mul3A_784 : vector<6x128xf32>
    %dot_general3A_786 = arith.constant dense<0.000000e+00> : vector<6x128xf32>
    %dot_general3A_787 = tpu.matmul %mul3A_785, %select_n3A_728, %dot_general3A_786 {dimension_numbers = #tpu.dot_dimension_numbers<[1], [1], [0], [0], [0, 0, 1, 0], [], []>, transpose_lhs_hint = false} : vector<6x128xf32>, vector<128x128xf32>, vector<6x128xf32> -> vector<6x128xf32>
    %add3A_788 = arith.addf %add3A_719, %dot_general3A_787 : vector<6x128xf32>
    %slice3A_789 = vector.extract_strided_slice %convert_element_type3A_64 {offsets = [10, 0], sizes = [1, 128], strides = [1, 1]} : vector<32x128xf32> to vector<1x128xf32>
    %slice3A_790 = vector.extract_strided_slice %convert_element_type3A_63 {offsets = [10, 0], sizes = [1, 128], strides = [1, 1]} : vector<32x128xf32> to vector<1x128xf32>
    %eq3A_791 = vector.broadcast %slice3A_789 : vector<1x128xf32> to vector<128x128xf32>
    %eq3A_792 = arith.cmpf oeq, %convert_element_type3A_92, %eq3A_791 : vector<128x128xf32>
    %jit3A_793 = arith.constant 1.000000e+00 : f32
    %jit3A_794 = arith.constant 0.000000e+00 : f32
    %broadcast_in_dim3A_795 = vector.broadcast %jit3A_793 : f32 to vector<128x128xf32>
    %broadcast_in_dim3A_796 = vector.broadcast %jit3A_794 : f32 to vector<128x128xf32>
    %select_n3A_797 = arith.select %eq3A_792, %broadcast_in_dim3A_795, %broadcast_in_dim3A_796 : vector<128x128xi1>, vector<128x128xf32>
    %broadcast_in_dim3A_798 = arith.constant 1.000000e+01 : f32
    %broadcast_in_dim3A_799 = vector.broadcast %broadcast_in_dim3A_798 : f32 to vector<1x128xf32>
    %slice3A_800 = vector.extract_strided_slice %convert_element_type3A_90 {offsets = [10, 0], sizes = [1, 128], strides = [1, 1]} : vector<32x128xf32> to vector<1x128xf32>
    %slice3A_801 = vector.extract_strided_slice %convert_element_type3A_68 {offsets = [10, 0], sizes = [1, 128], strides = [1, 1]} : vector<32x128xf32> to vector<1x128xf32>
    %slice3A_802 = vector.extract_strided_slice %convert_element_type3A_75 {offsets = [10, 0], sizes = [1, 128], strides = [1, 1]} : vector<32x128xf32> to vector<1x128xf32>
    %slice3A_803 = vector.extract_strided_slice %convert_element_type3A_82 {offsets = [10, 0], sizes = [1, 128], strides = [1, 1]} : vector<32x128xf32> to vector<1x128xf32>
    %slice3A_804 = vector.extract_strided_slice %convert_element_type3A_89 {offsets = [10, 0], sizes = [1, 128], strides = [1, 1]} : vector<32x128xf32> to vector<1x128xf32>
    %concatenate3A_805 = tpu.concatenate %broadcast_in_dim3A_799, %slice3A_800, %slice3A_801, %slice3A_802, %slice3A_803, %slice3A_804 in 0 : vector<1x128xf32>, vector<1x128xf32>, vector<1x128xf32>, vector<1x128xf32>, vector<1x128xf32>, vector<1x128xf32> -> vector<6x128xf32>
    %eq3A_806 = arith.constant 0.000000e+00 : f32
    %eq3A_807 = vector.broadcast %eq3A_806 : f32 to vector<1x128xf32>
    %eq3A_808 = arith.cmpf oeq, %slice3A_790, %eq3A_807 : vector<1x128xf32>
    %jit3A_809 = arith.constant 1.000000e+00 : f32
    %jit3A_810 = arith.constant 0.000000e+00 : f32
    %broadcast_in_dim3A_811 = vector.broadcast %jit3A_809 : f32 to vector<1x128xf32>
    %broadcast_in_dim3A_812 = vector.broadcast %jit3A_810 : f32 to vector<1x128xf32>
    %select_n3A_813 = arith.select %eq3A_808, %broadcast_in_dim3A_811, %broadcast_in_dim3A_812 : vector<1x128xi1>, vector<1x128xf32>
    %mul3A_814 = vector.broadcast %select_n3A_813 : vector<1x128xf32> to vector<6x128xf32>
    %mul3A_815 = arith.mulf %concatenate3A_805, %mul3A_814 : vector<6x128xf32>
    %dot_general3A_816 = arith.constant dense<0.000000e+00> : vector<6x128xf32>
    %dot_general3A_817 = tpu.matmul %mul3A_815, %select_n3A_797, %dot_general3A_816 {dimension_numbers = #tpu.dot_dimension_numbers<[1], [1], [0], [0], [0, 0, 1, 0], [], []>, transpose_lhs_hint = false} : vector<6x128xf32>, vector<128x128xf32>, vector<6x128xf32> -> vector<6x128xf32>
    %add3A_818 = arith.addf %add3A_749, %dot_general3A_817 : vector<6x128xf32>
    %eq3A_819 = arith.constant 1.000000e+00 : f32
    %eq3A_820 = vector.broadcast %eq3A_819 : f32 to vector<1x128xf32>
    %eq3A_821 = arith.cmpf oeq, %slice3A_790, %eq3A_820 : vector<1x128xf32>
    %jit3A_822 = arith.constant 1.000000e+00 : f32
    %jit3A_823 = arith.constant 0.000000e+00 : f32
    %broadcast_in_dim3A_824 = vector.broadcast %jit3A_822 : f32 to vector<1x128xf32>
    %broadcast_in_dim3A_825 = vector.broadcast %jit3A_823 : f32 to vector<1x128xf32>
    %select_n3A_826 = arith.select %eq3A_821, %broadcast_in_dim3A_824, %broadcast_in_dim3A_825 : vector<1x128xi1>, vector<1x128xf32>
    %mul3A_827 = vector.broadcast %select_n3A_826 : vector<1x128xf32> to vector<6x128xf32>
    %mul3A_828 = arith.mulf %concatenate3A_805, %mul3A_827 : vector<6x128xf32>
    %dot_general3A_829 = arith.constant dense<0.000000e+00> : vector<6x128xf32>
    %dot_general3A_830 = tpu.matmul %mul3A_828, %select_n3A_797, %dot_general3A_829 {dimension_numbers = #tpu.dot_dimension_numbers<[1], [1], [0], [0], [0, 0, 1, 0], [], []>, transpose_lhs_hint = false} : vector<6x128xf32>, vector<128x128xf32>, vector<6x128xf32> -> vector<6x128xf32>
    %add3A_831 = arith.addf %add3A_762, %dot_general3A_830 : vector<6x128xf32>
    %eq3A_832 = arith.constant 2.000000e+00 : f32
    %eq3A_833 = vector.broadcast %eq3A_832 : f32 to vector<1x128xf32>
    %eq3A_834 = arith.cmpf oeq, %slice3A_790, %eq3A_833 : vector<1x128xf32>
    %jit3A_835 = arith.constant 1.000000e+00 : f32
    %jit3A_836 = arith.constant 0.000000e+00 : f32
    %broadcast_in_dim3A_837 = vector.broadcast %jit3A_835 : f32 to vector<1x128xf32>
    %broadcast_in_dim3A_838 = vector.broadcast %jit3A_836 : f32 to vector<1x128xf32>
    %select_n3A_839 = arith.select %eq3A_834, %broadcast_in_dim3A_837, %broadcast_in_dim3A_838 : vector<1x128xi1>, vector<1x128xf32>
    %mul3A_840 = vector.broadcast %select_n3A_839 : vector<1x128xf32> to vector<6x128xf32>
    %mul3A_841 = arith.mulf %concatenate3A_805, %mul3A_840 : vector<6x128xf32>
    %dot_general3A_842 = arith.constant dense<0.000000e+00> : vector<6x128xf32>
    %dot_general3A_843 = tpu.matmul %mul3A_841, %select_n3A_797, %dot_general3A_842 {dimension_numbers = #tpu.dot_dimension_numbers<[1], [1], [0], [0], [0, 0, 1, 0], [], []>, transpose_lhs_hint = false} : vector<6x128xf32>, vector<128x128xf32>, vector<6x128xf32> -> vector<6x128xf32>
    %add3A_844 = arith.addf %add3A_775, %dot_general3A_843 : vector<6x128xf32>
    %eq3A_845 = arith.constant 3.000000e+00 : f32
    %eq3A_846 = vector.broadcast %eq3A_845 : f32 to vector<1x128xf32>
    %eq3A_847 = arith.cmpf oeq, %slice3A_790, %eq3A_846 : vector<1x128xf32>
    %jit3A_848 = arith.constant 1.000000e+00 : f32
    %jit3A_849 = arith.constant 0.000000e+00 : f32
    %broadcast_in_dim3A_850 = vector.broadcast %jit3A_848 : f32 to vector<1x128xf32>
    %broadcast_in_dim3A_851 = vector.broadcast %jit3A_849 : f32 to vector<1x128xf32>
    %select_n3A_852 = arith.select %eq3A_847, %broadcast_in_dim3A_850, %broadcast_in_dim3A_851 : vector<1x128xi1>, vector<1x128xf32>
    %mul3A_853 = vector.broadcast %select_n3A_852 : vector<1x128xf32> to vector<6x128xf32>
    %mul3A_854 = arith.mulf %concatenate3A_805, %mul3A_853 : vector<6x128xf32>
    %dot_general3A_855 = arith.constant dense<0.000000e+00> : vector<6x128xf32>
    %dot_general3A_856 = tpu.matmul %mul3A_854, %select_n3A_797, %dot_general3A_855 {dimension_numbers = #tpu.dot_dimension_numbers<[1], [1], [0], [0], [0, 0, 1, 0], [], []>, transpose_lhs_hint = false} : vector<6x128xf32>, vector<128x128xf32>, vector<6x128xf32> -> vector<6x128xf32>
    %add3A_857 = arith.addf %add3A_788, %dot_general3A_856 : vector<6x128xf32>
    %slice3A_858 = vector.extract_strided_slice %convert_element_type3A_64 {offsets = [11, 0], sizes = [1, 128], strides = [1, 1]} : vector<32x128xf32> to vector<1x128xf32>
    %slice3A_859 = vector.extract_strided_slice %convert_element_type3A_63 {offsets = [11, 0], sizes = [1, 128], strides = [1, 1]} : vector<32x128xf32> to vector<1x128xf32>
    %eq3A_860 = vector.broadcast %slice3A_858 : vector<1x128xf32> to vector<128x128xf32>
    %eq3A_861 = arith.cmpf oeq, %convert_element_type3A_92, %eq3A_860 : vector<128x128xf32>
    %jit3A_862 = arith.constant 1.000000e+00 : f32
    %jit3A_863 = arith.constant 0.000000e+00 : f32
    %broadcast_in_dim3A_864 = vector.broadcast %jit3A_862 : f32 to vector<128x128xf32>
    %broadcast_in_dim3A_865 = vector.broadcast %jit3A_863 : f32 to vector<128x128xf32>
    %select_n3A_866 = arith.select %eq3A_861, %broadcast_in_dim3A_864, %broadcast_in_dim3A_865 : vector<128x128xi1>, vector<128x128xf32>
    %broadcast_in_dim3A_867 = arith.constant 1.100000e+01 : f32
    %broadcast_in_dim3A_868 = vector.broadcast %broadcast_in_dim3A_867 : f32 to vector<1x128xf32>
    %slice3A_869 = vector.extract_strided_slice %convert_element_type3A_90 {offsets = [11, 0], sizes = [1, 128], strides = [1, 1]} : vector<32x128xf32> to vector<1x128xf32>
    %slice3A_870 = vector.extract_strided_slice %convert_element_type3A_68 {offsets = [11, 0], sizes = [1, 128], strides = [1, 1]} : vector<32x128xf32> to vector<1x128xf32>
    %slice3A_871 = vector.extract_strided_slice %convert_element_type3A_75 {offsets = [11, 0], sizes = [1, 128], strides = [1, 1]} : vector<32x128xf32> to vector<1x128xf32>
    %slice3A_872 = vector.extract_strided_slice %convert_element_type3A_82 {offsets = [11, 0], sizes = [1, 128], strides = [1, 1]} : vector<32x128xf32> to vector<1x128xf32>
    %slice3A_873 = vector.extract_strided_slice %convert_element_type3A_89 {offsets = [11, 0], sizes = [1, 128], strides = [1, 1]} : vector<32x128xf32> to vector<1x128xf32>
    %concatenate3A_874 = tpu.concatenate %broadcast_in_dim3A_868, %slice3A_869, %slice3A_870, %slice3A_871, %slice3A_872, %slice3A_873 in 0 : vector<1x128xf32>, vector<1x128xf32>, vector<1x128xf32>, vector<1x128xf32>, vector<1x128xf32>, vector<1x128xf32> -> vector<6x128xf32>
    %eq3A_875 = arith.constant 0.000000e+00 : f32
    %eq3A_876 = vector.broadcast %eq3A_875 : f32 to vector<1x128xf32>
    %eq3A_877 = arith.cmpf oeq, %slice3A_859, %eq3A_876 : vector<1x128xf32>
    %jit3A_878 = arith.constant 1.000000e+00 : f32
    %jit3A_879 = arith.constant 0.000000e+00 : f32
    %broadcast_in_dim3A_880 = vector.broadcast %jit3A_878 : f32 to vector<1x128xf32>
    %broadcast_in_dim3A_881 = vector.broadcast %jit3A_879 : f32 to vector<1x128xf32>
    %select_n3A_882 = arith.select %eq3A_877, %broadcast_in_dim3A_880, %broadcast_in_dim3A_881 : vector<1x128xi1>, vector<1x128xf32>
    %mul3A_883 = vector.broadcast %select_n3A_882 : vector<1x128xf32> to vector<6x128xf32>
    %mul3A_884 = arith.mulf %concatenate3A_874, %mul3A_883 : vector<6x128xf32>
    %dot_general3A_885 = arith.constant dense<0.000000e+00> : vector<6x128xf32>
    %dot_general3A_886 = tpu.matmul %mul3A_884, %select_n3A_866, %dot_general3A_885 {dimension_numbers = #tpu.dot_dimension_numbers<[1], [1], [0], [0], [0, 0, 1, 0], [], []>, transpose_lhs_hint = false} : vector<6x128xf32>, vector<128x128xf32>, vector<6x128xf32> -> vector<6x128xf32>
    %add3A_887 = arith.addf %add3A_818, %dot_general3A_886 : vector<6x128xf32>
    %eq3A_888 = arith.constant 1.000000e+00 : f32
    %eq3A_889 = vector.broadcast %eq3A_888 : f32 to vector<1x128xf32>
    %eq3A_890 = arith.cmpf oeq, %slice3A_859, %eq3A_889 : vector<1x128xf32>
    %jit3A_891 = arith.constant 1.000000e+00 : f32
    %jit3A_892 = arith.constant 0.000000e+00 : f32
    %broadcast_in_dim3A_893 = vector.broadcast %jit3A_891 : f32 to vector<1x128xf32>
    %broadcast_in_dim3A_894 = vector.broadcast %jit3A_892 : f32 to vector<1x128xf32>
    %select_n3A_895 = arith.select %eq3A_890, %broadcast_in_dim3A_893, %broadcast_in_dim3A_894 : vector<1x128xi1>, vector<1x128xf32>
    %mul3A_896 = vector.broadcast %select_n3A_895 : vector<1x128xf32> to vector<6x128xf32>
    %mul3A_897 = arith.mulf %concatenate3A_874, %mul3A_896 : vector<6x128xf32>
    %dot_general3A_898 = arith.constant dense<0.000000e+00> : vector<6x128xf32>
    %dot_general3A_899 = tpu.matmul %mul3A_897, %select_n3A_866, %dot_general3A_898 {dimension_numbers = #tpu.dot_dimension_numbers<[1], [1], [0], [0], [0, 0, 1, 0], [], []>, transpose_lhs_hint = false} : vector<6x128xf32>, vector<128x128xf32>, vector<6x128xf32> -> vector<6x128xf32>
    %add3A_900 = arith.addf %add3A_831, %dot_general3A_899 : vector<6x128xf32>
    %eq3A_901 = arith.constant 2.000000e+00 : f32
    %eq3A_902 = vector.broadcast %eq3A_901 : f32 to vector<1x128xf32>
    %eq3A_903 = arith.cmpf oeq, %slice3A_859, %eq3A_902 : vector<1x128xf32>
    %jit3A_904 = arith.constant 1.000000e+00 : f32
    %jit3A_905 = arith.constant 0.000000e+00 : f32
    %broadcast_in_dim3A_906 = vector.broadcast %jit3A_904 : f32 to vector<1x128xf32>
    %broadcast_in_dim3A_907 = vector.broadcast %jit3A_905 : f32 to vector<1x128xf32>
    %select_n3A_908 = arith.select %eq3A_903, %broadcast_in_dim3A_906, %broadcast_in_dim3A_907 : vector<1x128xi1>, vector<1x128xf32>
    %mul3A_909 = vector.broadcast %select_n3A_908 : vector<1x128xf32> to vector<6x128xf32>
    %mul3A_910 = arith.mulf %concatenate3A_874, %mul3A_909 : vector<6x128xf32>
    %dot_general3A_911 = arith.constant dense<0.000000e+00> : vector<6x128xf32>
    %dot_general3A_912 = tpu.matmul %mul3A_910, %select_n3A_866, %dot_general3A_911 {dimension_numbers = #tpu.dot_dimension_numbers<[1], [1], [0], [0], [0, 0, 1, 0], [], []>, transpose_lhs_hint = false} : vector<6x128xf32>, vector<128x128xf32>, vector<6x128xf32> -> vector<6x128xf32>
    %add3A_913 = arith.addf %add3A_844, %dot_general3A_912 : vector<6x128xf32>
    %eq3A_914 = arith.constant 3.000000e+00 : f32
    %eq3A_915 = vector.broadcast %eq3A_914 : f32 to vector<1x128xf32>
    %eq3A_916 = arith.cmpf oeq, %slice3A_859, %eq3A_915 : vector<1x128xf32>
    %jit3A_917 = arith.constant 1.000000e+00 : f32
    %jit3A_918 = arith.constant 0.000000e+00 : f32
    %broadcast_in_dim3A_919 = vector.broadcast %jit3A_917 : f32 to vector<1x128xf32>
    %broadcast_in_dim3A_920 = vector.broadcast %jit3A_918 : f32 to vector<1x128xf32>
    %select_n3A_921 = arith.select %eq3A_916, %broadcast_in_dim3A_919, %broadcast_in_dim3A_920 : vector<1x128xi1>, vector<1x128xf32>
    %mul3A_922 = vector.broadcast %select_n3A_921 : vector<1x128xf32> to vector<6x128xf32>
    %mul3A_923 = arith.mulf %concatenate3A_874, %mul3A_922 : vector<6x128xf32>
    %dot_general3A_924 = arith.constant dense<0.000000e+00> : vector<6x128xf32>
    %dot_general3A_925 = tpu.matmul %mul3A_923, %select_n3A_866, %dot_general3A_924 {dimension_numbers = #tpu.dot_dimension_numbers<[1], [1], [0], [0], [0, 0, 1, 0], [], []>, transpose_lhs_hint = false} : vector<6x128xf32>, vector<128x128xf32>, vector<6x128xf32> -> vector<6x128xf32>
    %add3A_926 = arith.addf %add3A_857, %dot_general3A_925 : vector<6x128xf32>
    %slice3A_927 = vector.extract_strided_slice %convert_element_type3A_64 {offsets = [12, 0], sizes = [1, 128], strides = [1, 1]} : vector<32x128xf32> to vector<1x128xf32>
    %slice3A_928 = vector.extract_strided_slice %convert_element_type3A_63 {offsets = [12, 0], sizes = [1, 128], strides = [1, 1]} : vector<32x128xf32> to vector<1x128xf32>
    %eq3A_929 = vector.broadcast %slice3A_927 : vector<1x128xf32> to vector<128x128xf32>
    %eq3A_930 = arith.cmpf oeq, %convert_element_type3A_92, %eq3A_929 : vector<128x128xf32>
    %jit3A_931 = arith.constant 1.000000e+00 : f32
    %jit3A_932 = arith.constant 0.000000e+00 : f32
    %broadcast_in_dim3A_933 = vector.broadcast %jit3A_931 : f32 to vector<128x128xf32>
    %broadcast_in_dim3A_934 = vector.broadcast %jit3A_932 : f32 to vector<128x128xf32>
    %select_n3A_935 = arith.select %eq3A_930, %broadcast_in_dim3A_933, %broadcast_in_dim3A_934 : vector<128x128xi1>, vector<128x128xf32>
    %broadcast_in_dim3A_936 = arith.constant 1.200000e+01 : f32
    %broadcast_in_dim3A_937 = vector.broadcast %broadcast_in_dim3A_936 : f32 to vector<1x128xf32>
    %slice3A_938 = vector.extract_strided_slice %convert_element_type3A_90 {offsets = [12, 0], sizes = [1, 128], strides = [1, 1]} : vector<32x128xf32> to vector<1x128xf32>
    %slice3A_939 = vector.extract_strided_slice %convert_element_type3A_68 {offsets = [12, 0], sizes = [1, 128], strides = [1, 1]} : vector<32x128xf32> to vector<1x128xf32>
    %slice3A_940 = vector.extract_strided_slice %convert_element_type3A_75 {offsets = [12, 0], sizes = [1, 128], strides = [1, 1]} : vector<32x128xf32> to vector<1x128xf32>
    %slice3A_941 = vector.extract_strided_slice %convert_element_type3A_82 {offsets = [12, 0], sizes = [1, 128], strides = [1, 1]} : vector<32x128xf32> to vector<1x128xf32>
    %slice3A_942 = vector.extract_strided_slice %convert_element_type3A_89 {offsets = [12, 0], sizes = [1, 128], strides = [1, 1]} : vector<32x128xf32> to vector<1x128xf32>
    %concatenate3A_943 = tpu.concatenate %broadcast_in_dim3A_937, %slice3A_938, %slice3A_939, %slice3A_940, %slice3A_941, %slice3A_942 in 0 : vector<1x128xf32>, vector<1x128xf32>, vector<1x128xf32>, vector<1x128xf32>, vector<1x128xf32>, vector<1x128xf32> -> vector<6x128xf32>
    %eq3A_944 = arith.constant 0.000000e+00 : f32
    %eq3A_945 = vector.broadcast %eq3A_944 : f32 to vector<1x128xf32>
    %eq3A_946 = arith.cmpf oeq, %slice3A_928, %eq3A_945 : vector<1x128xf32>
    %jit3A_947 = arith.constant 1.000000e+00 : f32
    %jit3A_948 = arith.constant 0.000000e+00 : f32
    %broadcast_in_dim3A_949 = vector.broadcast %jit3A_947 : f32 to vector<1x128xf32>
    %broadcast_in_dim3A_950 = vector.broadcast %jit3A_948 : f32 to vector<1x128xf32>
    %select_n3A_951 = arith.select %eq3A_946, %broadcast_in_dim3A_949, %broadcast_in_dim3A_950 : vector<1x128xi1>, vector<1x128xf32>
    %mul3A_952 = vector.broadcast %select_n3A_951 : vector<1x128xf32> to vector<6x128xf32>
    %mul3A_953 = arith.mulf %concatenate3A_943, %mul3A_952 : vector<6x128xf32>
    %dot_general3A_954 = arith.constant dense<0.000000e+00> : vector<6x128xf32>
    %dot_general3A_955 = tpu.matmul %mul3A_953, %select_n3A_935, %dot_general3A_954 {dimension_numbers = #tpu.dot_dimension_numbers<[1], [1], [0], [0], [0, 0, 1, 0], [], []>, transpose_lhs_hint = false} : vector<6x128xf32>, vector<128x128xf32>, vector<6x128xf32> -> vector<6x128xf32>
    %add3A_956 = arith.addf %add3A_887, %dot_general3A_955 : vector<6x128xf32>
    %eq3A_957 = arith.constant 1.000000e+00 : f32
    %eq3A_958 = vector.broadcast %eq3A_957 : f32 to vector<1x128xf32>
    %eq3A_959 = arith.cmpf oeq, %slice3A_928, %eq3A_958 : vector<1x128xf32>
    %jit3A_960 = arith.constant 1.000000e+00 : f32
    %jit3A_961 = arith.constant 0.000000e+00 : f32
    %broadcast_in_dim3A_962 = vector.broadcast %jit3A_960 : f32 to vector<1x128xf32>
    %broadcast_in_dim3A_963 = vector.broadcast %jit3A_961 : f32 to vector<1x128xf32>
    %select_n3A_964 = arith.select %eq3A_959, %broadcast_in_dim3A_962, %broadcast_in_dim3A_963 : vector<1x128xi1>, vector<1x128xf32>
    %mul3A_965 = vector.broadcast %select_n3A_964 : vector<1x128xf32> to vector<6x128xf32>
    %mul3A_966 = arith.mulf %concatenate3A_943, %mul3A_965 : vector<6x128xf32>
    %dot_general3A_967 = arith.constant dense<0.000000e+00> : vector<6x128xf32>
    %dot_general3A_968 = tpu.matmul %mul3A_966, %select_n3A_935, %dot_general3A_967 {dimension_numbers = #tpu.dot_dimension_numbers<[1], [1], [0], [0], [0, 0, 1, 0], [], []>, transpose_lhs_hint = false} : vector<6x128xf32>, vector<128x128xf32>, vector<6x128xf32> -> vector<6x128xf32>
    %add3A_969 = arith.addf %add3A_900, %dot_general3A_968 : vector<6x128xf32>
    %eq3A_970 = arith.constant 2.000000e+00 : f32
    %eq3A_971 = vector.broadcast %eq3A_970 : f32 to vector<1x128xf32>
    %eq3A_972 = arith.cmpf oeq, %slice3A_928, %eq3A_971 : vector<1x128xf32>
    %jit3A_973 = arith.constant 1.000000e+00 : f32
    %jit3A_974 = arith.constant 0.000000e+00 : f32
    %broadcast_in_dim3A_975 = vector.broadcast %jit3A_973 : f32 to vector<1x128xf32>
    %broadcast_in_dim3A_976 = vector.broadcast %jit3A_974 : f32 to vector<1x128xf32>
    %select_n3A_977 = arith.select %eq3A_972, %broadcast_in_dim3A_975, %broadcast_in_dim3A_976 : vector<1x128xi1>, vector<1x128xf32>
    %mul3A_978 = vector.broadcast %select_n3A_977 : vector<1x128xf32> to vector<6x128xf32>
    %mul3A_979 = arith.mulf %concatenate3A_943, %mul3A_978 : vector<6x128xf32>
    %dot_general3A_980 = arith.constant dense<0.000000e+00> : vector<6x128xf32>
    %dot_general3A_981 = tpu.matmul %mul3A_979, %select_n3A_935, %dot_general3A_980 {dimension_numbers = #tpu.dot_dimension_numbers<[1], [1], [0], [0], [0, 0, 1, 0], [], []>, transpose_lhs_hint = false} : vector<6x128xf32>, vector<128x128xf32>, vector<6x128xf32> -> vector<6x128xf32>
    %add3A_982 = arith.addf %add3A_913, %dot_general3A_981 : vector<6x128xf32>
    %eq3A_983 = arith.constant 3.000000e+00 : f32
    %eq3A_984 = vector.broadcast %eq3A_983 : f32 to vector<1x128xf32>
    %eq3A_985 = arith.cmpf oeq, %slice3A_928, %eq3A_984 : vector<1x128xf32>
    %jit3A_986 = arith.constant 1.000000e+00 : f32
    %jit3A_987 = arith.constant 0.000000e+00 : f32
    %broadcast_in_dim3A_988 = vector.broadcast %jit3A_986 : f32 to vector<1x128xf32>
    %broadcast_in_dim3A_989 = vector.broadcast %jit3A_987 : f32 to vector<1x128xf32>
    %select_n3A_990 = arith.select %eq3A_985, %broadcast_in_dim3A_988, %broadcast_in_dim3A_989 : vector<1x128xi1>, vector<1x128xf32>
    %mul3A_991 = vector.broadcast %select_n3A_990 : vector<1x128xf32> to vector<6x128xf32>
    %mul3A_992 = arith.mulf %concatenate3A_943, %mul3A_991 : vector<6x128xf32>
    %dot_general3A_993 = arith.constant dense<0.000000e+00> : vector<6x128xf32>
    %dot_general3A_994 = tpu.matmul %mul3A_992, %select_n3A_935, %dot_general3A_993 {dimension_numbers = #tpu.dot_dimension_numbers<[1], [1], [0], [0], [0, 0, 1, 0], [], []>, transpose_lhs_hint = false} : vector<6x128xf32>, vector<128x128xf32>, vector<6x128xf32> -> vector<6x128xf32>
    %add3A_995 = arith.addf %add3A_926, %dot_general3A_994 : vector<6x128xf32>
    %slice3A_996 = vector.extract_strided_slice %convert_element_type3A_64 {offsets = [13, 0], sizes = [1, 128], strides = [1, 1]} : vector<32x128xf32> to vector<1x128xf32>
    %slice3A_997 = vector.extract_strided_slice %convert_element_type3A_63 {offsets = [13, 0], sizes = [1, 128], strides = [1, 1]} : vector<32x128xf32> to vector<1x128xf32>
    %eq3A_998 = vector.broadcast %slice3A_996 : vector<1x128xf32> to vector<128x128xf32>
    %eq3A_999 = arith.cmpf oeq, %convert_element_type3A_92, %eq3A_998 : vector<128x128xf32>
    %jit3A_1000 = arith.constant 1.000000e+00 : f32
    %jit3A_1001 = arith.constant 0.000000e+00 : f32
    %broadcast_in_dim3A_1002 = vector.broadcast %jit3A_1000 : f32 to vector<128x128xf32>
    %broadcast_in_dim3A_1003 = vector.broadcast %jit3A_1001 : f32 to vector<128x128xf32>
    %select_n3A_1004 = arith.select %eq3A_999, %broadcast_in_dim3A_1002, %broadcast_in_dim3A_1003 : vector<128x128xi1>, vector<128x128xf32>
    %broadcast_in_dim3A_1005 = arith.constant 1.300000e+01 : f32
    %broadcast_in_dim3A_1006 = vector.broadcast %broadcast_in_dim3A_1005 : f32 to vector<1x128xf32>
    %slice3A_1007 = vector.extract_strided_slice %convert_element_type3A_90 {offsets = [13, 0], sizes = [1, 128], strides = [1, 1]} : vector<32x128xf32> to vector<1x128xf32>
    %slice3A_1008 = vector.extract_strided_slice %convert_element_type3A_68 {offsets = [13, 0], sizes = [1, 128], strides = [1, 1]} : vector<32x128xf32> to vector<1x128xf32>
    %slice3A_1009 = vector.extract_strided_slice %convert_element_type3A_75 {offsets = [13, 0], sizes = [1, 128], strides = [1, 1]} : vector<32x128xf32> to vector<1x128xf32>
    %slice3A_1010 = vector.extract_strided_slice %convert_element_type3A_82 {offsets = [13, 0], sizes = [1, 128], strides = [1, 1]} : vector<32x128xf32> to vector<1x128xf32>
    %slice3A_1011 = vector.extract_strided_slice %convert_element_type3A_89 {offsets = [13, 0], sizes = [1, 128], strides = [1, 1]} : vector<32x128xf32> to vector<1x128xf32>
    %concatenate3A_1012 = tpu.concatenate %broadcast_in_dim3A_1006, %slice3A_1007, %slice3A_1008, %slice3A_1009, %slice3A_1010, %slice3A_1011 in 0 : vector<1x128xf32>, vector<1x128xf32>, vector<1x128xf32>, vector<1x128xf32>, vector<1x128xf32>, vector<1x128xf32> -> vector<6x128xf32>
    %eq3A_1013 = arith.constant 0.000000e+00 : f32
    %eq3A_1014 = vector.broadcast %eq3A_1013 : f32 to vector<1x128xf32>
    %eq3A_1015 = arith.cmpf oeq, %slice3A_997, %eq3A_1014 : vector<1x128xf32>
    %jit3A_1016 = arith.constant 1.000000e+00 : f32
    %jit3A_1017 = arith.constant 0.000000e+00 : f32
    %broadcast_in_dim3A_1018 = vector.broadcast %jit3A_1016 : f32 to vector<1x128xf32>
    %broadcast_in_dim3A_1019 = vector.broadcast %jit3A_1017 : f32 to vector<1x128xf32>
    %select_n3A_1020 = arith.select %eq3A_1015, %broadcast_in_dim3A_1018, %broadcast_in_dim3A_1019 : vector<1x128xi1>, vector<1x128xf32>
    %mul3A_1021 = vector.broadcast %select_n3A_1020 : vector<1x128xf32> to vector<6x128xf32>
    %mul3A_1022 = arith.mulf %concatenate3A_1012, %mul3A_1021 : vector<6x128xf32>
    %dot_general3A_1023 = arith.constant dense<0.000000e+00> : vector<6x128xf32>
    %dot_general3A_1024 = tpu.matmul %mul3A_1022, %select_n3A_1004, %dot_general3A_1023 {dimension_numbers = #tpu.dot_dimension_numbers<[1], [1], [0], [0], [0, 0, 1, 0], [], []>, transpose_lhs_hint = false} : vector<6x128xf32>, vector<128x128xf32>, vector<6x128xf32> -> vector<6x128xf32>
    %add3A_1025 = arith.addf %add3A_956, %dot_general3A_1024 : vector<6x128xf32>
    %eq3A_1026 = arith.constant 1.000000e+00 : f32
    %eq3A_1027 = vector.broadcast %eq3A_1026 : f32 to vector<1x128xf32>
    %eq3A_1028 = arith.cmpf oeq, %slice3A_997, %eq3A_1027 : vector<1x128xf32>
    %jit3A_1029 = arith.constant 1.000000e+00 : f32
    %jit3A_1030 = arith.constant 0.000000e+00 : f32
    %broadcast_in_dim3A_1031 = vector.broadcast %jit3A_1029 : f32 to vector<1x128xf32>
    %broadcast_in_dim3A_1032 = vector.broadcast %jit3A_1030 : f32 to vector<1x128xf32>
    %select_n3A_1033 = arith.select %eq3A_1028, %broadcast_in_dim3A_1031, %broadcast_in_dim3A_1032 : vector<1x128xi1>, vector<1x128xf32>
    %mul3A_1034 = vector.broadcast %select_n3A_1033 : vector<1x128xf32> to vector<6x128xf32>
    %mul3A_1035 = arith.mulf %concatenate3A_1012, %mul3A_1034 : vector<6x128xf32>
    %dot_general3A_1036 = arith.constant dense<0.000000e+00> : vector<6x128xf32>
    %dot_general3A_1037 = tpu.matmul %mul3A_1035, %select_n3A_1004, %dot_general3A_1036 {dimension_numbers = #tpu.dot_dimension_numbers<[1], [1], [0], [0], [0, 0, 1, 0], [], []>, transpose_lhs_hint = false} : vector<6x128xf32>, vector<128x128xf32>, vector<6x128xf32> -> vector<6x128xf32>
    %add3A_1038 = arith.addf %add3A_969, %dot_general3A_1037 : vector<6x128xf32>
    %eq3A_1039 = arith.constant 2.000000e+00 : f32
    %eq3A_1040 = vector.broadcast %eq3A_1039 : f32 to vector<1x128xf32>
    %eq3A_1041 = arith.cmpf oeq, %slice3A_997, %eq3A_1040 : vector<1x128xf32>
    %jit3A_1042 = arith.constant 1.000000e+00 : f32
    %jit3A_1043 = arith.constant 0.000000e+00 : f32
    %broadcast_in_dim3A_1044 = vector.broadcast %jit3A_1042 : f32 to vector<1x128xf32>
    %broadcast_in_dim3A_1045 = vector.broadcast %jit3A_1043 : f32 to vector<1x128xf32>
    %select_n3A_1046 = arith.select %eq3A_1041, %broadcast_in_dim3A_1044, %broadcast_in_dim3A_1045 : vector<1x128xi1>, vector<1x128xf32>
    %mul3A_1047 = vector.broadcast %select_n3A_1046 : vector<1x128xf32> to vector<6x128xf32>
    %mul3A_1048 = arith.mulf %concatenate3A_1012, %mul3A_1047 : vector<6x128xf32>
    %dot_general3A_1049 = arith.constant dense<0.000000e+00> : vector<6x128xf32>
    %dot_general3A_1050 = tpu.matmul %mul3A_1048, %select_n3A_1004, %dot_general3A_1049 {dimension_numbers = #tpu.dot_dimension_numbers<[1], [1], [0], [0], [0, 0, 1, 0], [], []>, transpose_lhs_hint = false} : vector<6x128xf32>, vector<128x128xf32>, vector<6x128xf32> -> vector<6x128xf32>
    %add3A_1051 = arith.addf %add3A_982, %dot_general3A_1050 : vector<6x128xf32>
    %eq3A_1052 = arith.constant 3.000000e+00 : f32
    %eq3A_1053 = vector.broadcast %eq3A_1052 : f32 to vector<1x128xf32>
    %eq3A_1054 = arith.cmpf oeq, %slice3A_997, %eq3A_1053 : vector<1x128xf32>
    %jit3A_1055 = arith.constant 1.000000e+00 : f32
    %jit3A_1056 = arith.constant 0.000000e+00 : f32
    %broadcast_in_dim3A_1057 = vector.broadcast %jit3A_1055 : f32 to vector<1x128xf32>
    %broadcast_in_dim3A_1058 = vector.broadcast %jit3A_1056 : f32 to vector<1x128xf32>
    %select_n3A_1059 = arith.select %eq3A_1054, %broadcast_in_dim3A_1057, %broadcast_in_dim3A_1058 : vector<1x128xi1>, vector<1x128xf32>
    %mul3A_1060 = vector.broadcast %select_n3A_1059 : vector<1x128xf32> to vector<6x128xf32>
    %mul3A_1061 = arith.mulf %concatenate3A_1012, %mul3A_1060 : vector<6x128xf32>
    %dot_general3A_1062 = arith.constant dense<0.000000e+00> : vector<6x128xf32>
    %dot_general3A_1063 = tpu.matmul %mul3A_1061, %select_n3A_1004, %dot_general3A_1062 {dimension_numbers = #tpu.dot_dimension_numbers<[1], [1], [0], [0], [0, 0, 1, 0], [], []>, transpose_lhs_hint = false} : vector<6x128xf32>, vector<128x128xf32>, vector<6x128xf32> -> vector<6x128xf32>
    %add3A_1064 = arith.addf %add3A_995, %dot_general3A_1063 : vector<6x128xf32>
    %slice3A_1065 = vector.extract_strided_slice %convert_element_type3A_64 {offsets = [14, 0], sizes = [1, 128], strides = [1, 1]} : vector<32x128xf32> to vector<1x128xf32>
    %slice3A_1066 = vector.extract_strided_slice %convert_element_type3A_63 {offsets = [14, 0], sizes = [1, 128], strides = [1, 1]} : vector<32x128xf32> to vector<1x128xf32>
    %eq3A_1067 = vector.broadcast %slice3A_1065 : vector<1x128xf32> to vector<128x128xf32>
    %eq3A_1068 = arith.cmpf oeq, %convert_element_type3A_92, %eq3A_1067 : vector<128x128xf32>
    %jit3A_1069 = arith.constant 1.000000e+00 : f32
    %jit3A_1070 = arith.constant 0.000000e+00 : f32
    %broadcast_in_dim3A_1071 = vector.broadcast %jit3A_1069 : f32 to vector<128x128xf32>
    %broadcast_in_dim3A_1072 = vector.broadcast %jit3A_1070 : f32 to vector<128x128xf32>
    %select_n3A_1073 = arith.select %eq3A_1068, %broadcast_in_dim3A_1071, %broadcast_in_dim3A_1072 : vector<128x128xi1>, vector<128x128xf32>
    %broadcast_in_dim3A_1074 = arith.constant 1.400000e+01 : f32
    %broadcast_in_dim3A_1075 = vector.broadcast %broadcast_in_dim3A_1074 : f32 to vector<1x128xf32>
    %slice3A_1076 = vector.extract_strided_slice %convert_element_type3A_90 {offsets = [14, 0], sizes = [1, 128], strides = [1, 1]} : vector<32x128xf32> to vector<1x128xf32>
    %slice3A_1077 = vector.extract_strided_slice %convert_element_type3A_68 {offsets = [14, 0], sizes = [1, 128], strides = [1, 1]} : vector<32x128xf32> to vector<1x128xf32>
    %slice3A_1078 = vector.extract_strided_slice %convert_element_type3A_75 {offsets = [14, 0], sizes = [1, 128], strides = [1, 1]} : vector<32x128xf32> to vector<1x128xf32>
    %slice3A_1079 = vector.extract_strided_slice %convert_element_type3A_82 {offsets = [14, 0], sizes = [1, 128], strides = [1, 1]} : vector<32x128xf32> to vector<1x128xf32>
    %slice3A_1080 = vector.extract_strided_slice %convert_element_type3A_89 {offsets = [14, 0], sizes = [1, 128], strides = [1, 1]} : vector<32x128xf32> to vector<1x128xf32>
    %concatenate3A_1081 = tpu.concatenate %broadcast_in_dim3A_1075, %slice3A_1076, %slice3A_1077, %slice3A_1078, %slice3A_1079, %slice3A_1080 in 0 : vector<1x128xf32>, vector<1x128xf32>, vector<1x128xf32>, vector<1x128xf32>, vector<1x128xf32>, vector<1x128xf32> -> vector<6x128xf32>
    %eq3A_1082 = arith.constant 0.000000e+00 : f32
    %eq3A_1083 = vector.broadcast %eq3A_1082 : f32 to vector<1x128xf32>
    %eq3A_1084 = arith.cmpf oeq, %slice3A_1066, %eq3A_1083 : vector<1x128xf32>
    %jit3A_1085 = arith.constant 1.000000e+00 : f32
    %jit3A_1086 = arith.constant 0.000000e+00 : f32
    %broadcast_in_dim3A_1087 = vector.broadcast %jit3A_1085 : f32 to vector<1x128xf32>
    %broadcast_in_dim3A_1088 = vector.broadcast %jit3A_1086 : f32 to vector<1x128xf32>
    %select_n3A_1089 = arith.select %eq3A_1084, %broadcast_in_dim3A_1087, %broadcast_in_dim3A_1088 : vector<1x128xi1>, vector<1x128xf32>
    %mul3A_1090 = vector.broadcast %select_n3A_1089 : vector<1x128xf32> to vector<6x128xf32>
    %mul3A_1091 = arith.mulf %concatenate3A_1081, %mul3A_1090 : vector<6x128xf32>
    %dot_general3A_1092 = arith.constant dense<0.000000e+00> : vector<6x128xf32>
    %dot_general3A_1093 = tpu.matmul %mul3A_1091, %select_n3A_1073, %dot_general3A_1092 {dimension_numbers = #tpu.dot_dimension_numbers<[1], [1], [0], [0], [0, 0, 1, 0], [], []>, transpose_lhs_hint = false} : vector<6x128xf32>, vector<128x128xf32>, vector<6x128xf32> -> vector<6x128xf32>
    %add3A_1094 = arith.addf %add3A_1025, %dot_general3A_1093 : vector<6x128xf32>
    %eq3A_1095 = arith.constant 1.000000e+00 : f32
    %eq3A_1096 = vector.broadcast %eq3A_1095 : f32 to vector<1x128xf32>
    %eq3A_1097 = arith.cmpf oeq, %slice3A_1066, %eq3A_1096 : vector<1x128xf32>
    %jit3A_1098 = arith.constant 1.000000e+00 : f32
    %jit3A_1099 = arith.constant 0.000000e+00 : f32
    %broadcast_in_dim3A_1100 = vector.broadcast %jit3A_1098 : f32 to vector<1x128xf32>
    %broadcast_in_dim3A_1101 = vector.broadcast %jit3A_1099 : f32 to vector<1x128xf32>
    %select_n3A_1102 = arith.select %eq3A_1097, %broadcast_in_dim3A_1100, %broadcast_in_dim3A_1101 : vector<1x128xi1>, vector<1x128xf32>
    %mul3A_1103 = vector.broadcast %select_n3A_1102 : vector<1x128xf32> to vector<6x128xf32>
    %mul3A_1104 = arith.mulf %concatenate3A_1081, %mul3A_1103 : vector<6x128xf32>
    %dot_general3A_1105 = arith.constant dense<0.000000e+00> : vector<6x128xf32>
    %dot_general3A_1106 = tpu.matmul %mul3A_1104, %select_n3A_1073, %dot_general3A_1105 {dimension_numbers = #tpu.dot_dimension_numbers<[1], [1], [0], [0], [0, 0, 1, 0], [], []>, transpose_lhs_hint = false} : vector<6x128xf32>, vector<128x128xf32>, vector<6x128xf32> -> vector<6x128xf32>
    %add3A_1107 = arith.addf %add3A_1038, %dot_general3A_1106 : vector<6x128xf32>
    %eq3A_1108 = arith.constant 2.000000e+00 : f32
    %eq3A_1109 = vector.broadcast %eq3A_1108 : f32 to vector<1x128xf32>
    %eq3A_1110 = arith.cmpf oeq, %slice3A_1066, %eq3A_1109 : vector<1x128xf32>
    %jit3A_1111 = arith.constant 1.000000e+00 : f32
    %jit3A_1112 = arith.constant 0.000000e+00 : f32
    %broadcast_in_dim3A_1113 = vector.broadcast %jit3A_1111 : f32 to vector<1x128xf32>
    %broadcast_in_dim3A_1114 = vector.broadcast %jit3A_1112 : f32 to vector<1x128xf32>
    %select_n3A_1115 = arith.select %eq3A_1110, %broadcast_in_dim3A_1113, %broadcast_in_dim3A_1114 : vector<1x128xi1>, vector<1x128xf32>
    %mul3A_1116 = vector.broadcast %select_n3A_1115 : vector<1x128xf32> to vector<6x128xf32>
    %mul3A_1117 = arith.mulf %concatenate3A_1081, %mul3A_1116 : vector<6x128xf32>
    %dot_general3A_1118 = arith.constant dense<0.000000e+00> : vector<6x128xf32>
    %dot_general3A_1119 = tpu.matmul %mul3A_1117, %select_n3A_1073, %dot_general3A_1118 {dimension_numbers = #tpu.dot_dimension_numbers<[1], [1], [0], [0], [0, 0, 1, 0], [], []>, transpose_lhs_hint = false} : vector<6x128xf32>, vector<128x128xf32>, vector<6x128xf32> -> vector<6x128xf32>
    %add3A_1120 = arith.addf %add3A_1051, %dot_general3A_1119 : vector<6x128xf32>
    %eq3A_1121 = arith.constant 3.000000e+00 : f32
    %eq3A_1122 = vector.broadcast %eq3A_1121 : f32 to vector<1x128xf32>
    %eq3A_1123 = arith.cmpf oeq, %slice3A_1066, %eq3A_1122 : vector<1x128xf32>
    %jit3A_1124 = arith.constant 1.000000e+00 : f32
    %jit3A_1125 = arith.constant 0.000000e+00 : f32
    %broadcast_in_dim3A_1126 = vector.broadcast %jit3A_1124 : f32 to vector<1x128xf32>
    %broadcast_in_dim3A_1127 = vector.broadcast %jit3A_1125 : f32 to vector<1x128xf32>
    %select_n3A_1128 = arith.select %eq3A_1123, %broadcast_in_dim3A_1126, %broadcast_in_dim3A_1127 : vector<1x128xi1>, vector<1x128xf32>
    %mul3A_1129 = vector.broadcast %select_n3A_1128 : vector<1x128xf32> to vector<6x128xf32>
    %mul3A_1130 = arith.mulf %concatenate3A_1081, %mul3A_1129 : vector<6x128xf32>
    %dot_general3A_1131 = arith.constant dense<0.000000e+00> : vector<6x128xf32>
    %dot_general3A_1132 = tpu.matmul %mul3A_1130, %select_n3A_1073, %dot_general3A_1131 {dimension_numbers = #tpu.dot_dimension_numbers<[1], [1], [0], [0], [0, 0, 1, 0], [], []>, transpose_lhs_hint = false} : vector<6x128xf32>, vector<128x128xf32>, vector<6x128xf32> -> vector<6x128xf32>
    %add3A_1133 = arith.addf %add3A_1064, %dot_general3A_1132 : vector<6x128xf32>
    %slice3A_1134 = vector.extract_strided_slice %convert_element_type3A_64 {offsets = [15, 0], sizes = [1, 128], strides = [1, 1]} : vector<32x128xf32> to vector<1x128xf32>
    %slice3A_1135 = vector.extract_strided_slice %convert_element_type3A_63 {offsets = [15, 0], sizes = [1, 128], strides = [1, 1]} : vector<32x128xf32> to vector<1x128xf32>
    %eq3A_1136 = vector.broadcast %slice3A_1134 : vector<1x128xf32> to vector<128x128xf32>
    %eq3A_1137 = arith.cmpf oeq, %convert_element_type3A_92, %eq3A_1136 : vector<128x128xf32>
    %jit3A_1138 = arith.constant 1.000000e+00 : f32
    %jit3A_1139 = arith.constant 0.000000e+00 : f32
    %broadcast_in_dim3A_1140 = vector.broadcast %jit3A_1138 : f32 to vector<128x128xf32>
    %broadcast_in_dim3A_1141 = vector.broadcast %jit3A_1139 : f32 to vector<128x128xf32>
    %select_n3A_1142 = arith.select %eq3A_1137, %broadcast_in_dim3A_1140, %broadcast_in_dim3A_1141 : vector<128x128xi1>, vector<128x128xf32>
    %broadcast_in_dim3A_1143 = arith.constant 1.500000e+01 : f32
    %broadcast_in_dim3A_1144 = vector.broadcast %broadcast_in_dim3A_1143 : f32 to vector<1x128xf32>
    %slice3A_1145 = vector.extract_strided_slice %convert_element_type3A_90 {offsets = [15, 0], sizes = [1, 128], strides = [1, 1]} : vector<32x128xf32> to vector<1x128xf32>
    %slice3A_1146 = vector.extract_strided_slice %convert_element_type3A_68 {offsets = [15, 0], sizes = [1, 128], strides = [1, 1]} : vector<32x128xf32> to vector<1x128xf32>
    %slice3A_1147 = vector.extract_strided_slice %convert_element_type3A_75 {offsets = [15, 0], sizes = [1, 128], strides = [1, 1]} : vector<32x128xf32> to vector<1x128xf32>
    %slice3A_1148 = vector.extract_strided_slice %convert_element_type3A_82 {offsets = [15, 0], sizes = [1, 128], strides = [1, 1]} : vector<32x128xf32> to vector<1x128xf32>
    %slice3A_1149 = vector.extract_strided_slice %convert_element_type3A_89 {offsets = [15, 0], sizes = [1, 128], strides = [1, 1]} : vector<32x128xf32> to vector<1x128xf32>
    %concatenate3A_1150 = tpu.concatenate %broadcast_in_dim3A_1144, %slice3A_1145, %slice3A_1146, %slice3A_1147, %slice3A_1148, %slice3A_1149 in 0 : vector<1x128xf32>, vector<1x128xf32>, vector<1x128xf32>, vector<1x128xf32>, vector<1x128xf32>, vector<1x128xf32> -> vector<6x128xf32>
    %eq3A_1151 = arith.constant 0.000000e+00 : f32
    %eq3A_1152 = vector.broadcast %eq3A_1151 : f32 to vector<1x128xf32>
    %eq3A_1153 = arith.cmpf oeq, %slice3A_1135, %eq3A_1152 : vector<1x128xf32>
    %jit3A_1154 = arith.constant 1.000000e+00 : f32
    %jit3A_1155 = arith.constant 0.000000e+00 : f32
    %broadcast_in_dim3A_1156 = vector.broadcast %jit3A_1154 : f32 to vector<1x128xf32>
    %broadcast_in_dim3A_1157 = vector.broadcast %jit3A_1155 : f32 to vector<1x128xf32>
    %select_n3A_1158 = arith.select %eq3A_1153, %broadcast_in_dim3A_1156, %broadcast_in_dim3A_1157 : vector<1x128xi1>, vector<1x128xf32>
    %mul3A_1159 = vector.broadcast %select_n3A_1158 : vector<1x128xf32> to vector<6x128xf32>
    %mul3A_1160 = arith.mulf %concatenate3A_1150, %mul3A_1159 : vector<6x128xf32>
    %dot_general3A_1161 = arith.constant dense<0.000000e+00> : vector<6x128xf32>
    %dot_general3A_1162 = tpu.matmul %mul3A_1160, %select_n3A_1142, %dot_general3A_1161 {dimension_numbers = #tpu.dot_dimension_numbers<[1], [1], [0], [0], [0, 0, 1, 0], [], []>, transpose_lhs_hint = false} : vector<6x128xf32>, vector<128x128xf32>, vector<6x128xf32> -> vector<6x128xf32>
    %add3A_1163 = arith.addf %add3A_1094, %dot_general3A_1162 : vector<6x128xf32>
    %eq3A_1164 = arith.constant 1.000000e+00 : f32
    %eq3A_1165 = vector.broadcast %eq3A_1164 : f32 to vector<1x128xf32>
    %eq3A_1166 = arith.cmpf oeq, %slice3A_1135, %eq3A_1165 : vector<1x128xf32>
    %jit3A_1167 = arith.constant 1.000000e+00 : f32
    %jit3A_1168 = arith.constant 0.000000e+00 : f32
    %broadcast_in_dim3A_1169 = vector.broadcast %jit3A_1167 : f32 to vector<1x128xf32>
    %broadcast_in_dim3A_1170 = vector.broadcast %jit3A_1168 : f32 to vector<1x128xf32>
    %select_n3A_1171 = arith.select %eq3A_1166, %broadcast_in_dim3A_1169, %broadcast_in_dim3A_1170 : vector<1x128xi1>, vector<1x128xf32>
    %mul3A_1172 = vector.broadcast %select_n3A_1171 : vector<1x128xf32> to vector<6x128xf32>
    %mul3A_1173 = arith.mulf %concatenate3A_1150, %mul3A_1172 : vector<6x128xf32>
    %dot_general3A_1174 = arith.constant dense<0.000000e+00> : vector<6x128xf32>
    %dot_general3A_1175 = tpu.matmul %mul3A_1173, %select_n3A_1142, %dot_general3A_1174 {dimension_numbers = #tpu.dot_dimension_numbers<[1], [1], [0], [0], [0, 0, 1, 0], [], []>, transpose_lhs_hint = false} : vector<6x128xf32>, vector<128x128xf32>, vector<6x128xf32> -> vector<6x128xf32>
    %add3A_1176 = arith.addf %add3A_1107, %dot_general3A_1175 : vector<6x128xf32>
    %eq3A_1177 = arith.constant 2.000000e+00 : f32
    %eq3A_1178 = vector.broadcast %eq3A_1177 : f32 to vector<1x128xf32>
    %eq3A_1179 = arith.cmpf oeq, %slice3A_1135, %eq3A_1178 : vector<1x128xf32>
    %jit3A_1180 = arith.constant 1.000000e+00 : f32
    %jit3A_1181 = arith.constant 0.000000e+00 : f32
    %broadcast_in_dim3A_1182 = vector.broadcast %jit3A_1180 : f32 to vector<1x128xf32>
    %broadcast_in_dim3A_1183 = vector.broadcast %jit3A_1181 : f32 to vector<1x128xf32>
    %select_n3A_1184 = arith.select %eq3A_1179, %broadcast_in_dim3A_1182, %broadcast_in_dim3A_1183 : vector<1x128xi1>, vector<1x128xf32>
    %mul3A_1185 = vector.broadcast %select_n3A_1184 : vector<1x128xf32> to vector<6x128xf32>
    %mul3A_1186 = arith.mulf %concatenate3A_1150, %mul3A_1185 : vector<6x128xf32>
    %dot_general3A_1187 = arith.constant dense<0.000000e+00> : vector<6x128xf32>
    %dot_general3A_1188 = tpu.matmul %mul3A_1186, %select_n3A_1142, %dot_general3A_1187 {dimension_numbers = #tpu.dot_dimension_numbers<[1], [1], [0], [0], [0, 0, 1, 0], [], []>, transpose_lhs_hint = false} : vector<6x128xf32>, vector<128x128xf32>, vector<6x128xf32> -> vector<6x128xf32>
    %add3A_1189 = arith.addf %add3A_1120, %dot_general3A_1188 : vector<6x128xf32>
    %eq3A_1190 = arith.constant 3.000000e+00 : f32
    %eq3A_1191 = vector.broadcast %eq3A_1190 : f32 to vector<1x128xf32>
    %eq3A_1192 = arith.cmpf oeq, %slice3A_1135, %eq3A_1191 : vector<1x128xf32>
    %jit3A_1193 = arith.constant 1.000000e+00 : f32
    %jit3A_1194 = arith.constant 0.000000e+00 : f32
    %broadcast_in_dim3A_1195 = vector.broadcast %jit3A_1193 : f32 to vector<1x128xf32>
    %broadcast_in_dim3A_1196 = vector.broadcast %jit3A_1194 : f32 to vector<1x128xf32>
    %select_n3A_1197 = arith.select %eq3A_1192, %broadcast_in_dim3A_1195, %broadcast_in_dim3A_1196 : vector<1x128xi1>, vector<1x128xf32>
    %mul3A_1198 = vector.broadcast %select_n3A_1197 : vector<1x128xf32> to vector<6x128xf32>
    %mul3A_1199 = arith.mulf %concatenate3A_1150, %mul3A_1198 : vector<6x128xf32>
    %dot_general3A_1200 = arith.constant dense<0.000000e+00> : vector<6x128xf32>
    %dot_general3A_1201 = tpu.matmul %mul3A_1199, %select_n3A_1142, %dot_general3A_1200 {dimension_numbers = #tpu.dot_dimension_numbers<[1], [1], [0], [0], [0, 0, 1, 0], [], []>, transpose_lhs_hint = false} : vector<6x128xf32>, vector<128x128xf32>, vector<6x128xf32> -> vector<6x128xf32>
    %add3A_1202 = arith.addf %add3A_1133, %dot_general3A_1201 : vector<6x128xf32>
    %slice3A_1203 = vector.extract_strided_slice %convert_element_type3A_64 {offsets = [16, 0], sizes = [1, 128], strides = [1, 1]} : vector<32x128xf32> to vector<1x128xf32>
    %slice3A_1204 = vector.extract_strided_slice %convert_element_type3A_63 {offsets = [16, 0], sizes = [1, 128], strides = [1, 1]} : vector<32x128xf32> to vector<1x128xf32>
    %eq3A_1205 = vector.broadcast %slice3A_1203 : vector<1x128xf32> to vector<128x128xf32>
    %eq3A_1206 = arith.cmpf oeq, %convert_element_type3A_92, %eq3A_1205 : vector<128x128xf32>
    %jit3A_1207 = arith.constant 1.000000e+00 : f32
    %jit3A_1208 = arith.constant 0.000000e+00 : f32
    %broadcast_in_dim3A_1209 = vector.broadcast %jit3A_1207 : f32 to vector<128x128xf32>
    %broadcast_in_dim3A_1210 = vector.broadcast %jit3A_1208 : f32 to vector<128x128xf32>
    %select_n3A_1211 = arith.select %eq3A_1206, %broadcast_in_dim3A_1209, %broadcast_in_dim3A_1210 : vector<128x128xi1>, vector<128x128xf32>
    %broadcast_in_dim3A_1212 = arith.constant 1.600000e+01 : f32
    %broadcast_in_dim3A_1213 = vector.broadcast %broadcast_in_dim3A_1212 : f32 to vector<1x128xf32>
    %slice3A_1214 = vector.extract_strided_slice %convert_element_type3A_90 {offsets = [16, 0], sizes = [1, 128], strides = [1, 1]} : vector<32x128xf32> to vector<1x128xf32>
    %slice3A_1215 = vector.extract_strided_slice %convert_element_type3A_68 {offsets = [16, 0], sizes = [1, 128], strides = [1, 1]} : vector<32x128xf32> to vector<1x128xf32>
    %slice3A_1216 = vector.extract_strided_slice %convert_element_type3A_75 {offsets = [16, 0], sizes = [1, 128], strides = [1, 1]} : vector<32x128xf32> to vector<1x128xf32>
    %slice3A_1217 = vector.extract_strided_slice %convert_element_type3A_82 {offsets = [16, 0], sizes = [1, 128], strides = [1, 1]} : vector<32x128xf32> to vector<1x128xf32>
    %slice3A_1218 = vector.extract_strided_slice %convert_element_type3A_89 {offsets = [16, 0], sizes = [1, 128], strides = [1, 1]} : vector<32x128xf32> to vector<1x128xf32>
    %concatenate3A_1219 = tpu.concatenate %broadcast_in_dim3A_1213, %slice3A_1214, %slice3A_1215, %slice3A_1216, %slice3A_1217, %slice3A_1218 in 0 : vector<1x128xf32>, vector<1x128xf32>, vector<1x128xf32>, vector<1x128xf32>, vector<1x128xf32>, vector<1x128xf32> -> vector<6x128xf32>
    %eq3A_1220 = arith.constant 0.000000e+00 : f32
    %eq3A_1221 = vector.broadcast %eq3A_1220 : f32 to vector<1x128xf32>
    %eq3A_1222 = arith.cmpf oeq, %slice3A_1204, %eq3A_1221 : vector<1x128xf32>
    %jit3A_1223 = arith.constant 1.000000e+00 : f32
    %jit3A_1224 = arith.constant 0.000000e+00 : f32
    %broadcast_in_dim3A_1225 = vector.broadcast %jit3A_1223 : f32 to vector<1x128xf32>
    %broadcast_in_dim3A_1226 = vector.broadcast %jit3A_1224 : f32 to vector<1x128xf32>
    %select_n3A_1227 = arith.select %eq3A_1222, %broadcast_in_dim3A_1225, %broadcast_in_dim3A_1226 : vector<1x128xi1>, vector<1x128xf32>
    %mul3A_1228 = vector.broadcast %select_n3A_1227 : vector<1x128xf32> to vector<6x128xf32>
    %mul3A_1229 = arith.mulf %concatenate3A_1219, %mul3A_1228 : vector<6x128xf32>
    %dot_general3A_1230 = arith.constant dense<0.000000e+00> : vector<6x128xf32>
    %dot_general3A_1231 = tpu.matmul %mul3A_1229, %select_n3A_1211, %dot_general3A_1230 {dimension_numbers = #tpu.dot_dimension_numbers<[1], [1], [0], [0], [0, 0, 1, 0], [], []>, transpose_lhs_hint = false} : vector<6x128xf32>, vector<128x128xf32>, vector<6x128xf32> -> vector<6x128xf32>
    %add3A_1232 = arith.addf %add3A_1163, %dot_general3A_1231 : vector<6x128xf32>
    %eq3A_1233 = arith.constant 1.000000e+00 : f32
    %eq3A_1234 = vector.broadcast %eq3A_1233 : f32 to vector<1x128xf32>
    %eq3A_1235 = arith.cmpf oeq, %slice3A_1204, %eq3A_1234 : vector<1x128xf32>
    %jit3A_1236 = arith.constant 1.000000e+00 : f32
    %jit3A_1237 = arith.constant 0.000000e+00 : f32
    %broadcast_in_dim3A_1238 = vector.broadcast %jit3A_1236 : f32 to vector<1x128xf32>
    %broadcast_in_dim3A_1239 = vector.broadcast %jit3A_1237 : f32 to vector<1x128xf32>
    %select_n3A_1240 = arith.select %eq3A_1235, %broadcast_in_dim3A_1238, %broadcast_in_dim3A_1239 : vector<1x128xi1>, vector<1x128xf32>
    %mul3A_1241 = vector.broadcast %select_n3A_1240 : vector<1x128xf32> to vector<6x128xf32>
    %mul3A_1242 = arith.mulf %concatenate3A_1219, %mul3A_1241 : vector<6x128xf32>
    %dot_general3A_1243 = arith.constant dense<0.000000e+00> : vector<6x128xf32>
    %dot_general3A_1244 = tpu.matmul %mul3A_1242, %select_n3A_1211, %dot_general3A_1243 {dimension_numbers = #tpu.dot_dimension_numbers<[1], [1], [0], [0], [0, 0, 1, 0], [], []>, transpose_lhs_hint = false} : vector<6x128xf32>, vector<128x128xf32>, vector<6x128xf32> -> vector<6x128xf32>
    %add3A_1245 = arith.addf %add3A_1176, %dot_general3A_1244 : vector<6x128xf32>
    %eq3A_1246 = arith.constant 2.000000e+00 : f32
    %eq3A_1247 = vector.broadcast %eq3A_1246 : f32 to vector<1x128xf32>
    %eq3A_1248 = arith.cmpf oeq, %slice3A_1204, %eq3A_1247 : vector<1x128xf32>
    %jit3A_1249 = arith.constant 1.000000e+00 : f32
    %jit3A_1250 = arith.constant 0.000000e+00 : f32
    %broadcast_in_dim3A_1251 = vector.broadcast %jit3A_1249 : f32 to vector<1x128xf32>
    %broadcast_in_dim3A_1252 = vector.broadcast %jit3A_1250 : f32 to vector<1x128xf32>
    %select_n3A_1253 = arith.select %eq3A_1248, %broadcast_in_dim3A_1251, %broadcast_in_dim3A_1252 : vector<1x128xi1>, vector<1x128xf32>
    %mul3A_1254 = vector.broadcast %select_n3A_1253 : vector<1x128xf32> to vector<6x128xf32>
    %mul3A_1255 = arith.mulf %concatenate3A_1219, %mul3A_1254 : vector<6x128xf32>
    %dot_general3A_1256 = arith.constant dense<0.000000e+00> : vector<6x128xf32>
    %dot_general3A_1257 = tpu.matmul %mul3A_1255, %select_n3A_1211, %dot_general3A_1256 {dimension_numbers = #tpu.dot_dimension_numbers<[1], [1], [0], [0], [0, 0, 1, 0], [], []>, transpose_lhs_hint = false} : vector<6x128xf32>, vector<128x128xf32>, vector<6x128xf32> -> vector<6x128xf32>
    %add3A_1258 = arith.addf %add3A_1189, %dot_general3A_1257 : vector<6x128xf32>
    %eq3A_1259 = arith.constant 3.000000e+00 : f32
    %eq3A_1260 = vector.broadcast %eq3A_1259 : f32 to vector<1x128xf32>
    %eq3A_1261 = arith.cmpf oeq, %slice3A_1204, %eq3A_1260 : vector<1x128xf32>
    %jit3A_1262 = arith.constant 1.000000e+00 : f32
    %jit3A_1263 = arith.constant 0.000000e+00 : f32
    %broadcast_in_dim3A_1264 = vector.broadcast %jit3A_1262 : f32 to vector<1x128xf32>
    %broadcast_in_dim3A_1265 = vector.broadcast %jit3A_1263 : f32 to vector<1x128xf32>
    %select_n3A_1266 = arith.select %eq3A_1261, %broadcast_in_dim3A_1264, %broadcast_in_dim3A_1265 : vector<1x128xi1>, vector<1x128xf32>
    %mul3A_1267 = vector.broadcast %select_n3A_1266 : vector<1x128xf32> to vector<6x128xf32>
    %mul3A_1268 = arith.mulf %concatenate3A_1219, %mul3A_1267 : vector<6x128xf32>
    %dot_general3A_1269 = arith.constant dense<0.000000e+00> : vector<6x128xf32>
    %dot_general3A_1270 = tpu.matmul %mul3A_1268, %select_n3A_1211, %dot_general3A_1269 {dimension_numbers = #tpu.dot_dimension_numbers<[1], [1], [0], [0], [0, 0, 1, 0], [], []>, transpose_lhs_hint = false} : vector<6x128xf32>, vector<128x128xf32>, vector<6x128xf32> -> vector<6x128xf32>
    %add3A_1271 = arith.addf %add3A_1202, %dot_general3A_1270 : vector<6x128xf32>
    %slice3A_1272 = vector.extract_strided_slice %convert_element_type3A_64 {offsets = [17, 0], sizes = [1, 128], strides = [1, 1]} : vector<32x128xf32> to vector<1x128xf32>
    %slice3A_1273 = vector.extract_strided_slice %convert_element_type3A_63 {offsets = [17, 0], sizes = [1, 128], strides = [1, 1]} : vector<32x128xf32> to vector<1x128xf32>
    %eq3A_1274 = vector.broadcast %slice3A_1272 : vector<1x128xf32> to vector<128x128xf32>
    %eq3A_1275 = arith.cmpf oeq, %convert_element_type3A_92, %eq3A_1274 : vector<128x128xf32>
    %jit3A_1276 = arith.constant 1.000000e+00 : f32
    %jit3A_1277 = arith.constant 0.000000e+00 : f32
    %broadcast_in_dim3A_1278 = vector.broadcast %jit3A_1276 : f32 to vector<128x128xf32>
    %broadcast_in_dim3A_1279 = vector.broadcast %jit3A_1277 : f32 to vector<128x128xf32>
    %select_n3A_1280 = arith.select %eq3A_1275, %broadcast_in_dim3A_1278, %broadcast_in_dim3A_1279 : vector<128x128xi1>, vector<128x128xf32>
    %broadcast_in_dim3A_1281 = arith.constant 1.700000e+01 : f32
    %broadcast_in_dim3A_1282 = vector.broadcast %broadcast_in_dim3A_1281 : f32 to vector<1x128xf32>
    %slice3A_1283 = vector.extract_strided_slice %convert_element_type3A_90 {offsets = [17, 0], sizes = [1, 128], strides = [1, 1]} : vector<32x128xf32> to vector<1x128xf32>
    %slice3A_1284 = vector.extract_strided_slice %convert_element_type3A_68 {offsets = [17, 0], sizes = [1, 128], strides = [1, 1]} : vector<32x128xf32> to vector<1x128xf32>
    %slice3A_1285 = vector.extract_strided_slice %convert_element_type3A_75 {offsets = [17, 0], sizes = [1, 128], strides = [1, 1]} : vector<32x128xf32> to vector<1x128xf32>
    %slice3A_1286 = vector.extract_strided_slice %convert_element_type3A_82 {offsets = [17, 0], sizes = [1, 128], strides = [1, 1]} : vector<32x128xf32> to vector<1x128xf32>
    %slice3A_1287 = vector.extract_strided_slice %convert_element_type3A_89 {offsets = [17, 0], sizes = [1, 128], strides = [1, 1]} : vector<32x128xf32> to vector<1x128xf32>
    %concatenate3A_1288 = tpu.concatenate %broadcast_in_dim3A_1282, %slice3A_1283, %slice3A_1284, %slice3A_1285, %slice3A_1286, %slice3A_1287 in 0 : vector<1x128xf32>, vector<1x128xf32>, vector<1x128xf32>, vector<1x128xf32>, vector<1x128xf32>, vector<1x128xf32> -> vector<6x128xf32>
    %eq3A_1289 = arith.constant 0.000000e+00 : f32
    %eq3A_1290 = vector.broadcast %eq3A_1289 : f32 to vector<1x128xf32>
    %eq3A_1291 = arith.cmpf oeq, %slice3A_1273, %eq3A_1290 : vector<1x128xf32>
    %jit3A_1292 = arith.constant 1.000000e+00 : f32
    %jit3A_1293 = arith.constant 0.000000e+00 : f32
    %broadcast_in_dim3A_1294 = vector.broadcast %jit3A_1292 : f32 to vector<1x128xf32>
    %broadcast_in_dim3A_1295 = vector.broadcast %jit3A_1293 : f32 to vector<1x128xf32>
    %select_n3A_1296 = arith.select %eq3A_1291, %broadcast_in_dim3A_1294, %broadcast_in_dim3A_1295 : vector<1x128xi1>, vector<1x128xf32>
    %mul3A_1297 = vector.broadcast %select_n3A_1296 : vector<1x128xf32> to vector<6x128xf32>
    %mul3A_1298 = arith.mulf %concatenate3A_1288, %mul3A_1297 : vector<6x128xf32>
    %dot_general3A_1299 = arith.constant dense<0.000000e+00> : vector<6x128xf32>
    %dot_general3A_1300 = tpu.matmul %mul3A_1298, %select_n3A_1280, %dot_general3A_1299 {dimension_numbers = #tpu.dot_dimension_numbers<[1], [1], [0], [0], [0, 0, 1, 0], [], []>, transpose_lhs_hint = false} : vector<6x128xf32>, vector<128x128xf32>, vector<6x128xf32> -> vector<6x128xf32>
    %add3A_1301 = arith.addf %add3A_1232, %dot_general3A_1300 : vector<6x128xf32>
    %eq3A_1302 = arith.constant 1.000000e+00 : f32
    %eq3A_1303 = vector.broadcast %eq3A_1302 : f32 to vector<1x128xf32>
    %eq3A_1304 = arith.cmpf oeq, %slice3A_1273, %eq3A_1303 : vector<1x128xf32>
    %jit3A_1305 = arith.constant 1.000000e+00 : f32
    %jit3A_1306 = arith.constant 0.000000e+00 : f32
    %broadcast_in_dim3A_1307 = vector.broadcast %jit3A_1305 : f32 to vector<1x128xf32>
    %broadcast_in_dim3A_1308 = vector.broadcast %jit3A_1306 : f32 to vector<1x128xf32>
    %select_n3A_1309 = arith.select %eq3A_1304, %broadcast_in_dim3A_1307, %broadcast_in_dim3A_1308 : vector<1x128xi1>, vector<1x128xf32>
    %mul3A_1310 = vector.broadcast %select_n3A_1309 : vector<1x128xf32> to vector<6x128xf32>
    %mul3A_1311 = arith.mulf %concatenate3A_1288, %mul3A_1310 : vector<6x128xf32>
    %dot_general3A_1312 = arith.constant dense<0.000000e+00> : vector<6x128xf32>
    %dot_general3A_1313 = tpu.matmul %mul3A_1311, %select_n3A_1280, %dot_general3A_1312 {dimension_numbers = #tpu.dot_dimension_numbers<[1], [1], [0], [0], [0, 0, 1, 0], [], []>, transpose_lhs_hint = false} : vector<6x128xf32>, vector<128x128xf32>, vector<6x128xf32> -> vector<6x128xf32>
    %add3A_1314 = arith.addf %add3A_1245, %dot_general3A_1313 : vector<6x128xf32>
    %eq3A_1315 = arith.constant 2.000000e+00 : f32
    %eq3A_1316 = vector.broadcast %eq3A_1315 : f32 to vector<1x128xf32>
    %eq3A_1317 = arith.cmpf oeq, %slice3A_1273, %eq3A_1316 : vector<1x128xf32>
    %jit3A_1318 = arith.constant 1.000000e+00 : f32
    %jit3A_1319 = arith.constant 0.000000e+00 : f32
    %broadcast_in_dim3A_1320 = vector.broadcast %jit3A_1318 : f32 to vector<1x128xf32>
    %broadcast_in_dim3A_1321 = vector.broadcast %jit3A_1319 : f32 to vector<1x128xf32>
    %select_n3A_1322 = arith.select %eq3A_1317, %broadcast_in_dim3A_1320, %broadcast_in_dim3A_1321 : vector<1x128xi1>, vector<1x128xf32>
    %mul3A_1323 = vector.broadcast %select_n3A_1322 : vector<1x128xf32> to vector<6x128xf32>
    %mul3A_1324 = arith.mulf %concatenate3A_1288, %mul3A_1323 : vector<6x128xf32>
    %dot_general3A_1325 = arith.constant dense<0.000000e+00> : vector<6x128xf32>
    %dot_general3A_1326 = tpu.matmul %mul3A_1324, %select_n3A_1280, %dot_general3A_1325 {dimension_numbers = #tpu.dot_dimension_numbers<[1], [1], [0], [0], [0, 0, 1, 0], [], []>, transpose_lhs_hint = false} : vector<6x128xf32>, vector<128x128xf32>, vector<6x128xf32> -> vector<6x128xf32>
    %add3A_1327 = arith.addf %add3A_1258, %dot_general3A_1326 : vector<6x128xf32>
    %eq3A_1328 = arith.constant 3.000000e+00 : f32
    %eq3A_1329 = vector.broadcast %eq3A_1328 : f32 to vector<1x128xf32>
    %eq3A_1330 = arith.cmpf oeq, %slice3A_1273, %eq3A_1329 : vector<1x128xf32>
    %jit3A_1331 = arith.constant 1.000000e+00 : f32
    %jit3A_1332 = arith.constant 0.000000e+00 : f32
    %broadcast_in_dim3A_1333 = vector.broadcast %jit3A_1331 : f32 to vector<1x128xf32>
    %broadcast_in_dim3A_1334 = vector.broadcast %jit3A_1332 : f32 to vector<1x128xf32>
    %select_n3A_1335 = arith.select %eq3A_1330, %broadcast_in_dim3A_1333, %broadcast_in_dim3A_1334 : vector<1x128xi1>, vector<1x128xf32>
    %mul3A_1336 = vector.broadcast %select_n3A_1335 : vector<1x128xf32> to vector<6x128xf32>
    %mul3A_1337 = arith.mulf %concatenate3A_1288, %mul3A_1336 : vector<6x128xf32>
    %dot_general3A_1338 = arith.constant dense<0.000000e+00> : vector<6x128xf32>
    %dot_general3A_1339 = tpu.matmul %mul3A_1337, %select_n3A_1280, %dot_general3A_1338 {dimension_numbers = #tpu.dot_dimension_numbers<[1], [1], [0], [0], [0, 0, 1, 0], [], []>, transpose_lhs_hint = false} : vector<6x128xf32>, vector<128x128xf32>, vector<6x128xf32> -> vector<6x128xf32>
    %add3A_1340 = arith.addf %add3A_1271, %dot_general3A_1339 : vector<6x128xf32>
    %slice3A_1341 = vector.extract_strided_slice %convert_element_type3A_64 {offsets = [18, 0], sizes = [1, 128], strides = [1, 1]} : vector<32x128xf32> to vector<1x128xf32>
    %slice3A_1342 = vector.extract_strided_slice %convert_element_type3A_63 {offsets = [18, 0], sizes = [1, 128], strides = [1, 1]} : vector<32x128xf32> to vector<1x128xf32>
    %eq3A_1343 = vector.broadcast %slice3A_1341 : vector<1x128xf32> to vector<128x128xf32>
    %eq3A_1344 = arith.cmpf oeq, %convert_element_type3A_92, %eq3A_1343 : vector<128x128xf32>
    %jit3A_1345 = arith.constant 1.000000e+00 : f32
    %jit3A_1346 = arith.constant 0.000000e+00 : f32
    %broadcast_in_dim3A_1347 = vector.broadcast %jit3A_1345 : f32 to vector<128x128xf32>
    %broadcast_in_dim3A_1348 = vector.broadcast %jit3A_1346 : f32 to vector<128x128xf32>
    %select_n3A_1349 = arith.select %eq3A_1344, %broadcast_in_dim3A_1347, %broadcast_in_dim3A_1348 : vector<128x128xi1>, vector<128x128xf32>
    %broadcast_in_dim3A_1350 = arith.constant 1.800000e+01 : f32
    %broadcast_in_dim3A_1351 = vector.broadcast %broadcast_in_dim3A_1350 : f32 to vector<1x128xf32>
    %slice3A_1352 = vector.extract_strided_slice %convert_element_type3A_90 {offsets = [18, 0], sizes = [1, 128], strides = [1, 1]} : vector<32x128xf32> to vector<1x128xf32>
    %slice3A_1353 = vector.extract_strided_slice %convert_element_type3A_68 {offsets = [18, 0], sizes = [1, 128], strides = [1, 1]} : vector<32x128xf32> to vector<1x128xf32>
    %slice3A_1354 = vector.extract_strided_slice %convert_element_type3A_75 {offsets = [18, 0], sizes = [1, 128], strides = [1, 1]} : vector<32x128xf32> to vector<1x128xf32>
    %slice3A_1355 = vector.extract_strided_slice %convert_element_type3A_82 {offsets = [18, 0], sizes = [1, 128], strides = [1, 1]} : vector<32x128xf32> to vector<1x128xf32>
    %slice3A_1356 = vector.extract_strided_slice %convert_element_type3A_89 {offsets = [18, 0], sizes = [1, 128], strides = [1, 1]} : vector<32x128xf32> to vector<1x128xf32>
    %concatenate3A_1357 = tpu.concatenate %broadcast_in_dim3A_1351, %slice3A_1352, %slice3A_1353, %slice3A_1354, %slice3A_1355, %slice3A_1356 in 0 : vector<1x128xf32>, vector<1x128xf32>, vector<1x128xf32>, vector<1x128xf32>, vector<1x128xf32>, vector<1x128xf32> -> vector<6x128xf32>
    %eq3A_1358 = arith.constant 0.000000e+00 : f32
    %eq3A_1359 = vector.broadcast %eq3A_1358 : f32 to vector<1x128xf32>
    %eq3A_1360 = arith.cmpf oeq, %slice3A_1342, %eq3A_1359 : vector<1x128xf32>
    %jit3A_1361 = arith.constant 1.000000e+00 : f32
    %jit3A_1362 = arith.constant 0.000000e+00 : f32
    %broadcast_in_dim3A_1363 = vector.broadcast %jit3A_1361 : f32 to vector<1x128xf32>
    %broadcast_in_dim3A_1364 = vector.broadcast %jit3A_1362 : f32 to vector<1x128xf32>
    %select_n3A_1365 = arith.select %eq3A_1360, %broadcast_in_dim3A_1363, %broadcast_in_dim3A_1364 : vector<1x128xi1>, vector<1x128xf32>
    %mul3A_1366 = vector.broadcast %select_n3A_1365 : vector<1x128xf32> to vector<6x128xf32>
    %mul3A_1367 = arith.mulf %concatenate3A_1357, %mul3A_1366 : vector<6x128xf32>
    %dot_general3A_1368 = arith.constant dense<0.000000e+00> : vector<6x128xf32>
    %dot_general3A_1369 = tpu.matmul %mul3A_1367, %select_n3A_1349, %dot_general3A_1368 {dimension_numbers = #tpu.dot_dimension_numbers<[1], [1], [0], [0], [0, 0, 1, 0], [], []>, transpose_lhs_hint = false} : vector<6x128xf32>, vector<128x128xf32>, vector<6x128xf32> -> vector<6x128xf32>
    %add3A_1370 = arith.addf %add3A_1301, %dot_general3A_1369 : vector<6x128xf32>
    %eq3A_1371 = arith.constant 1.000000e+00 : f32
    %eq3A_1372 = vector.broadcast %eq3A_1371 : f32 to vector<1x128xf32>
    %eq3A_1373 = arith.cmpf oeq, %slice3A_1342, %eq3A_1372 : vector<1x128xf32>
    %jit3A_1374 = arith.constant 1.000000e+00 : f32
    %jit3A_1375 = arith.constant 0.000000e+00 : f32
    %broadcast_in_dim3A_1376 = vector.broadcast %jit3A_1374 : f32 to vector<1x128xf32>
    %broadcast_in_dim3A_1377 = vector.broadcast %jit3A_1375 : f32 to vector<1x128xf32>
    %select_n3A_1378 = arith.select %eq3A_1373, %broadcast_in_dim3A_1376, %broadcast_in_dim3A_1377 : vector<1x128xi1>, vector<1x128xf32>
    %mul3A_1379 = vector.broadcast %select_n3A_1378 : vector<1x128xf32> to vector<6x128xf32>
    %mul3A_1380 = arith.mulf %concatenate3A_1357, %mul3A_1379 : vector<6x128xf32>
    %dot_general3A_1381 = arith.constant dense<0.000000e+00> : vector<6x128xf32>
    %dot_general3A_1382 = tpu.matmul %mul3A_1380, %select_n3A_1349, %dot_general3A_1381 {dimension_numbers = #tpu.dot_dimension_numbers<[1], [1], [0], [0], [0, 0, 1, 0], [], []>, transpose_lhs_hint = false} : vector<6x128xf32>, vector<128x128xf32>, vector<6x128xf32> -> vector<6x128xf32>
    %add3A_1383 = arith.addf %add3A_1314, %dot_general3A_1382 : vector<6x128xf32>
    %eq3A_1384 = arith.constant 2.000000e+00 : f32
    %eq3A_1385 = vector.broadcast %eq3A_1384 : f32 to vector<1x128xf32>
    %eq3A_1386 = arith.cmpf oeq, %slice3A_1342, %eq3A_1385 : vector<1x128xf32>
    %jit3A_1387 = arith.constant 1.000000e+00 : f32
    %jit3A_1388 = arith.constant 0.000000e+00 : f32
    %broadcast_in_dim3A_1389 = vector.broadcast %jit3A_1387 : f32 to vector<1x128xf32>
    %broadcast_in_dim3A_1390 = vector.broadcast %jit3A_1388 : f32 to vector<1x128xf32>
    %select_n3A_1391 = arith.select %eq3A_1386, %broadcast_in_dim3A_1389, %broadcast_in_dim3A_1390 : vector<1x128xi1>, vector<1x128xf32>
    %mul3A_1392 = vector.broadcast %select_n3A_1391 : vector<1x128xf32> to vector<6x128xf32>
    %mul3A_1393 = arith.mulf %concatenate3A_1357, %mul3A_1392 : vector<6x128xf32>
    %dot_general3A_1394 = arith.constant dense<0.000000e+00> : vector<6x128xf32>
    %dot_general3A_1395 = tpu.matmul %mul3A_1393, %select_n3A_1349, %dot_general3A_1394 {dimension_numbers = #tpu.dot_dimension_numbers<[1], [1], [0], [0], [0, 0, 1, 0], [], []>, transpose_lhs_hint = false} : vector<6x128xf32>, vector<128x128xf32>, vector<6x128xf32> -> vector<6x128xf32>
    %add3A_1396 = arith.addf %add3A_1327, %dot_general3A_1395 : vector<6x128xf32>
    %eq3A_1397 = arith.constant 3.000000e+00 : f32
    %eq3A_1398 = vector.broadcast %eq3A_1397 : f32 to vector<1x128xf32>
    %eq3A_1399 = arith.cmpf oeq, %slice3A_1342, %eq3A_1398 : vector<1x128xf32>
    %jit3A_1400 = arith.constant 1.000000e+00 : f32
    %jit3A_1401 = arith.constant 0.000000e+00 : f32
    %broadcast_in_dim3A_1402 = vector.broadcast %jit3A_1400 : f32 to vector<1x128xf32>
    %broadcast_in_dim3A_1403 = vector.broadcast %jit3A_1401 : f32 to vector<1x128xf32>
    %select_n3A_1404 = arith.select %eq3A_1399, %broadcast_in_dim3A_1402, %broadcast_in_dim3A_1403 : vector<1x128xi1>, vector<1x128xf32>
    %mul3A_1405 = vector.broadcast %select_n3A_1404 : vector<1x128xf32> to vector<6x128xf32>
    %mul3A_1406 = arith.mulf %concatenate3A_1357, %mul3A_1405 : vector<6x128xf32>
    %dot_general3A_1407 = arith.constant dense<0.000000e+00> : vector<6x128xf32>
    %dot_general3A_1408 = tpu.matmul %mul3A_1406, %select_n3A_1349, %dot_general3A_1407 {dimension_numbers = #tpu.dot_dimension_numbers<[1], [1], [0], [0], [0, 0, 1, 0], [], []>, transpose_lhs_hint = false} : vector<6x128xf32>, vector<128x128xf32>, vector<6x128xf32> -> vector<6x128xf32>
    %add3A_1409 = arith.addf %add3A_1340, %dot_general3A_1408 : vector<6x128xf32>
    %slice3A_1410 = vector.extract_strided_slice %convert_element_type3A_64 {offsets = [19, 0], sizes = [1, 128], strides = [1, 1]} : vector<32x128xf32> to vector<1x128xf32>
    %slice3A_1411 = vector.extract_strided_slice %convert_element_type3A_63 {offsets = [19, 0], sizes = [1, 128], strides = [1, 1]} : vector<32x128xf32> to vector<1x128xf32>
    %eq3A_1412 = vector.broadcast %slice3A_1410 : vector<1x128xf32> to vector<128x128xf32>
    %eq3A_1413 = arith.cmpf oeq, %convert_element_type3A_92, %eq3A_1412 : vector<128x128xf32>
    %jit3A_1414 = arith.constant 1.000000e+00 : f32
    %jit3A_1415 = arith.constant 0.000000e+00 : f32
    %broadcast_in_dim3A_1416 = vector.broadcast %jit3A_1414 : f32 to vector<128x128xf32>
    %broadcast_in_dim3A_1417 = vector.broadcast %jit3A_1415 : f32 to vector<128x128xf32>
    %select_n3A_1418 = arith.select %eq3A_1413, %broadcast_in_dim3A_1416, %broadcast_in_dim3A_1417 : vector<128x128xi1>, vector<128x128xf32>
    %broadcast_in_dim3A_1419 = arith.constant 1.900000e+01 : f32
    %broadcast_in_dim3A_1420 = vector.broadcast %broadcast_in_dim3A_1419 : f32 to vector<1x128xf32>
    %slice3A_1421 = vector.extract_strided_slice %convert_element_type3A_90 {offsets = [19, 0], sizes = [1, 128], strides = [1, 1]} : vector<32x128xf32> to vector<1x128xf32>
    %slice3A_1422 = vector.extract_strided_slice %convert_element_type3A_68 {offsets = [19, 0], sizes = [1, 128], strides = [1, 1]} : vector<32x128xf32> to vector<1x128xf32>
    %slice3A_1423 = vector.extract_strided_slice %convert_element_type3A_75 {offsets = [19, 0], sizes = [1, 128], strides = [1, 1]} : vector<32x128xf32> to vector<1x128xf32>
    %slice3A_1424 = vector.extract_strided_slice %convert_element_type3A_82 {offsets = [19, 0], sizes = [1, 128], strides = [1, 1]} : vector<32x128xf32> to vector<1x128xf32>
    %slice3A_1425 = vector.extract_strided_slice %convert_element_type3A_89 {offsets = [19, 0], sizes = [1, 128], strides = [1, 1]} : vector<32x128xf32> to vector<1x128xf32>
    %concatenate3A_1426 = tpu.concatenate %broadcast_in_dim3A_1420, %slice3A_1421, %slice3A_1422, %slice3A_1423, %slice3A_1424, %slice3A_1425 in 0 : vector<1x128xf32>, vector<1x128xf32>, vector<1x128xf32>, vector<1x128xf32>, vector<1x128xf32>, vector<1x128xf32> -> vector<6x128xf32>
    %eq3A_1427 = arith.constant 0.000000e+00 : f32
    %eq3A_1428 = vector.broadcast %eq3A_1427 : f32 to vector<1x128xf32>
    %eq3A_1429 = arith.cmpf oeq, %slice3A_1411, %eq3A_1428 : vector<1x128xf32>
    %jit3A_1430 = arith.constant 1.000000e+00 : f32
    %jit3A_1431 = arith.constant 0.000000e+00 : f32
    %broadcast_in_dim3A_1432 = vector.broadcast %jit3A_1430 : f32 to vector<1x128xf32>
    %broadcast_in_dim3A_1433 = vector.broadcast %jit3A_1431 : f32 to vector<1x128xf32>
    %select_n3A_1434 = arith.select %eq3A_1429, %broadcast_in_dim3A_1432, %broadcast_in_dim3A_1433 : vector<1x128xi1>, vector<1x128xf32>
    %mul3A_1435 = vector.broadcast %select_n3A_1434 : vector<1x128xf32> to vector<6x128xf32>
    %mul3A_1436 = arith.mulf %concatenate3A_1426, %mul3A_1435 : vector<6x128xf32>
    %dot_general3A_1437 = arith.constant dense<0.000000e+00> : vector<6x128xf32>
    %dot_general3A_1438 = tpu.matmul %mul3A_1436, %select_n3A_1418, %dot_general3A_1437 {dimension_numbers = #tpu.dot_dimension_numbers<[1], [1], [0], [0], [0, 0, 1, 0], [], []>, transpose_lhs_hint = false} : vector<6x128xf32>, vector<128x128xf32>, vector<6x128xf32> -> vector<6x128xf32>
    %add3A_1439 = arith.addf %add3A_1370, %dot_general3A_1438 : vector<6x128xf32>
    %eq3A_1440 = arith.constant 1.000000e+00 : f32
    %eq3A_1441 = vector.broadcast %eq3A_1440 : f32 to vector<1x128xf32>
    %eq3A_1442 = arith.cmpf oeq, %slice3A_1411, %eq3A_1441 : vector<1x128xf32>
    %jit3A_1443 = arith.constant 1.000000e+00 : f32
    %jit3A_1444 = arith.constant 0.000000e+00 : f32
    %broadcast_in_dim3A_1445 = vector.broadcast %jit3A_1443 : f32 to vector<1x128xf32>
    %broadcast_in_dim3A_1446 = vector.broadcast %jit3A_1444 : f32 to vector<1x128xf32>
    %select_n3A_1447 = arith.select %eq3A_1442, %broadcast_in_dim3A_1445, %broadcast_in_dim3A_1446 : vector<1x128xi1>, vector<1x128xf32>
    %mul3A_1448 = vector.broadcast %select_n3A_1447 : vector<1x128xf32> to vector<6x128xf32>
    %mul3A_1449 = arith.mulf %concatenate3A_1426, %mul3A_1448 : vector<6x128xf32>
    %dot_general3A_1450 = arith.constant dense<0.000000e+00> : vector<6x128xf32>
    %dot_general3A_1451 = tpu.matmul %mul3A_1449, %select_n3A_1418, %dot_general3A_1450 {dimension_numbers = #tpu.dot_dimension_numbers<[1], [1], [0], [0], [0, 0, 1, 0], [], []>, transpose_lhs_hint = false} : vector<6x128xf32>, vector<128x128xf32>, vector<6x128xf32> -> vector<6x128xf32>
    %add3A_1452 = arith.addf %add3A_1383, %dot_general3A_1451 : vector<6x128xf32>
    %eq3A_1453 = arith.constant 2.000000e+00 : f32
    %eq3A_1454 = vector.broadcast %eq3A_1453 : f32 to vector<1x128xf32>
    %eq3A_1455 = arith.cmpf oeq, %slice3A_1411, %eq3A_1454 : vector<1x128xf32>
    %jit3A_1456 = arith.constant 1.000000e+00 : f32
    %jit3A_1457 = arith.constant 0.000000e+00 : f32
    %broadcast_in_dim3A_1458 = vector.broadcast %jit3A_1456 : f32 to vector<1x128xf32>
    %broadcast_in_dim3A_1459 = vector.broadcast %jit3A_1457 : f32 to vector<1x128xf32>
    %select_n3A_1460 = arith.select %eq3A_1455, %broadcast_in_dim3A_1458, %broadcast_in_dim3A_1459 : vector<1x128xi1>, vector<1x128xf32>
    %mul3A_1461 = vector.broadcast %select_n3A_1460 : vector<1x128xf32> to vector<6x128xf32>
    %mul3A_1462 = arith.mulf %concatenate3A_1426, %mul3A_1461 : vector<6x128xf32>
    %dot_general3A_1463 = arith.constant dense<0.000000e+00> : vector<6x128xf32>
    %dot_general3A_1464 = tpu.matmul %mul3A_1462, %select_n3A_1418, %dot_general3A_1463 {dimension_numbers = #tpu.dot_dimension_numbers<[1], [1], [0], [0], [0, 0, 1, 0], [], []>, transpose_lhs_hint = false} : vector<6x128xf32>, vector<128x128xf32>, vector<6x128xf32> -> vector<6x128xf32>
    %add3A_1465 = arith.addf %add3A_1396, %dot_general3A_1464 : vector<6x128xf32>
    %eq3A_1466 = arith.constant 3.000000e+00 : f32
    %eq3A_1467 = vector.broadcast %eq3A_1466 : f32 to vector<1x128xf32>
    %eq3A_1468 = arith.cmpf oeq, %slice3A_1411, %eq3A_1467 : vector<1x128xf32>
    %jit3A_1469 = arith.constant 1.000000e+00 : f32
    %jit3A_1470 = arith.constant 0.000000e+00 : f32
    %broadcast_in_dim3A_1471 = vector.broadcast %jit3A_1469 : f32 to vector<1x128xf32>
    %broadcast_in_dim3A_1472 = vector.broadcast %jit3A_1470 : f32 to vector<1x128xf32>
    %select_n3A_1473 = arith.select %eq3A_1468, %broadcast_in_dim3A_1471, %broadcast_in_dim3A_1472 : vector<1x128xi1>, vector<1x128xf32>
    %mul3A_1474 = vector.broadcast %select_n3A_1473 : vector<1x128xf32> to vector<6x128xf32>
    %mul3A_1475 = arith.mulf %concatenate3A_1426, %mul3A_1474 : vector<6x128xf32>
    %dot_general3A_1476 = arith.constant dense<0.000000e+00> : vector<6x128xf32>
    %dot_general3A_1477 = tpu.matmul %mul3A_1475, %select_n3A_1418, %dot_general3A_1476 {dimension_numbers = #tpu.dot_dimension_numbers<[1], [1], [0], [0], [0, 0, 1, 0], [], []>, transpose_lhs_hint = false} : vector<6x128xf32>, vector<128x128xf32>, vector<6x128xf32> -> vector<6x128xf32>
    %add3A_1478 = arith.addf %add3A_1409, %dot_general3A_1477 : vector<6x128xf32>
    %slice3A_1479 = vector.extract_strided_slice %convert_element_type3A_64 {offsets = [20, 0], sizes = [1, 128], strides = [1, 1]} : vector<32x128xf32> to vector<1x128xf32>
    %slice3A_1480 = vector.extract_strided_slice %convert_element_type3A_63 {offsets = [20, 0], sizes = [1, 128], strides = [1, 1]} : vector<32x128xf32> to vector<1x128xf32>
    %eq3A_1481 = vector.broadcast %slice3A_1479 : vector<1x128xf32> to vector<128x128xf32>
    %eq3A_1482 = arith.cmpf oeq, %convert_element_type3A_92, %eq3A_1481 : vector<128x128xf32>
    %jit3A_1483 = arith.constant 1.000000e+00 : f32
    %jit3A_1484 = arith.constant 0.000000e+00 : f32
    %broadcast_in_dim3A_1485 = vector.broadcast %jit3A_1483 : f32 to vector<128x128xf32>
    %broadcast_in_dim3A_1486 = vector.broadcast %jit3A_1484 : f32 to vector<128x128xf32>
    %select_n3A_1487 = arith.select %eq3A_1482, %broadcast_in_dim3A_1485, %broadcast_in_dim3A_1486 : vector<128x128xi1>, vector<128x128xf32>
    %broadcast_in_dim3A_1488 = arith.constant 2.000000e+01 : f32
    %broadcast_in_dim3A_1489 = vector.broadcast %broadcast_in_dim3A_1488 : f32 to vector<1x128xf32>
    %slice3A_1490 = vector.extract_strided_slice %convert_element_type3A_90 {offsets = [20, 0], sizes = [1, 128], strides = [1, 1]} : vector<32x128xf32> to vector<1x128xf32>
    %slice3A_1491 = vector.extract_strided_slice %convert_element_type3A_68 {offsets = [20, 0], sizes = [1, 128], strides = [1, 1]} : vector<32x128xf32> to vector<1x128xf32>
    %slice3A_1492 = vector.extract_strided_slice %convert_element_type3A_75 {offsets = [20, 0], sizes = [1, 128], strides = [1, 1]} : vector<32x128xf32> to vector<1x128xf32>
    %slice3A_1493 = vector.extract_strided_slice %convert_element_type3A_82 {offsets = [20, 0], sizes = [1, 128], strides = [1, 1]} : vector<32x128xf32> to vector<1x128xf32>
    %slice3A_1494 = vector.extract_strided_slice %convert_element_type3A_89 {offsets = [20, 0], sizes = [1, 128], strides = [1, 1]} : vector<32x128xf32> to vector<1x128xf32>
    %concatenate3A_1495 = tpu.concatenate %broadcast_in_dim3A_1489, %slice3A_1490, %slice3A_1491, %slice3A_1492, %slice3A_1493, %slice3A_1494 in 0 : vector<1x128xf32>, vector<1x128xf32>, vector<1x128xf32>, vector<1x128xf32>, vector<1x128xf32>, vector<1x128xf32> -> vector<6x128xf32>
    %eq3A_1496 = arith.constant 0.000000e+00 : f32
    %eq3A_1497 = vector.broadcast %eq3A_1496 : f32 to vector<1x128xf32>
    %eq3A_1498 = arith.cmpf oeq, %slice3A_1480, %eq3A_1497 : vector<1x128xf32>
    %jit3A_1499 = arith.constant 1.000000e+00 : f32
    %jit3A_1500 = arith.constant 0.000000e+00 : f32
    %broadcast_in_dim3A_1501 = vector.broadcast %jit3A_1499 : f32 to vector<1x128xf32>
    %broadcast_in_dim3A_1502 = vector.broadcast %jit3A_1500 : f32 to vector<1x128xf32>
    %select_n3A_1503 = arith.select %eq3A_1498, %broadcast_in_dim3A_1501, %broadcast_in_dim3A_1502 : vector<1x128xi1>, vector<1x128xf32>
    %mul3A_1504 = vector.broadcast %select_n3A_1503 : vector<1x128xf32> to vector<6x128xf32>
    %mul3A_1505 = arith.mulf %concatenate3A_1495, %mul3A_1504 : vector<6x128xf32>
    %dot_general3A_1506 = arith.constant dense<0.000000e+00> : vector<6x128xf32>
    %dot_general3A_1507 = tpu.matmul %mul3A_1505, %select_n3A_1487, %dot_general3A_1506 {dimension_numbers = #tpu.dot_dimension_numbers<[1], [1], [0], [0], [0, 0, 1, 0], [], []>, transpose_lhs_hint = false} : vector<6x128xf32>, vector<128x128xf32>, vector<6x128xf32> -> vector<6x128xf32>
    %add3A_1508 = arith.addf %add3A_1439, %dot_general3A_1507 : vector<6x128xf32>
    %eq3A_1509 = arith.constant 1.000000e+00 : f32
    %eq3A_1510 = vector.broadcast %eq3A_1509 : f32 to vector<1x128xf32>
    %eq3A_1511 = arith.cmpf oeq, %slice3A_1480, %eq3A_1510 : vector<1x128xf32>
    %jit3A_1512 = arith.constant 1.000000e+00 : f32
    %jit3A_1513 = arith.constant 0.000000e+00 : f32
    %broadcast_in_dim3A_1514 = vector.broadcast %jit3A_1512 : f32 to vector<1x128xf32>
    %broadcast_in_dim3A_1515 = vector.broadcast %jit3A_1513 : f32 to vector<1x128xf32>
    %select_n3A_1516 = arith.select %eq3A_1511, %broadcast_in_dim3A_1514, %broadcast_in_dim3A_1515 : vector<1x128xi1>, vector<1x128xf32>
    %mul3A_1517 = vector.broadcast %select_n3A_1516 : vector<1x128xf32> to vector<6x128xf32>
    %mul3A_1518 = arith.mulf %concatenate3A_1495, %mul3A_1517 : vector<6x128xf32>
    %dot_general3A_1519 = arith.constant dense<0.000000e+00> : vector<6x128xf32>
    %dot_general3A_1520 = tpu.matmul %mul3A_1518, %select_n3A_1487, %dot_general3A_1519 {dimension_numbers = #tpu.dot_dimension_numbers<[1], [1], [0], [0], [0, 0, 1, 0], [], []>, transpose_lhs_hint = false} : vector<6x128xf32>, vector<128x128xf32>, vector<6x128xf32> -> vector<6x128xf32>
    %add3A_1521 = arith.addf %add3A_1452, %dot_general3A_1520 : vector<6x128xf32>
    %eq3A_1522 = arith.constant 2.000000e+00 : f32
    %eq3A_1523 = vector.broadcast %eq3A_1522 : f32 to vector<1x128xf32>
    %eq3A_1524 = arith.cmpf oeq, %slice3A_1480, %eq3A_1523 : vector<1x128xf32>
    %jit3A_1525 = arith.constant 1.000000e+00 : f32
    %jit3A_1526 = arith.constant 0.000000e+00 : f32
    %broadcast_in_dim3A_1527 = vector.broadcast %jit3A_1525 : f32 to vector<1x128xf32>
    %broadcast_in_dim3A_1528 = vector.broadcast %jit3A_1526 : f32 to vector<1x128xf32>
    %select_n3A_1529 = arith.select %eq3A_1524, %broadcast_in_dim3A_1527, %broadcast_in_dim3A_1528 : vector<1x128xi1>, vector<1x128xf32>
    %mul3A_1530 = vector.broadcast %select_n3A_1529 : vector<1x128xf32> to vector<6x128xf32>
    %mul3A_1531 = arith.mulf %concatenate3A_1495, %mul3A_1530 : vector<6x128xf32>
    %dot_general3A_1532 = arith.constant dense<0.000000e+00> : vector<6x128xf32>
    %dot_general3A_1533 = tpu.matmul %mul3A_1531, %select_n3A_1487, %dot_general3A_1532 {dimension_numbers = #tpu.dot_dimension_numbers<[1], [1], [0], [0], [0, 0, 1, 0], [], []>, transpose_lhs_hint = false} : vector<6x128xf32>, vector<128x128xf32>, vector<6x128xf32> -> vector<6x128xf32>
    %add3A_1534 = arith.addf %add3A_1465, %dot_general3A_1533 : vector<6x128xf32>
    %eq3A_1535 = arith.constant 3.000000e+00 : f32
    %eq3A_1536 = vector.broadcast %eq3A_1535 : f32 to vector<1x128xf32>
    %eq3A_1537 = arith.cmpf oeq, %slice3A_1480, %eq3A_1536 : vector<1x128xf32>
    %jit3A_1538 = arith.constant 1.000000e+00 : f32
    %jit3A_1539 = arith.constant 0.000000e+00 : f32
    %broadcast_in_dim3A_1540 = vector.broadcast %jit3A_1538 : f32 to vector<1x128xf32>
    %broadcast_in_dim3A_1541 = vector.broadcast %jit3A_1539 : f32 to vector<1x128xf32>
    %select_n3A_1542 = arith.select %eq3A_1537, %broadcast_in_dim3A_1540, %broadcast_in_dim3A_1541 : vector<1x128xi1>, vector<1x128xf32>
    %mul3A_1543 = vector.broadcast %select_n3A_1542 : vector<1x128xf32> to vector<6x128xf32>
    %mul3A_1544 = arith.mulf %concatenate3A_1495, %mul3A_1543 : vector<6x128xf32>
    %dot_general3A_1545 = arith.constant dense<0.000000e+00> : vector<6x128xf32>
    %dot_general3A_1546 = tpu.matmul %mul3A_1544, %select_n3A_1487, %dot_general3A_1545 {dimension_numbers = #tpu.dot_dimension_numbers<[1], [1], [0], [0], [0, 0, 1, 0], [], []>, transpose_lhs_hint = false} : vector<6x128xf32>, vector<128x128xf32>, vector<6x128xf32> -> vector<6x128xf32>
    %add3A_1547 = arith.addf %add3A_1478, %dot_general3A_1546 : vector<6x128xf32>
    %slice3A_1548 = vector.extract_strided_slice %convert_element_type3A_64 {offsets = [21, 0], sizes = [1, 128], strides = [1, 1]} : vector<32x128xf32> to vector<1x128xf32>
    %slice3A_1549 = vector.extract_strided_slice %convert_element_type3A_63 {offsets = [21, 0], sizes = [1, 128], strides = [1, 1]} : vector<32x128xf32> to vector<1x128xf32>
    %eq3A_1550 = vector.broadcast %slice3A_1548 : vector<1x128xf32> to vector<128x128xf32>
    %eq3A_1551 = arith.cmpf oeq, %convert_element_type3A_92, %eq3A_1550 : vector<128x128xf32>
    %jit3A_1552 = arith.constant 1.000000e+00 : f32
    %jit3A_1553 = arith.constant 0.000000e+00 : f32
    %broadcast_in_dim3A_1554 = vector.broadcast %jit3A_1552 : f32 to vector<128x128xf32>
    %broadcast_in_dim3A_1555 = vector.broadcast %jit3A_1553 : f32 to vector<128x128xf32>
    %select_n3A_1556 = arith.select %eq3A_1551, %broadcast_in_dim3A_1554, %broadcast_in_dim3A_1555 : vector<128x128xi1>, vector<128x128xf32>
    %broadcast_in_dim3A_1557 = arith.constant 2.100000e+01 : f32
    %broadcast_in_dim3A_1558 = vector.broadcast %broadcast_in_dim3A_1557 : f32 to vector<1x128xf32>
    %slice3A_1559 = vector.extract_strided_slice %convert_element_type3A_90 {offsets = [21, 0], sizes = [1, 128], strides = [1, 1]} : vector<32x128xf32> to vector<1x128xf32>
    %slice3A_1560 = vector.extract_strided_slice %convert_element_type3A_68 {offsets = [21, 0], sizes = [1, 128], strides = [1, 1]} : vector<32x128xf32> to vector<1x128xf32>
    %slice3A_1561 = vector.extract_strided_slice %convert_element_type3A_75 {offsets = [21, 0], sizes = [1, 128], strides = [1, 1]} : vector<32x128xf32> to vector<1x128xf32>
    %slice3A_1562 = vector.extract_strided_slice %convert_element_type3A_82 {offsets = [21, 0], sizes = [1, 128], strides = [1, 1]} : vector<32x128xf32> to vector<1x128xf32>
    %slice3A_1563 = vector.extract_strided_slice %convert_element_type3A_89 {offsets = [21, 0], sizes = [1, 128], strides = [1, 1]} : vector<32x128xf32> to vector<1x128xf32>
    %concatenate3A_1564 = tpu.concatenate %broadcast_in_dim3A_1558, %slice3A_1559, %slice3A_1560, %slice3A_1561, %slice3A_1562, %slice3A_1563 in 0 : vector<1x128xf32>, vector<1x128xf32>, vector<1x128xf32>, vector<1x128xf32>, vector<1x128xf32>, vector<1x128xf32> -> vector<6x128xf32>
    %eq3A_1565 = arith.constant 0.000000e+00 : f32
    %eq3A_1566 = vector.broadcast %eq3A_1565 : f32 to vector<1x128xf32>
    %eq3A_1567 = arith.cmpf oeq, %slice3A_1549, %eq3A_1566 : vector<1x128xf32>
    %jit3A_1568 = arith.constant 1.000000e+00 : f32
    %jit3A_1569 = arith.constant 0.000000e+00 : f32
    %broadcast_in_dim3A_1570 = vector.broadcast %jit3A_1568 : f32 to vector<1x128xf32>
    %broadcast_in_dim3A_1571 = vector.broadcast %jit3A_1569 : f32 to vector<1x128xf32>
    %select_n3A_1572 = arith.select %eq3A_1567, %broadcast_in_dim3A_1570, %broadcast_in_dim3A_1571 : vector<1x128xi1>, vector<1x128xf32>
    %mul3A_1573 = vector.broadcast %select_n3A_1572 : vector<1x128xf32> to vector<6x128xf32>
    %mul3A_1574 = arith.mulf %concatenate3A_1564, %mul3A_1573 : vector<6x128xf32>
    %dot_general3A_1575 = arith.constant dense<0.000000e+00> : vector<6x128xf32>
    %dot_general3A_1576 = tpu.matmul %mul3A_1574, %select_n3A_1556, %dot_general3A_1575 {dimension_numbers = #tpu.dot_dimension_numbers<[1], [1], [0], [0], [0, 0, 1, 0], [], []>, transpose_lhs_hint = false} : vector<6x128xf32>, vector<128x128xf32>, vector<6x128xf32> -> vector<6x128xf32>
    %add3A_1577 = arith.addf %add3A_1508, %dot_general3A_1576 : vector<6x128xf32>
    %eq3A_1578 = arith.constant 1.000000e+00 : f32
    %eq3A_1579 = vector.broadcast %eq3A_1578 : f32 to vector<1x128xf32>
    %eq3A_1580 = arith.cmpf oeq, %slice3A_1549, %eq3A_1579 : vector<1x128xf32>
    %jit3A_1581 = arith.constant 1.000000e+00 : f32
    %jit3A_1582 = arith.constant 0.000000e+00 : f32
    %broadcast_in_dim3A_1583 = vector.broadcast %jit3A_1581 : f32 to vector<1x128xf32>
    %broadcast_in_dim3A_1584 = vector.broadcast %jit3A_1582 : f32 to vector<1x128xf32>
    %select_n3A_1585 = arith.select %eq3A_1580, %broadcast_in_dim3A_1583, %broadcast_in_dim3A_1584 : vector<1x128xi1>, vector<1x128xf32>
    %mul3A_1586 = vector.broadcast %select_n3A_1585 : vector<1x128xf32> to vector<6x128xf32>
    %mul3A_1587 = arith.mulf %concatenate3A_1564, %mul3A_1586 : vector<6x128xf32>
    %dot_general3A_1588 = arith.constant dense<0.000000e+00> : vector<6x128xf32>
    %dot_general3A_1589 = tpu.matmul %mul3A_1587, %select_n3A_1556, %dot_general3A_1588 {dimension_numbers = #tpu.dot_dimension_numbers<[1], [1], [0], [0], [0, 0, 1, 0], [], []>, transpose_lhs_hint = false} : vector<6x128xf32>, vector<128x128xf32>, vector<6x128xf32> -> vector<6x128xf32>
    %add3A_1590 = arith.addf %add3A_1521, %dot_general3A_1589 : vector<6x128xf32>
    %eq3A_1591 = arith.constant 2.000000e+00 : f32
    %eq3A_1592 = vector.broadcast %eq3A_1591 : f32 to vector<1x128xf32>
    %eq3A_1593 = arith.cmpf oeq, %slice3A_1549, %eq3A_1592 : vector<1x128xf32>
    %jit3A_1594 = arith.constant 1.000000e+00 : f32
    %jit3A_1595 = arith.constant 0.000000e+00 : f32
    %broadcast_in_dim3A_1596 = vector.broadcast %jit3A_1594 : f32 to vector<1x128xf32>
    %broadcast_in_dim3A_1597 = vector.broadcast %jit3A_1595 : f32 to vector<1x128xf32>
    %select_n3A_1598 = arith.select %eq3A_1593, %broadcast_in_dim3A_1596, %broadcast_in_dim3A_1597 : vector<1x128xi1>, vector<1x128xf32>
    %mul3A_1599 = vector.broadcast %select_n3A_1598 : vector<1x128xf32> to vector<6x128xf32>
    %mul3A_1600 = arith.mulf %concatenate3A_1564, %mul3A_1599 : vector<6x128xf32>
    %dot_general3A_1601 = arith.constant dense<0.000000e+00> : vector<6x128xf32>
    %dot_general3A_1602 = tpu.matmul %mul3A_1600, %select_n3A_1556, %dot_general3A_1601 {dimension_numbers = #tpu.dot_dimension_numbers<[1], [1], [0], [0], [0, 0, 1, 0], [], []>, transpose_lhs_hint = false} : vector<6x128xf32>, vector<128x128xf32>, vector<6x128xf32> -> vector<6x128xf32>
    %add3A_1603 = arith.addf %add3A_1534, %dot_general3A_1602 : vector<6x128xf32>
    %eq3A_1604 = arith.constant 3.000000e+00 : f32
    %eq3A_1605 = vector.broadcast %eq3A_1604 : f32 to vector<1x128xf32>
    %eq3A_1606 = arith.cmpf oeq, %slice3A_1549, %eq3A_1605 : vector<1x128xf32>
    %jit3A_1607 = arith.constant 1.000000e+00 : f32
    %jit3A_1608 = arith.constant 0.000000e+00 : f32
    %broadcast_in_dim3A_1609 = vector.broadcast %jit3A_1607 : f32 to vector<1x128xf32>
    %broadcast_in_dim3A_1610 = vector.broadcast %jit3A_1608 : f32 to vector<1x128xf32>
    %select_n3A_1611 = arith.select %eq3A_1606, %broadcast_in_dim3A_1609, %broadcast_in_dim3A_1610 : vector<1x128xi1>, vector<1x128xf32>
    %mul3A_1612 = vector.broadcast %select_n3A_1611 : vector<1x128xf32> to vector<6x128xf32>
    %mul3A_1613 = arith.mulf %concatenate3A_1564, %mul3A_1612 : vector<6x128xf32>
    %dot_general3A_1614 = arith.constant dense<0.000000e+00> : vector<6x128xf32>
    %dot_general3A_1615 = tpu.matmul %mul3A_1613, %select_n3A_1556, %dot_general3A_1614 {dimension_numbers = #tpu.dot_dimension_numbers<[1], [1], [0], [0], [0, 0, 1, 0], [], []>, transpose_lhs_hint = false} : vector<6x128xf32>, vector<128x128xf32>, vector<6x128xf32> -> vector<6x128xf32>
    %add3A_1616 = arith.addf %add3A_1547, %dot_general3A_1615 : vector<6x128xf32>
    %slice3A_1617 = vector.extract_strided_slice %convert_element_type3A_64 {offsets = [22, 0], sizes = [1, 128], strides = [1, 1]} : vector<32x128xf32> to vector<1x128xf32>
    %slice3A_1618 = vector.extract_strided_slice %convert_element_type3A_63 {offsets = [22, 0], sizes = [1, 128], strides = [1, 1]} : vector<32x128xf32> to vector<1x128xf32>
    %eq3A_1619 = vector.broadcast %slice3A_1617 : vector<1x128xf32> to vector<128x128xf32>
    %eq3A_1620 = arith.cmpf oeq, %convert_element_type3A_92, %eq3A_1619 : vector<128x128xf32>
    %jit3A_1621 = arith.constant 1.000000e+00 : f32
    %jit3A_1622 = arith.constant 0.000000e+00 : f32
    %broadcast_in_dim3A_1623 = vector.broadcast %jit3A_1621 : f32 to vector<128x128xf32>
    %broadcast_in_dim3A_1624 = vector.broadcast %jit3A_1622 : f32 to vector<128x128xf32>
    %select_n3A_1625 = arith.select %eq3A_1620, %broadcast_in_dim3A_1623, %broadcast_in_dim3A_1624 : vector<128x128xi1>, vector<128x128xf32>
    %broadcast_in_dim3A_1626 = arith.constant 2.200000e+01 : f32
    %broadcast_in_dim3A_1627 = vector.broadcast %broadcast_in_dim3A_1626 : f32 to vector<1x128xf32>
    %slice3A_1628 = vector.extract_strided_slice %convert_element_type3A_90 {offsets = [22, 0], sizes = [1, 128], strides = [1, 1]} : vector<32x128xf32> to vector<1x128xf32>
    %slice3A_1629 = vector.extract_strided_slice %convert_element_type3A_68 {offsets = [22, 0], sizes = [1, 128], strides = [1, 1]} : vector<32x128xf32> to vector<1x128xf32>
    %slice3A_1630 = vector.extract_strided_slice %convert_element_type3A_75 {offsets = [22, 0], sizes = [1, 128], strides = [1, 1]} : vector<32x128xf32> to vector<1x128xf32>
    %slice3A_1631 = vector.extract_strided_slice %convert_element_type3A_82 {offsets = [22, 0], sizes = [1, 128], strides = [1, 1]} : vector<32x128xf32> to vector<1x128xf32>
    %slice3A_1632 = vector.extract_strided_slice %convert_element_type3A_89 {offsets = [22, 0], sizes = [1, 128], strides = [1, 1]} : vector<32x128xf32> to vector<1x128xf32>
    %concatenate3A_1633 = tpu.concatenate %broadcast_in_dim3A_1627, %slice3A_1628, %slice3A_1629, %slice3A_1630, %slice3A_1631, %slice3A_1632 in 0 : vector<1x128xf32>, vector<1x128xf32>, vector<1x128xf32>, vector<1x128xf32>, vector<1x128xf32>, vector<1x128xf32> -> vector<6x128xf32>
    %eq3A_1634 = arith.constant 0.000000e+00 : f32
    %eq3A_1635 = vector.broadcast %eq3A_1634 : f32 to vector<1x128xf32>
    %eq3A_1636 = arith.cmpf oeq, %slice3A_1618, %eq3A_1635 : vector<1x128xf32>
    %jit3A_1637 = arith.constant 1.000000e+00 : f32
    %jit3A_1638 = arith.constant 0.000000e+00 : f32
    %broadcast_in_dim3A_1639 = vector.broadcast %jit3A_1637 : f32 to vector<1x128xf32>
    %broadcast_in_dim3A_1640 = vector.broadcast %jit3A_1638 : f32 to vector<1x128xf32>
    %select_n3A_1641 = arith.select %eq3A_1636, %broadcast_in_dim3A_1639, %broadcast_in_dim3A_1640 : vector<1x128xi1>, vector<1x128xf32>
    %mul3A_1642 = vector.broadcast %select_n3A_1641 : vector<1x128xf32> to vector<6x128xf32>
    %mul3A_1643 = arith.mulf %concatenate3A_1633, %mul3A_1642 : vector<6x128xf32>
    %dot_general3A_1644 = arith.constant dense<0.000000e+00> : vector<6x128xf32>
    %dot_general3A_1645 = tpu.matmul %mul3A_1643, %select_n3A_1625, %dot_general3A_1644 {dimension_numbers = #tpu.dot_dimension_numbers<[1], [1], [0], [0], [0, 0, 1, 0], [], []>, transpose_lhs_hint = false} : vector<6x128xf32>, vector<128x128xf32>, vector<6x128xf32> -> vector<6x128xf32>
    %add3A_1646 = arith.addf %add3A_1577, %dot_general3A_1645 : vector<6x128xf32>
    %eq3A_1647 = arith.constant 1.000000e+00 : f32
    %eq3A_1648 = vector.broadcast %eq3A_1647 : f32 to vector<1x128xf32>
    %eq3A_1649 = arith.cmpf oeq, %slice3A_1618, %eq3A_1648 : vector<1x128xf32>
    %jit3A_1650 = arith.constant 1.000000e+00 : f32
    %jit3A_1651 = arith.constant 0.000000e+00 : f32
    %broadcast_in_dim3A_1652 = vector.broadcast %jit3A_1650 : f32 to vector<1x128xf32>
    %broadcast_in_dim3A_1653 = vector.broadcast %jit3A_1651 : f32 to vector<1x128xf32>
    %select_n3A_1654 = arith.select %eq3A_1649, %broadcast_in_dim3A_1652, %broadcast_in_dim3A_1653 : vector<1x128xi1>, vector<1x128xf32>
    %mul3A_1655 = vector.broadcast %select_n3A_1654 : vector<1x128xf32> to vector<6x128xf32>
    %mul3A_1656 = arith.mulf %concatenate3A_1633, %mul3A_1655 : vector<6x128xf32>
    %dot_general3A_1657 = arith.constant dense<0.000000e+00> : vector<6x128xf32>
    %dot_general3A_1658 = tpu.matmul %mul3A_1656, %select_n3A_1625, %dot_general3A_1657 {dimension_numbers = #tpu.dot_dimension_numbers<[1], [1], [0], [0], [0, 0, 1, 0], [], []>, transpose_lhs_hint = false} : vector<6x128xf32>, vector<128x128xf32>, vector<6x128xf32> -> vector<6x128xf32>
    %add3A_1659 = arith.addf %add3A_1590, %dot_general3A_1658 : vector<6x128xf32>
    %eq3A_1660 = arith.constant 2.000000e+00 : f32
    %eq3A_1661 = vector.broadcast %eq3A_1660 : f32 to vector<1x128xf32>
    %eq3A_1662 = arith.cmpf oeq, %slice3A_1618, %eq3A_1661 : vector<1x128xf32>
    %jit3A_1663 = arith.constant 1.000000e+00 : f32
    %jit3A_1664 = arith.constant 0.000000e+00 : f32
    %broadcast_in_dim3A_1665 = vector.broadcast %jit3A_1663 : f32 to vector<1x128xf32>
    %broadcast_in_dim3A_1666 = vector.broadcast %jit3A_1664 : f32 to vector<1x128xf32>
    %select_n3A_1667 = arith.select %eq3A_1662, %broadcast_in_dim3A_1665, %broadcast_in_dim3A_1666 : vector<1x128xi1>, vector<1x128xf32>
    %mul3A_1668 = vector.broadcast %select_n3A_1667 : vector<1x128xf32> to vector<6x128xf32>
    %mul3A_1669 = arith.mulf %concatenate3A_1633, %mul3A_1668 : vector<6x128xf32>
    %dot_general3A_1670 = arith.constant dense<0.000000e+00> : vector<6x128xf32>
    %dot_general3A_1671 = tpu.matmul %mul3A_1669, %select_n3A_1625, %dot_general3A_1670 {dimension_numbers = #tpu.dot_dimension_numbers<[1], [1], [0], [0], [0, 0, 1, 0], [], []>, transpose_lhs_hint = false} : vector<6x128xf32>, vector<128x128xf32>, vector<6x128xf32> -> vector<6x128xf32>
    %add3A_1672 = arith.addf %add3A_1603, %dot_general3A_1671 : vector<6x128xf32>
    %eq3A_1673 = arith.constant 3.000000e+00 : f32
    %eq3A_1674 = vector.broadcast %eq3A_1673 : f32 to vector<1x128xf32>
    %eq3A_1675 = arith.cmpf oeq, %slice3A_1618, %eq3A_1674 : vector<1x128xf32>
    %jit3A_1676 = arith.constant 1.000000e+00 : f32
    %jit3A_1677 = arith.constant 0.000000e+00 : f32
    %broadcast_in_dim3A_1678 = vector.broadcast %jit3A_1676 : f32 to vector<1x128xf32>
    %broadcast_in_dim3A_1679 = vector.broadcast %jit3A_1677 : f32 to vector<1x128xf32>
    %select_n3A_1680 = arith.select %eq3A_1675, %broadcast_in_dim3A_1678, %broadcast_in_dim3A_1679 : vector<1x128xi1>, vector<1x128xf32>
    %mul3A_1681 = vector.broadcast %select_n3A_1680 : vector<1x128xf32> to vector<6x128xf32>
    %mul3A_1682 = arith.mulf %concatenate3A_1633, %mul3A_1681 : vector<6x128xf32>
    %dot_general3A_1683 = arith.constant dense<0.000000e+00> : vector<6x128xf32>
    %dot_general3A_1684 = tpu.matmul %mul3A_1682, %select_n3A_1625, %dot_general3A_1683 {dimension_numbers = #tpu.dot_dimension_numbers<[1], [1], [0], [0], [0, 0, 1, 0], [], []>, transpose_lhs_hint = false} : vector<6x128xf32>, vector<128x128xf32>, vector<6x128xf32> -> vector<6x128xf32>
    %add3A_1685 = arith.addf %add3A_1616, %dot_general3A_1684 : vector<6x128xf32>
    %slice3A_1686 = vector.extract_strided_slice %convert_element_type3A_64 {offsets = [23, 0], sizes = [1, 128], strides = [1, 1]} : vector<32x128xf32> to vector<1x128xf32>
    %slice3A_1687 = vector.extract_strided_slice %convert_element_type3A_63 {offsets = [23, 0], sizes = [1, 128], strides = [1, 1]} : vector<32x128xf32> to vector<1x128xf32>
    %eq3A_1688 = vector.broadcast %slice3A_1686 : vector<1x128xf32> to vector<128x128xf32>
    %eq3A_1689 = arith.cmpf oeq, %convert_element_type3A_92, %eq3A_1688 : vector<128x128xf32>
    %jit3A_1690 = arith.constant 1.000000e+00 : f32
    %jit3A_1691 = arith.constant 0.000000e+00 : f32
    %broadcast_in_dim3A_1692 = vector.broadcast %jit3A_1690 : f32 to vector<128x128xf32>
    %broadcast_in_dim3A_1693 = vector.broadcast %jit3A_1691 : f32 to vector<128x128xf32>
    %select_n3A_1694 = arith.select %eq3A_1689, %broadcast_in_dim3A_1692, %broadcast_in_dim3A_1693 : vector<128x128xi1>, vector<128x128xf32>
    %broadcast_in_dim3A_1695 = arith.constant 2.300000e+01 : f32
    %broadcast_in_dim3A_1696 = vector.broadcast %broadcast_in_dim3A_1695 : f32 to vector<1x128xf32>
    %slice3A_1697 = vector.extract_strided_slice %convert_element_type3A_90 {offsets = [23, 0], sizes = [1, 128], strides = [1, 1]} : vector<32x128xf32> to vector<1x128xf32>
    %slice3A_1698 = vector.extract_strided_slice %convert_element_type3A_68 {offsets = [23, 0], sizes = [1, 128], strides = [1, 1]} : vector<32x128xf32> to vector<1x128xf32>
    %slice3A_1699 = vector.extract_strided_slice %convert_element_type3A_75 {offsets = [23, 0], sizes = [1, 128], strides = [1, 1]} : vector<32x128xf32> to vector<1x128xf32>
    %slice3A_1700 = vector.extract_strided_slice %convert_element_type3A_82 {offsets = [23, 0], sizes = [1, 128], strides = [1, 1]} : vector<32x128xf32> to vector<1x128xf32>
    %slice3A_1701 = vector.extract_strided_slice %convert_element_type3A_89 {offsets = [23, 0], sizes = [1, 128], strides = [1, 1]} : vector<32x128xf32> to vector<1x128xf32>
    %concatenate3A_1702 = tpu.concatenate %broadcast_in_dim3A_1696, %slice3A_1697, %slice3A_1698, %slice3A_1699, %slice3A_1700, %slice3A_1701 in 0 : vector<1x128xf32>, vector<1x128xf32>, vector<1x128xf32>, vector<1x128xf32>, vector<1x128xf32>, vector<1x128xf32> -> vector<6x128xf32>
    %eq3A_1703 = arith.constant 0.000000e+00 : f32
    %eq3A_1704 = vector.broadcast %eq3A_1703 : f32 to vector<1x128xf32>
    %eq3A_1705 = arith.cmpf oeq, %slice3A_1687, %eq3A_1704 : vector<1x128xf32>
    %jit3A_1706 = arith.constant 1.000000e+00 : f32
    %jit3A_1707 = arith.constant 0.000000e+00 : f32
    %broadcast_in_dim3A_1708 = vector.broadcast %jit3A_1706 : f32 to vector<1x128xf32>
    %broadcast_in_dim3A_1709 = vector.broadcast %jit3A_1707 : f32 to vector<1x128xf32>
    %select_n3A_1710 = arith.select %eq3A_1705, %broadcast_in_dim3A_1708, %broadcast_in_dim3A_1709 : vector<1x128xi1>, vector<1x128xf32>
    %mul3A_1711 = vector.broadcast %select_n3A_1710 : vector<1x128xf32> to vector<6x128xf32>
    %mul3A_1712 = arith.mulf %concatenate3A_1702, %mul3A_1711 : vector<6x128xf32>
    %dot_general3A_1713 = arith.constant dense<0.000000e+00> : vector<6x128xf32>
    %dot_general3A_1714 = tpu.matmul %mul3A_1712, %select_n3A_1694, %dot_general3A_1713 {dimension_numbers = #tpu.dot_dimension_numbers<[1], [1], [0], [0], [0, 0, 1, 0], [], []>, transpose_lhs_hint = false} : vector<6x128xf32>, vector<128x128xf32>, vector<6x128xf32> -> vector<6x128xf32>
    %add3A_1715 = arith.addf %add3A_1646, %dot_general3A_1714 : vector<6x128xf32>
    %eq3A_1716 = arith.constant 1.000000e+00 : f32
    %eq3A_1717 = vector.broadcast %eq3A_1716 : f32 to vector<1x128xf32>
    %eq3A_1718 = arith.cmpf oeq, %slice3A_1687, %eq3A_1717 : vector<1x128xf32>
    %jit3A_1719 = arith.constant 1.000000e+00 : f32
    %jit3A_1720 = arith.constant 0.000000e+00 : f32
    %broadcast_in_dim3A_1721 = vector.broadcast %jit3A_1719 : f32 to vector<1x128xf32>
    %broadcast_in_dim3A_1722 = vector.broadcast %jit3A_1720 : f32 to vector<1x128xf32>
    %select_n3A_1723 = arith.select %eq3A_1718, %broadcast_in_dim3A_1721, %broadcast_in_dim3A_1722 : vector<1x128xi1>, vector<1x128xf32>
    %mul3A_1724 = vector.broadcast %select_n3A_1723 : vector<1x128xf32> to vector<6x128xf32>
    %mul3A_1725 = arith.mulf %concatenate3A_1702, %mul3A_1724 : vector<6x128xf32>
    %dot_general3A_1726 = arith.constant dense<0.000000e+00> : vector<6x128xf32>
    %dot_general3A_1727 = tpu.matmul %mul3A_1725, %select_n3A_1694, %dot_general3A_1726 {dimension_numbers = #tpu.dot_dimension_numbers<[1], [1], [0], [0], [0, 0, 1, 0], [], []>, transpose_lhs_hint = false} : vector<6x128xf32>, vector<128x128xf32>, vector<6x128xf32> -> vector<6x128xf32>
    %add3A_1728 = arith.addf %add3A_1659, %dot_general3A_1727 : vector<6x128xf32>
    %eq3A_1729 = arith.constant 2.000000e+00 : f32
    %eq3A_1730 = vector.broadcast %eq3A_1729 : f32 to vector<1x128xf32>
    %eq3A_1731 = arith.cmpf oeq, %slice3A_1687, %eq3A_1730 : vector<1x128xf32>
    %jit3A_1732 = arith.constant 1.000000e+00 : f32
    %jit3A_1733 = arith.constant 0.000000e+00 : f32
    %broadcast_in_dim3A_1734 = vector.broadcast %jit3A_1732 : f32 to vector<1x128xf32>
    %broadcast_in_dim3A_1735 = vector.broadcast %jit3A_1733 : f32 to vector<1x128xf32>
    %select_n3A_1736 = arith.select %eq3A_1731, %broadcast_in_dim3A_1734, %broadcast_in_dim3A_1735 : vector<1x128xi1>, vector<1x128xf32>
    %mul3A_1737 = vector.broadcast %select_n3A_1736 : vector<1x128xf32> to vector<6x128xf32>
    %mul3A_1738 = arith.mulf %concatenate3A_1702, %mul3A_1737 : vector<6x128xf32>
    %dot_general3A_1739 = arith.constant dense<0.000000e+00> : vector<6x128xf32>
    %dot_general3A_1740 = tpu.matmul %mul3A_1738, %select_n3A_1694, %dot_general3A_1739 {dimension_numbers = #tpu.dot_dimension_numbers<[1], [1], [0], [0], [0, 0, 1, 0], [], []>, transpose_lhs_hint = false} : vector<6x128xf32>, vector<128x128xf32>, vector<6x128xf32> -> vector<6x128xf32>
    %add3A_1741 = arith.addf %add3A_1672, %dot_general3A_1740 : vector<6x128xf32>
    %eq3A_1742 = arith.constant 3.000000e+00 : f32
    %eq3A_1743 = vector.broadcast %eq3A_1742 : f32 to vector<1x128xf32>
    %eq3A_1744 = arith.cmpf oeq, %slice3A_1687, %eq3A_1743 : vector<1x128xf32>
    %jit3A_1745 = arith.constant 1.000000e+00 : f32
    %jit3A_1746 = arith.constant 0.000000e+00 : f32
    %broadcast_in_dim3A_1747 = vector.broadcast %jit3A_1745 : f32 to vector<1x128xf32>
    %broadcast_in_dim3A_1748 = vector.broadcast %jit3A_1746 : f32 to vector<1x128xf32>
    %select_n3A_1749 = arith.select %eq3A_1744, %broadcast_in_dim3A_1747, %broadcast_in_dim3A_1748 : vector<1x128xi1>, vector<1x128xf32>
    %mul3A_1750 = vector.broadcast %select_n3A_1749 : vector<1x128xf32> to vector<6x128xf32>
    %mul3A_1751 = arith.mulf %concatenate3A_1702, %mul3A_1750 : vector<6x128xf32>
    %dot_general3A_1752 = arith.constant dense<0.000000e+00> : vector<6x128xf32>
    %dot_general3A_1753 = tpu.matmul %mul3A_1751, %select_n3A_1694, %dot_general3A_1752 {dimension_numbers = #tpu.dot_dimension_numbers<[1], [1], [0], [0], [0, 0, 1, 0], [], []>, transpose_lhs_hint = false} : vector<6x128xf32>, vector<128x128xf32>, vector<6x128xf32> -> vector<6x128xf32>
    %add3A_1754 = arith.addf %add3A_1685, %dot_general3A_1753 : vector<6x128xf32>
    %slice3A_1755 = vector.extract_strided_slice %convert_element_type3A_64 {offsets = [24, 0], sizes = [1, 128], strides = [1, 1]} : vector<32x128xf32> to vector<1x128xf32>
    %slice3A_1756 = vector.extract_strided_slice %convert_element_type3A_63 {offsets = [24, 0], sizes = [1, 128], strides = [1, 1]} : vector<32x128xf32> to vector<1x128xf32>
    %eq3A_1757 = vector.broadcast %slice3A_1755 : vector<1x128xf32> to vector<128x128xf32>
    %eq3A_1758 = arith.cmpf oeq, %convert_element_type3A_92, %eq3A_1757 : vector<128x128xf32>
    %jit3A_1759 = arith.constant 1.000000e+00 : f32
    %jit3A_1760 = arith.constant 0.000000e+00 : f32
    %broadcast_in_dim3A_1761 = vector.broadcast %jit3A_1759 : f32 to vector<128x128xf32>
    %broadcast_in_dim3A_1762 = vector.broadcast %jit3A_1760 : f32 to vector<128x128xf32>
    %select_n3A_1763 = arith.select %eq3A_1758, %broadcast_in_dim3A_1761, %broadcast_in_dim3A_1762 : vector<128x128xi1>, vector<128x128xf32>
    %broadcast_in_dim3A_1764 = arith.constant 2.400000e+01 : f32
    %broadcast_in_dim3A_1765 = vector.broadcast %broadcast_in_dim3A_1764 : f32 to vector<1x128xf32>
    %slice3A_1766 = vector.extract_strided_slice %convert_element_type3A_90 {offsets = [24, 0], sizes = [1, 128], strides = [1, 1]} : vector<32x128xf32> to vector<1x128xf32>
    %slice3A_1767 = vector.extract_strided_slice %convert_element_type3A_68 {offsets = [24, 0], sizes = [1, 128], strides = [1, 1]} : vector<32x128xf32> to vector<1x128xf32>
    %slice3A_1768 = vector.extract_strided_slice %convert_element_type3A_75 {offsets = [24, 0], sizes = [1, 128], strides = [1, 1]} : vector<32x128xf32> to vector<1x128xf32>
    %slice3A_1769 = vector.extract_strided_slice %convert_element_type3A_82 {offsets = [24, 0], sizes = [1, 128], strides = [1, 1]} : vector<32x128xf32> to vector<1x128xf32>
    %slice3A_1770 = vector.extract_strided_slice %convert_element_type3A_89 {offsets = [24, 0], sizes = [1, 128], strides = [1, 1]} : vector<32x128xf32> to vector<1x128xf32>
    %concatenate3A_1771 = tpu.concatenate %broadcast_in_dim3A_1765, %slice3A_1766, %slice3A_1767, %slice3A_1768, %slice3A_1769, %slice3A_1770 in 0 : vector<1x128xf32>, vector<1x128xf32>, vector<1x128xf32>, vector<1x128xf32>, vector<1x128xf32>, vector<1x128xf32> -> vector<6x128xf32>
    %eq3A_1772 = arith.constant 0.000000e+00 : f32
    %eq3A_1773 = vector.broadcast %eq3A_1772 : f32 to vector<1x128xf32>
    %eq3A_1774 = arith.cmpf oeq, %slice3A_1756, %eq3A_1773 : vector<1x128xf32>
    %jit3A_1775 = arith.constant 1.000000e+00 : f32
    %jit3A_1776 = arith.constant 0.000000e+00 : f32
    %broadcast_in_dim3A_1777 = vector.broadcast %jit3A_1775 : f32 to vector<1x128xf32>
    %broadcast_in_dim3A_1778 = vector.broadcast %jit3A_1776 : f32 to vector<1x128xf32>
    %select_n3A_1779 = arith.select %eq3A_1774, %broadcast_in_dim3A_1777, %broadcast_in_dim3A_1778 : vector<1x128xi1>, vector<1x128xf32>
    %mul3A_1780 = vector.broadcast %select_n3A_1779 : vector<1x128xf32> to vector<6x128xf32>
    %mul3A_1781 = arith.mulf %concatenate3A_1771, %mul3A_1780 : vector<6x128xf32>
    %dot_general3A_1782 = arith.constant dense<0.000000e+00> : vector<6x128xf32>
    %dot_general3A_1783 = tpu.matmul %mul3A_1781, %select_n3A_1763, %dot_general3A_1782 {dimension_numbers = #tpu.dot_dimension_numbers<[1], [1], [0], [0], [0, 0, 1, 0], [], []>, transpose_lhs_hint = false} : vector<6x128xf32>, vector<128x128xf32>, vector<6x128xf32> -> vector<6x128xf32>
    %add3A_1784 = arith.addf %add3A_1715, %dot_general3A_1783 : vector<6x128xf32>
    %eq3A_1785 = arith.constant 1.000000e+00 : f32
    %eq3A_1786 = vector.broadcast %eq3A_1785 : f32 to vector<1x128xf32>
    %eq3A_1787 = arith.cmpf oeq, %slice3A_1756, %eq3A_1786 : vector<1x128xf32>
    %jit3A_1788 = arith.constant 1.000000e+00 : f32
    %jit3A_1789 = arith.constant 0.000000e+00 : f32
    %broadcast_in_dim3A_1790 = vector.broadcast %jit3A_1788 : f32 to vector<1x128xf32>
    %broadcast_in_dim3A_1791 = vector.broadcast %jit3A_1789 : f32 to vector<1x128xf32>
    %select_n3A_1792 = arith.select %eq3A_1787, %broadcast_in_dim3A_1790, %broadcast_in_dim3A_1791 : vector<1x128xi1>, vector<1x128xf32>
    %mul3A_1793 = vector.broadcast %select_n3A_1792 : vector<1x128xf32> to vector<6x128xf32>
    %mul3A_1794 = arith.mulf %concatenate3A_1771, %mul3A_1793 : vector<6x128xf32>
    %dot_general3A_1795 = arith.constant dense<0.000000e+00> : vector<6x128xf32>
    %dot_general3A_1796 = tpu.matmul %mul3A_1794, %select_n3A_1763, %dot_general3A_1795 {dimension_numbers = #tpu.dot_dimension_numbers<[1], [1], [0], [0], [0, 0, 1, 0], [], []>, transpose_lhs_hint = false} : vector<6x128xf32>, vector<128x128xf32>, vector<6x128xf32> -> vector<6x128xf32>
    %add3A_1797 = arith.addf %add3A_1728, %dot_general3A_1796 : vector<6x128xf32>
    %eq3A_1798 = arith.constant 2.000000e+00 : f32
    %eq3A_1799 = vector.broadcast %eq3A_1798 : f32 to vector<1x128xf32>
    %eq3A_1800 = arith.cmpf oeq, %slice3A_1756, %eq3A_1799 : vector<1x128xf32>
    %jit3A_1801 = arith.constant 1.000000e+00 : f32
    %jit3A_1802 = arith.constant 0.000000e+00 : f32
    %broadcast_in_dim3A_1803 = vector.broadcast %jit3A_1801 : f32 to vector<1x128xf32>
    %broadcast_in_dim3A_1804 = vector.broadcast %jit3A_1802 : f32 to vector<1x128xf32>
    %select_n3A_1805 = arith.select %eq3A_1800, %broadcast_in_dim3A_1803, %broadcast_in_dim3A_1804 : vector<1x128xi1>, vector<1x128xf32>
    %mul3A_1806 = vector.broadcast %select_n3A_1805 : vector<1x128xf32> to vector<6x128xf32>
    %mul3A_1807 = arith.mulf %concatenate3A_1771, %mul3A_1806 : vector<6x128xf32>
    %dot_general3A_1808 = arith.constant dense<0.000000e+00> : vector<6x128xf32>
    %dot_general3A_1809 = tpu.matmul %mul3A_1807, %select_n3A_1763, %dot_general3A_1808 {dimension_numbers = #tpu.dot_dimension_numbers<[1], [1], [0], [0], [0, 0, 1, 0], [], []>, transpose_lhs_hint = false} : vector<6x128xf32>, vector<128x128xf32>, vector<6x128xf32> -> vector<6x128xf32>
    %add3A_1810 = arith.addf %add3A_1741, %dot_general3A_1809 : vector<6x128xf32>
    %eq3A_1811 = arith.constant 3.000000e+00 : f32
    %eq3A_1812 = vector.broadcast %eq3A_1811 : f32 to vector<1x128xf32>
    %eq3A_1813 = arith.cmpf oeq, %slice3A_1756, %eq3A_1812 : vector<1x128xf32>
    %jit3A_1814 = arith.constant 1.000000e+00 : f32
    %jit3A_1815 = arith.constant 0.000000e+00 : f32
    %broadcast_in_dim3A_1816 = vector.broadcast %jit3A_1814 : f32 to vector<1x128xf32>
    %broadcast_in_dim3A_1817 = vector.broadcast %jit3A_1815 : f32 to vector<1x128xf32>
    %select_n3A_1818 = arith.select %eq3A_1813, %broadcast_in_dim3A_1816, %broadcast_in_dim3A_1817 : vector<1x128xi1>, vector<1x128xf32>
    %mul3A_1819 = vector.broadcast %select_n3A_1818 : vector<1x128xf32> to vector<6x128xf32>
    %mul3A_1820 = arith.mulf %concatenate3A_1771, %mul3A_1819 : vector<6x128xf32>
    %dot_general3A_1821 = arith.constant dense<0.000000e+00> : vector<6x128xf32>
    %dot_general3A_1822 = tpu.matmul %mul3A_1820, %select_n3A_1763, %dot_general3A_1821 {dimension_numbers = #tpu.dot_dimension_numbers<[1], [1], [0], [0], [0, 0, 1, 0], [], []>, transpose_lhs_hint = false} : vector<6x128xf32>, vector<128x128xf32>, vector<6x128xf32> -> vector<6x128xf32>
    %add3A_1823 = arith.addf %add3A_1754, %dot_general3A_1822 : vector<6x128xf32>
    %slice3A_1824 = vector.extract_strided_slice %convert_element_type3A_64 {offsets = [25, 0], sizes = [1, 128], strides = [1, 1]} : vector<32x128xf32> to vector<1x128xf32>
    %slice3A_1825 = vector.extract_strided_slice %convert_element_type3A_63 {offsets = [25, 0], sizes = [1, 128], strides = [1, 1]} : vector<32x128xf32> to vector<1x128xf32>
    %eq3A_1826 = vector.broadcast %slice3A_1824 : vector<1x128xf32> to vector<128x128xf32>
    %eq3A_1827 = arith.cmpf oeq, %convert_element_type3A_92, %eq3A_1826 : vector<128x128xf32>
    %jit3A_1828 = arith.constant 1.000000e+00 : f32
    %jit3A_1829 = arith.constant 0.000000e+00 : f32
    %broadcast_in_dim3A_1830 = vector.broadcast %jit3A_1828 : f32 to vector<128x128xf32>
    %broadcast_in_dim3A_1831 = vector.broadcast %jit3A_1829 : f32 to vector<128x128xf32>
    %select_n3A_1832 = arith.select %eq3A_1827, %broadcast_in_dim3A_1830, %broadcast_in_dim3A_1831 : vector<128x128xi1>, vector<128x128xf32>
    %broadcast_in_dim3A_1833 = arith.constant 2.500000e+01 : f32
    %broadcast_in_dim3A_1834 = vector.broadcast %broadcast_in_dim3A_1833 : f32 to vector<1x128xf32>
    %slice3A_1835 = vector.extract_strided_slice %convert_element_type3A_90 {offsets = [25, 0], sizes = [1, 128], strides = [1, 1]} : vector<32x128xf32> to vector<1x128xf32>
    %slice3A_1836 = vector.extract_strided_slice %convert_element_type3A_68 {offsets = [25, 0], sizes = [1, 128], strides = [1, 1]} : vector<32x128xf32> to vector<1x128xf32>
    %slice3A_1837 = vector.extract_strided_slice %convert_element_type3A_75 {offsets = [25, 0], sizes = [1, 128], strides = [1, 1]} : vector<32x128xf32> to vector<1x128xf32>
    %slice3A_1838 = vector.extract_strided_slice %convert_element_type3A_82 {offsets = [25, 0], sizes = [1, 128], strides = [1, 1]} : vector<32x128xf32> to vector<1x128xf32>
    %slice3A_1839 = vector.extract_strided_slice %convert_element_type3A_89 {offsets = [25, 0], sizes = [1, 128], strides = [1, 1]} : vector<32x128xf32> to vector<1x128xf32>
    %concatenate3A_1840 = tpu.concatenate %broadcast_in_dim3A_1834, %slice3A_1835, %slice3A_1836, %slice3A_1837, %slice3A_1838, %slice3A_1839 in 0 : vector<1x128xf32>, vector<1x128xf32>, vector<1x128xf32>, vector<1x128xf32>, vector<1x128xf32>, vector<1x128xf32> -> vector<6x128xf32>
    %eq3A_1841 = arith.constant 0.000000e+00 : f32
    %eq3A_1842 = vector.broadcast %eq3A_1841 : f32 to vector<1x128xf32>
    %eq3A_1843 = arith.cmpf oeq, %slice3A_1825, %eq3A_1842 : vector<1x128xf32>
    %jit3A_1844 = arith.constant 1.000000e+00 : f32
    %jit3A_1845 = arith.constant 0.000000e+00 : f32
    %broadcast_in_dim3A_1846 = vector.broadcast %jit3A_1844 : f32 to vector<1x128xf32>
    %broadcast_in_dim3A_1847 = vector.broadcast %jit3A_1845 : f32 to vector<1x128xf32>
    %select_n3A_1848 = arith.select %eq3A_1843, %broadcast_in_dim3A_1846, %broadcast_in_dim3A_1847 : vector<1x128xi1>, vector<1x128xf32>
    %mul3A_1849 = vector.broadcast %select_n3A_1848 : vector<1x128xf32> to vector<6x128xf32>
    %mul3A_1850 = arith.mulf %concatenate3A_1840, %mul3A_1849 : vector<6x128xf32>
    %dot_general3A_1851 = arith.constant dense<0.000000e+00> : vector<6x128xf32>
    %dot_general3A_1852 = tpu.matmul %mul3A_1850, %select_n3A_1832, %dot_general3A_1851 {dimension_numbers = #tpu.dot_dimension_numbers<[1], [1], [0], [0], [0, 0, 1, 0], [], []>, transpose_lhs_hint = false} : vector<6x128xf32>, vector<128x128xf32>, vector<6x128xf32> -> vector<6x128xf32>
    %add3A_1853 = arith.addf %add3A_1784, %dot_general3A_1852 : vector<6x128xf32>
    %eq3A_1854 = arith.constant 1.000000e+00 : f32
    %eq3A_1855 = vector.broadcast %eq3A_1854 : f32 to vector<1x128xf32>
    %eq3A_1856 = arith.cmpf oeq, %slice3A_1825, %eq3A_1855 : vector<1x128xf32>
    %jit3A_1857 = arith.constant 1.000000e+00 : f32
    %jit3A_1858 = arith.constant 0.000000e+00 : f32
    %broadcast_in_dim3A_1859 = vector.broadcast %jit3A_1857 : f32 to vector<1x128xf32>
    %broadcast_in_dim3A_1860 = vector.broadcast %jit3A_1858 : f32 to vector<1x128xf32>
    %select_n3A_1861 = arith.select %eq3A_1856, %broadcast_in_dim3A_1859, %broadcast_in_dim3A_1860 : vector<1x128xi1>, vector<1x128xf32>
    %mul3A_1862 = vector.broadcast %select_n3A_1861 : vector<1x128xf32> to vector<6x128xf32>
    %mul3A_1863 = arith.mulf %concatenate3A_1840, %mul3A_1862 : vector<6x128xf32>
    %dot_general3A_1864 = arith.constant dense<0.000000e+00> : vector<6x128xf32>
    %dot_general3A_1865 = tpu.matmul %mul3A_1863, %select_n3A_1832, %dot_general3A_1864 {dimension_numbers = #tpu.dot_dimension_numbers<[1], [1], [0], [0], [0, 0, 1, 0], [], []>, transpose_lhs_hint = false} : vector<6x128xf32>, vector<128x128xf32>, vector<6x128xf32> -> vector<6x128xf32>
    %add3A_1866 = arith.addf %add3A_1797, %dot_general3A_1865 : vector<6x128xf32>
    %eq3A_1867 = arith.constant 2.000000e+00 : f32
    %eq3A_1868 = vector.broadcast %eq3A_1867 : f32 to vector<1x128xf32>
    %eq3A_1869 = arith.cmpf oeq, %slice3A_1825, %eq3A_1868 : vector<1x128xf32>
    %jit3A_1870 = arith.constant 1.000000e+00 : f32
    %jit3A_1871 = arith.constant 0.000000e+00 : f32
    %broadcast_in_dim3A_1872 = vector.broadcast %jit3A_1870 : f32 to vector<1x128xf32>
    %broadcast_in_dim3A_1873 = vector.broadcast %jit3A_1871 : f32 to vector<1x128xf32>
    %select_n3A_1874 = arith.select %eq3A_1869, %broadcast_in_dim3A_1872, %broadcast_in_dim3A_1873 : vector<1x128xi1>, vector<1x128xf32>
    %mul3A_1875 = vector.broadcast %select_n3A_1874 : vector<1x128xf32> to vector<6x128xf32>
    %mul3A_1876 = arith.mulf %concatenate3A_1840, %mul3A_1875 : vector<6x128xf32>
    %dot_general3A_1877 = arith.constant dense<0.000000e+00> : vector<6x128xf32>
    %dot_general3A_1878 = tpu.matmul %mul3A_1876, %select_n3A_1832, %dot_general3A_1877 {dimension_numbers = #tpu.dot_dimension_numbers<[1], [1], [0], [0], [0, 0, 1, 0], [], []>, transpose_lhs_hint = false} : vector<6x128xf32>, vector<128x128xf32>, vector<6x128xf32> -> vector<6x128xf32>
    %add3A_1879 = arith.addf %add3A_1810, %dot_general3A_1878 : vector<6x128xf32>
    %eq3A_1880 = arith.constant 3.000000e+00 : f32
    %eq3A_1881 = vector.broadcast %eq3A_1880 : f32 to vector<1x128xf32>
    %eq3A_1882 = arith.cmpf oeq, %slice3A_1825, %eq3A_1881 : vector<1x128xf32>
    %jit3A_1883 = arith.constant 1.000000e+00 : f32
    %jit3A_1884 = arith.constant 0.000000e+00 : f32
    %broadcast_in_dim3A_1885 = vector.broadcast %jit3A_1883 : f32 to vector<1x128xf32>
    %broadcast_in_dim3A_1886 = vector.broadcast %jit3A_1884 : f32 to vector<1x128xf32>
    %select_n3A_1887 = arith.select %eq3A_1882, %broadcast_in_dim3A_1885, %broadcast_in_dim3A_1886 : vector<1x128xi1>, vector<1x128xf32>
    %mul3A_1888 = vector.broadcast %select_n3A_1887 : vector<1x128xf32> to vector<6x128xf32>
    %mul3A_1889 = arith.mulf %concatenate3A_1840, %mul3A_1888 : vector<6x128xf32>
    %dot_general3A_1890 = arith.constant dense<0.000000e+00> : vector<6x128xf32>
    %dot_general3A_1891 = tpu.matmul %mul3A_1889, %select_n3A_1832, %dot_general3A_1890 {dimension_numbers = #tpu.dot_dimension_numbers<[1], [1], [0], [0], [0, 0, 1, 0], [], []>, transpose_lhs_hint = false} : vector<6x128xf32>, vector<128x128xf32>, vector<6x128xf32> -> vector<6x128xf32>
    %add3A_1892 = arith.addf %add3A_1823, %dot_general3A_1891 : vector<6x128xf32>
    %slice3A_1893 = vector.extract_strided_slice %convert_element_type3A_64 {offsets = [26, 0], sizes = [1, 128], strides = [1, 1]} : vector<32x128xf32> to vector<1x128xf32>
    %slice3A_1894 = vector.extract_strided_slice %convert_element_type3A_63 {offsets = [26, 0], sizes = [1, 128], strides = [1, 1]} : vector<32x128xf32> to vector<1x128xf32>
    %eq3A_1895 = vector.broadcast %slice3A_1893 : vector<1x128xf32> to vector<128x128xf32>
    %eq3A_1896 = arith.cmpf oeq, %convert_element_type3A_92, %eq3A_1895 : vector<128x128xf32>
    %jit3A_1897 = arith.constant 1.000000e+00 : f32
    %jit3A_1898 = arith.constant 0.000000e+00 : f32
    %broadcast_in_dim3A_1899 = vector.broadcast %jit3A_1897 : f32 to vector<128x128xf32>
    %broadcast_in_dim3A_1900 = vector.broadcast %jit3A_1898 : f32 to vector<128x128xf32>
    %select_n3A_1901 = arith.select %eq3A_1896, %broadcast_in_dim3A_1899, %broadcast_in_dim3A_1900 : vector<128x128xi1>, vector<128x128xf32>
    %broadcast_in_dim3A_1902 = arith.constant 2.600000e+01 : f32
    %broadcast_in_dim3A_1903 = vector.broadcast %broadcast_in_dim3A_1902 : f32 to vector<1x128xf32>
    %slice3A_1904 = vector.extract_strided_slice %convert_element_type3A_90 {offsets = [26, 0], sizes = [1, 128], strides = [1, 1]} : vector<32x128xf32> to vector<1x128xf32>
    %slice3A_1905 = vector.extract_strided_slice %convert_element_type3A_68 {offsets = [26, 0], sizes = [1, 128], strides = [1, 1]} : vector<32x128xf32> to vector<1x128xf32>
    %slice3A_1906 = vector.extract_strided_slice %convert_element_type3A_75 {offsets = [26, 0], sizes = [1, 128], strides = [1, 1]} : vector<32x128xf32> to vector<1x128xf32>
    %slice3A_1907 = vector.extract_strided_slice %convert_element_type3A_82 {offsets = [26, 0], sizes = [1, 128], strides = [1, 1]} : vector<32x128xf32> to vector<1x128xf32>
    %slice3A_1908 = vector.extract_strided_slice %convert_element_type3A_89 {offsets = [26, 0], sizes = [1, 128], strides = [1, 1]} : vector<32x128xf32> to vector<1x128xf32>
    %concatenate3A_1909 = tpu.concatenate %broadcast_in_dim3A_1903, %slice3A_1904, %slice3A_1905, %slice3A_1906, %slice3A_1907, %slice3A_1908 in 0 : vector<1x128xf32>, vector<1x128xf32>, vector<1x128xf32>, vector<1x128xf32>, vector<1x128xf32>, vector<1x128xf32> -> vector<6x128xf32>
    %eq3A_1910 = arith.constant 0.000000e+00 : f32
    %eq3A_1911 = vector.broadcast %eq3A_1910 : f32 to vector<1x128xf32>
    %eq3A_1912 = arith.cmpf oeq, %slice3A_1894, %eq3A_1911 : vector<1x128xf32>
    %jit3A_1913 = arith.constant 1.000000e+00 : f32
    %jit3A_1914 = arith.constant 0.000000e+00 : f32
    %broadcast_in_dim3A_1915 = vector.broadcast %jit3A_1913 : f32 to vector<1x128xf32>
    %broadcast_in_dim3A_1916 = vector.broadcast %jit3A_1914 : f32 to vector<1x128xf32>
    %select_n3A_1917 = arith.select %eq3A_1912, %broadcast_in_dim3A_1915, %broadcast_in_dim3A_1916 : vector<1x128xi1>, vector<1x128xf32>
    %mul3A_1918 = vector.broadcast %select_n3A_1917 : vector<1x128xf32> to vector<6x128xf32>
    %mul3A_1919 = arith.mulf %concatenate3A_1909, %mul3A_1918 : vector<6x128xf32>
    %dot_general3A_1920 = arith.constant dense<0.000000e+00> : vector<6x128xf32>
    %dot_general3A_1921 = tpu.matmul %mul3A_1919, %select_n3A_1901, %dot_general3A_1920 {dimension_numbers = #tpu.dot_dimension_numbers<[1], [1], [0], [0], [0, 0, 1, 0], [], []>, transpose_lhs_hint = false} : vector<6x128xf32>, vector<128x128xf32>, vector<6x128xf32> -> vector<6x128xf32>
    %add3A_1922 = arith.addf %add3A_1853, %dot_general3A_1921 : vector<6x128xf32>
    %eq3A_1923 = arith.constant 1.000000e+00 : f32
    %eq3A_1924 = vector.broadcast %eq3A_1923 : f32 to vector<1x128xf32>
    %eq3A_1925 = arith.cmpf oeq, %slice3A_1894, %eq3A_1924 : vector<1x128xf32>
    %jit3A_1926 = arith.constant 1.000000e+00 : f32
    %jit3A_1927 = arith.constant 0.000000e+00 : f32
    %broadcast_in_dim3A_1928 = vector.broadcast %jit3A_1926 : f32 to vector<1x128xf32>
    %broadcast_in_dim3A_1929 = vector.broadcast %jit3A_1927 : f32 to vector<1x128xf32>
    %select_n3A_1930 = arith.select %eq3A_1925, %broadcast_in_dim3A_1928, %broadcast_in_dim3A_1929 : vector<1x128xi1>, vector<1x128xf32>
    %mul3A_1931 = vector.broadcast %select_n3A_1930 : vector<1x128xf32> to vector<6x128xf32>
    %mul3A_1932 = arith.mulf %concatenate3A_1909, %mul3A_1931 : vector<6x128xf32>
    %dot_general3A_1933 = arith.constant dense<0.000000e+00> : vector<6x128xf32>
    %dot_general3A_1934 = tpu.matmul %mul3A_1932, %select_n3A_1901, %dot_general3A_1933 {dimension_numbers = #tpu.dot_dimension_numbers<[1], [1], [0], [0], [0, 0, 1, 0], [], []>, transpose_lhs_hint = false} : vector<6x128xf32>, vector<128x128xf32>, vector<6x128xf32> -> vector<6x128xf32>
    %add3A_1935 = arith.addf %add3A_1866, %dot_general3A_1934 : vector<6x128xf32>
    %eq3A_1936 = arith.constant 2.000000e+00 : f32
    %eq3A_1937 = vector.broadcast %eq3A_1936 : f32 to vector<1x128xf32>
    %eq3A_1938 = arith.cmpf oeq, %slice3A_1894, %eq3A_1937 : vector<1x128xf32>
    %jit3A_1939 = arith.constant 1.000000e+00 : f32
    %jit3A_1940 = arith.constant 0.000000e+00 : f32
    %broadcast_in_dim3A_1941 = vector.broadcast %jit3A_1939 : f32 to vector<1x128xf32>
    %broadcast_in_dim3A_1942 = vector.broadcast %jit3A_1940 : f32 to vector<1x128xf32>
    %select_n3A_1943 = arith.select %eq3A_1938, %broadcast_in_dim3A_1941, %broadcast_in_dim3A_1942 : vector<1x128xi1>, vector<1x128xf32>
    %mul3A_1944 = vector.broadcast %select_n3A_1943 : vector<1x128xf32> to vector<6x128xf32>
    %mul3A_1945 = arith.mulf %concatenate3A_1909, %mul3A_1944 : vector<6x128xf32>
    %dot_general3A_1946 = arith.constant dense<0.000000e+00> : vector<6x128xf32>
    %dot_general3A_1947 = tpu.matmul %mul3A_1945, %select_n3A_1901, %dot_general3A_1946 {dimension_numbers = #tpu.dot_dimension_numbers<[1], [1], [0], [0], [0, 0, 1, 0], [], []>, transpose_lhs_hint = false} : vector<6x128xf32>, vector<128x128xf32>, vector<6x128xf32> -> vector<6x128xf32>
    %add3A_1948 = arith.addf %add3A_1879, %dot_general3A_1947 : vector<6x128xf32>
    %eq3A_1949 = arith.constant 3.000000e+00 : f32
    %eq3A_1950 = vector.broadcast %eq3A_1949 : f32 to vector<1x128xf32>
    %eq3A_1951 = arith.cmpf oeq, %slice3A_1894, %eq3A_1950 : vector<1x128xf32>
    %jit3A_1952 = arith.constant 1.000000e+00 : f32
    %jit3A_1953 = arith.constant 0.000000e+00 : f32
    %broadcast_in_dim3A_1954 = vector.broadcast %jit3A_1952 : f32 to vector<1x128xf32>
    %broadcast_in_dim3A_1955 = vector.broadcast %jit3A_1953 : f32 to vector<1x128xf32>
    %select_n3A_1956 = arith.select %eq3A_1951, %broadcast_in_dim3A_1954, %broadcast_in_dim3A_1955 : vector<1x128xi1>, vector<1x128xf32>
    %mul3A_1957 = vector.broadcast %select_n3A_1956 : vector<1x128xf32> to vector<6x128xf32>
    %mul3A_1958 = arith.mulf %concatenate3A_1909, %mul3A_1957 : vector<6x128xf32>
    %dot_general3A_1959 = arith.constant dense<0.000000e+00> : vector<6x128xf32>
    %dot_general3A_1960 = tpu.matmul %mul3A_1958, %select_n3A_1901, %dot_general3A_1959 {dimension_numbers = #tpu.dot_dimension_numbers<[1], [1], [0], [0], [0, 0, 1, 0], [], []>, transpose_lhs_hint = false} : vector<6x128xf32>, vector<128x128xf32>, vector<6x128xf32> -> vector<6x128xf32>
    %add3A_1961 = arith.addf %add3A_1892, %dot_general3A_1960 : vector<6x128xf32>
    %slice3A_1962 = vector.extract_strided_slice %convert_element_type3A_64 {offsets = [27, 0], sizes = [1, 128], strides = [1, 1]} : vector<32x128xf32> to vector<1x128xf32>
    %slice3A_1963 = vector.extract_strided_slice %convert_element_type3A_63 {offsets = [27, 0], sizes = [1, 128], strides = [1, 1]} : vector<32x128xf32> to vector<1x128xf32>
    %eq3A_1964 = vector.broadcast %slice3A_1962 : vector<1x128xf32> to vector<128x128xf32>
    %eq3A_1965 = arith.cmpf oeq, %convert_element_type3A_92, %eq3A_1964 : vector<128x128xf32>
    %jit3A_1966 = arith.constant 1.000000e+00 : f32
    %jit3A_1967 = arith.constant 0.000000e+00 : f32
    %broadcast_in_dim3A_1968 = vector.broadcast %jit3A_1966 : f32 to vector<128x128xf32>
    %broadcast_in_dim3A_1969 = vector.broadcast %jit3A_1967 : f32 to vector<128x128xf32>
    %select_n3A_1970 = arith.select %eq3A_1965, %broadcast_in_dim3A_1968, %broadcast_in_dim3A_1969 : vector<128x128xi1>, vector<128x128xf32>
    %broadcast_in_dim3A_1971 = arith.constant 2.700000e+01 : f32
    %broadcast_in_dim3A_1972 = vector.broadcast %broadcast_in_dim3A_1971 : f32 to vector<1x128xf32>
    %slice3A_1973 = vector.extract_strided_slice %convert_element_type3A_90 {offsets = [27, 0], sizes = [1, 128], strides = [1, 1]} : vector<32x128xf32> to vector<1x128xf32>
    %slice3A_1974 = vector.extract_strided_slice %convert_element_type3A_68 {offsets = [27, 0], sizes = [1, 128], strides = [1, 1]} : vector<32x128xf32> to vector<1x128xf32>
    %slice3A_1975 = vector.extract_strided_slice %convert_element_type3A_75 {offsets = [27, 0], sizes = [1, 128], strides = [1, 1]} : vector<32x128xf32> to vector<1x128xf32>
    %slice3A_1976 = vector.extract_strided_slice %convert_element_type3A_82 {offsets = [27, 0], sizes = [1, 128], strides = [1, 1]} : vector<32x128xf32> to vector<1x128xf32>
    %slice3A_1977 = vector.extract_strided_slice %convert_element_type3A_89 {offsets = [27, 0], sizes = [1, 128], strides = [1, 1]} : vector<32x128xf32> to vector<1x128xf32>
    %concatenate3A_1978 = tpu.concatenate %broadcast_in_dim3A_1972, %slice3A_1973, %slice3A_1974, %slice3A_1975, %slice3A_1976, %slice3A_1977 in 0 : vector<1x128xf32>, vector<1x128xf32>, vector<1x128xf32>, vector<1x128xf32>, vector<1x128xf32>, vector<1x128xf32> -> vector<6x128xf32>
    %eq3A_1979 = arith.constant 0.000000e+00 : f32
    %eq3A_1980 = vector.broadcast %eq3A_1979 : f32 to vector<1x128xf32>
    %eq3A_1981 = arith.cmpf oeq, %slice3A_1963, %eq3A_1980 : vector<1x128xf32>
    %jit3A_1982 = arith.constant 1.000000e+00 : f32
    %jit3A_1983 = arith.constant 0.000000e+00 : f32
    %broadcast_in_dim3A_1984 = vector.broadcast %jit3A_1982 : f32 to vector<1x128xf32>
    %broadcast_in_dim3A_1985 = vector.broadcast %jit3A_1983 : f32 to vector<1x128xf32>
    %select_n3A_1986 = arith.select %eq3A_1981, %broadcast_in_dim3A_1984, %broadcast_in_dim3A_1985 : vector<1x128xi1>, vector<1x128xf32>
    %mul3A_1987 = vector.broadcast %select_n3A_1986 : vector<1x128xf32> to vector<6x128xf32>
    %mul3A_1988 = arith.mulf %concatenate3A_1978, %mul3A_1987 : vector<6x128xf32>
    %dot_general3A_1989 = arith.constant dense<0.000000e+00> : vector<6x128xf32>
    %dot_general3A_1990 = tpu.matmul %mul3A_1988, %select_n3A_1970, %dot_general3A_1989 {dimension_numbers = #tpu.dot_dimension_numbers<[1], [1], [0], [0], [0, 0, 1, 0], [], []>, transpose_lhs_hint = false} : vector<6x128xf32>, vector<128x128xf32>, vector<6x128xf32> -> vector<6x128xf32>
    %add3A_1991 = arith.addf %add3A_1922, %dot_general3A_1990 : vector<6x128xf32>
    %eq3A_1992 = arith.constant 1.000000e+00 : f32
    %eq3A_1993 = vector.broadcast %eq3A_1992 : f32 to vector<1x128xf32>
    %eq3A_1994 = arith.cmpf oeq, %slice3A_1963, %eq3A_1993 : vector<1x128xf32>
    %jit3A_1995 = arith.constant 1.000000e+00 : f32
    %jit3A_1996 = arith.constant 0.000000e+00 : f32
    %broadcast_in_dim3A_1997 = vector.broadcast %jit3A_1995 : f32 to vector<1x128xf32>
    %broadcast_in_dim3A_1998 = vector.broadcast %jit3A_1996 : f32 to vector<1x128xf32>
    %select_n3A_1999 = arith.select %eq3A_1994, %broadcast_in_dim3A_1997, %broadcast_in_dim3A_1998 : vector<1x128xi1>, vector<1x128xf32>
    %mul3A_2000 = vector.broadcast %select_n3A_1999 : vector<1x128xf32> to vector<6x128xf32>
    %mul3A_2001 = arith.mulf %concatenate3A_1978, %mul3A_2000 : vector<6x128xf32>
    %dot_general3A_2002 = arith.constant dense<0.000000e+00> : vector<6x128xf32>
    %dot_general3A_2003 = tpu.matmul %mul3A_2001, %select_n3A_1970, %dot_general3A_2002 {dimension_numbers = #tpu.dot_dimension_numbers<[1], [1], [0], [0], [0, 0, 1, 0], [], []>, transpose_lhs_hint = false} : vector<6x128xf32>, vector<128x128xf32>, vector<6x128xf32> -> vector<6x128xf32>
    %add3A_2004 = arith.addf %add3A_1935, %dot_general3A_2003 : vector<6x128xf32>
    %eq3A_2005 = arith.constant 2.000000e+00 : f32
    %eq3A_2006 = vector.broadcast %eq3A_2005 : f32 to vector<1x128xf32>
    %eq3A_2007 = arith.cmpf oeq, %slice3A_1963, %eq3A_2006 : vector<1x128xf32>
    %jit3A_2008 = arith.constant 1.000000e+00 : f32
    %jit3A_2009 = arith.constant 0.000000e+00 : f32
    %broadcast_in_dim3A_2010 = vector.broadcast %jit3A_2008 : f32 to vector<1x128xf32>
    %broadcast_in_dim3A_2011 = vector.broadcast %jit3A_2009 : f32 to vector<1x128xf32>
    %select_n3A_2012 = arith.select %eq3A_2007, %broadcast_in_dim3A_2010, %broadcast_in_dim3A_2011 : vector<1x128xi1>, vector<1x128xf32>
    %mul3A_2013 = vector.broadcast %select_n3A_2012 : vector<1x128xf32> to vector<6x128xf32>
    %mul3A_2014 = arith.mulf %concatenate3A_1978, %mul3A_2013 : vector<6x128xf32>
    %dot_general3A_2015 = arith.constant dense<0.000000e+00> : vector<6x128xf32>
    %dot_general3A_2016 = tpu.matmul %mul3A_2014, %select_n3A_1970, %dot_general3A_2015 {dimension_numbers = #tpu.dot_dimension_numbers<[1], [1], [0], [0], [0, 0, 1, 0], [], []>, transpose_lhs_hint = false} : vector<6x128xf32>, vector<128x128xf32>, vector<6x128xf32> -> vector<6x128xf32>
    %add3A_2017 = arith.addf %add3A_1948, %dot_general3A_2016 : vector<6x128xf32>
    %eq3A_2018 = arith.constant 3.000000e+00 : f32
    %eq3A_2019 = vector.broadcast %eq3A_2018 : f32 to vector<1x128xf32>
    %eq3A_2020 = arith.cmpf oeq, %slice3A_1963, %eq3A_2019 : vector<1x128xf32>
    %jit3A_2021 = arith.constant 1.000000e+00 : f32
    %jit3A_2022 = arith.constant 0.000000e+00 : f32
    %broadcast_in_dim3A_2023 = vector.broadcast %jit3A_2021 : f32 to vector<1x128xf32>
    %broadcast_in_dim3A_2024 = vector.broadcast %jit3A_2022 : f32 to vector<1x128xf32>
    %select_n3A_2025 = arith.select %eq3A_2020, %broadcast_in_dim3A_2023, %broadcast_in_dim3A_2024 : vector<1x128xi1>, vector<1x128xf32>
    %mul3A_2026 = vector.broadcast %select_n3A_2025 : vector<1x128xf32> to vector<6x128xf32>
    %mul3A_2027 = arith.mulf %concatenate3A_1978, %mul3A_2026 : vector<6x128xf32>
    %dot_general3A_2028 = arith.constant dense<0.000000e+00> : vector<6x128xf32>
    %dot_general3A_2029 = tpu.matmul %mul3A_2027, %select_n3A_1970, %dot_general3A_2028 {dimension_numbers = #tpu.dot_dimension_numbers<[1], [1], [0], [0], [0, 0, 1, 0], [], []>, transpose_lhs_hint = false} : vector<6x128xf32>, vector<128x128xf32>, vector<6x128xf32> -> vector<6x128xf32>
    %add3A_2030 = arith.addf %add3A_1961, %dot_general3A_2029 : vector<6x128xf32>
    %slice3A_2031 = vector.extract_strided_slice %add3A_1991 {offsets = [0, 0], sizes = [1, 128], strides = [1, 1]} : vector<6x128xf32> to vector<1x128xf32>
    %slice3A_2032 = vector.extract_strided_slice %add3A_2004 {offsets = [0, 0], sizes = [1, 128], strides = [1, 1]} : vector<6x128xf32> to vector<1x128xf32>
    %slice3A_2033 = vector.extract_strided_slice %add3A_2017 {offsets = [0, 0], sizes = [1, 128], strides = [1, 1]} : vector<6x128xf32> to vector<1x128xf32>
    %slice3A_2034 = vector.extract_strided_slice %add3A_2030 {offsets = [0, 0], sizes = [1, 128], strides = [1, 1]} : vector<6x128xf32> to vector<1x128xf32>
    %concatenate3A_2035 = tpu.concatenate %slice3A_2031, %slice3A_2032, %slice3A_2033, %slice3A_2034 in 0 : vector<1x128xf32>, vector<1x128xf32>, vector<1x128xf32>, vector<1x128xf32> -> vector<4x128xf32>
    %slice3A_2036 = vector.extract_strided_slice %add3A_1991 {offsets = [1, 0], sizes = [1, 128], strides = [1, 1]} : vector<6x128xf32> to vector<1x128xf32>
    %slice3A_2037 = vector.extract_strided_slice %add3A_2004 {offsets = [1, 0], sizes = [1, 128], strides = [1, 1]} : vector<6x128xf32> to vector<1x128xf32>
    %slice3A_2038 = vector.extract_strided_slice %add3A_2017 {offsets = [1, 0], sizes = [1, 128], strides = [1, 1]} : vector<6x128xf32> to vector<1x128xf32>
    %slice3A_2039 = vector.extract_strided_slice %add3A_2030 {offsets = [1, 0], sizes = [1, 128], strides = [1, 1]} : vector<6x128xf32> to vector<1x128xf32>
    %concatenate3A_2040 = tpu.concatenate %slice3A_2036, %slice3A_2037, %slice3A_2038, %slice3A_2039 in 0 : vector<1x128xf32>, vector<1x128xf32>, vector<1x128xf32>, vector<1x128xf32> -> vector<4x128xf32>
    %slice3A_2041 = vector.extract_strided_slice %add3A_1991 {offsets = [2, 0], sizes = [1, 128], strides = [1, 1]} : vector<6x128xf32> to vector<1x128xf32>
    %slice3A_2042 = vector.extract_strided_slice %add3A_2004 {offsets = [2, 0], sizes = [1, 128], strides = [1, 1]} : vector<6x128xf32> to vector<1x128xf32>
    %slice3A_2043 = vector.extract_strided_slice %add3A_2017 {offsets = [2, 0], sizes = [1, 128], strides = [1, 1]} : vector<6x128xf32> to vector<1x128xf32>
    %slice3A_2044 = vector.extract_strided_slice %add3A_2030 {offsets = [2, 0], sizes = [1, 128], strides = [1, 1]} : vector<6x128xf32> to vector<1x128xf32>
    %concatenate3A_2045 = tpu.concatenate %slice3A_2041, %slice3A_2042, %slice3A_2043, %slice3A_2044 in 0 : vector<1x128xf32>, vector<1x128xf32>, vector<1x128xf32>, vector<1x128xf32> -> vector<4x128xf32>
    %slice3A_2046 = vector.extract_strided_slice %add3A_1991 {offsets = [3, 0], sizes = [1, 128], strides = [1, 1]} : vector<6x128xf32> to vector<1x128xf32>
    %slice3A_2047 = vector.extract_strided_slice %add3A_2004 {offsets = [3, 0], sizes = [1, 128], strides = [1, 1]} : vector<6x128xf32> to vector<1x128xf32>
    %slice3A_2048 = vector.extract_strided_slice %add3A_2017 {offsets = [3, 0], sizes = [1, 128], strides = [1, 1]} : vector<6x128xf32> to vector<1x128xf32>
    %slice3A_2049 = vector.extract_strided_slice %add3A_2030 {offsets = [3, 0], sizes = [1, 128], strides = [1, 1]} : vector<6x128xf32> to vector<1x128xf32>
    %concatenate3A_2050 = tpu.concatenate %slice3A_2046, %slice3A_2047, %slice3A_2048, %slice3A_2049 in 0 : vector<1x128xf32>, vector<1x128xf32>, vector<1x128xf32>, vector<1x128xf32> -> vector<4x128xf32>
    %slice3A_2051 = vector.extract_strided_slice %add3A_1991 {offsets = [4, 0], sizes = [1, 128], strides = [1, 1]} : vector<6x128xf32> to vector<1x128xf32>
    %slice3A_2052 = vector.extract_strided_slice %add3A_2004 {offsets = [4, 0], sizes = [1, 128], strides = [1, 1]} : vector<6x128xf32> to vector<1x128xf32>
    %slice3A_2053 = vector.extract_strided_slice %add3A_2017 {offsets = [4, 0], sizes = [1, 128], strides = [1, 1]} : vector<6x128xf32> to vector<1x128xf32>
    %slice3A_2054 = vector.extract_strided_slice %add3A_2030 {offsets = [4, 0], sizes = [1, 128], strides = [1, 1]} : vector<6x128xf32> to vector<1x128xf32>
    %concatenate3A_2055 = tpu.concatenate %slice3A_2051, %slice3A_2052, %slice3A_2053, %slice3A_2054 in 0 : vector<1x128xf32>, vector<1x128xf32>, vector<1x128xf32>, vector<1x128xf32> -> vector<4x128xf32>
    %slice3A_2056 = vector.extract_strided_slice %add3A_1991 {offsets = [5, 0], sizes = [1, 128], strides = [1, 1]} : vector<6x128xf32> to vector<1x128xf32>
    %slice3A_2057 = vector.extract_strided_slice %add3A_2004 {offsets = [5, 0], sizes = [1, 128], strides = [1, 1]} : vector<6x128xf32> to vector<1x128xf32>
    %slice3A_2058 = vector.extract_strided_slice %add3A_2017 {offsets = [5, 0], sizes = [1, 128], strides = [1, 1]} : vector<6x128xf32> to vector<1x128xf32>
    %slice3A_2059 = vector.extract_strided_slice %add3A_2030 {offsets = [5, 0], sizes = [1, 128], strides = [1, 1]} : vector<6x128xf32> to vector<1x128xf32>
    %concatenate3A_2060 = tpu.concatenate %slice3A_2056, %slice3A_2057, %slice3A_2058, %slice3A_2059 in 0 : vector<1x128xf32>, vector<1x128xf32>, vector<1x128xf32>, vector<1x128xf32> -> vector<4x128xf32>
    %convert_element_type3A_2061 = arith.fptosi %concatenate3A_2035 : vector<4x128xf32> to vector<4x128xi32>
    %mul3A_2062 = arith.constant 128 : i32
    %mul3A_2063 = vector.broadcast %mul3A_2062 : i32 to vector<4x128xi32>
    %mul3A_2064 = arith.muli %convert_element_type3A_2061, %mul3A_2063 : vector<4x128xi32>
    %convert_element_type3A_2065 = arith.fptosi %concatenate3A_2040 : vector<4x128xf32> to vector<4x128xi32>
    %add3A_2066 = arith.addi %mul3A_2064, %convert_element_type3A_2065 : vector<4x128xi32>
    %convert_element_type3A_2067 = arith.fptosi %concatenate3A_2045 : vector<4x128xf32> to vector<4x128xi32>
    %convert_element_type3A_2068 = arith.fptosi %concatenate3A_2050 : vector<4x128xf32> to vector<4x128xi32>
    %shift_left3A = arith.constant 8 : i32
    %shift_left3A_2069 = vector.broadcast %shift_left3A : i32 to vector<4x128xi32>
    %shift_left3A_2070 = arith.shli %convert_element_type3A_2068, %shift_left3A_2069 : vector<4x128xi32>
    %or3A_2071 = arith.ori %convert_element_type3A_2067, %shift_left3A_2070 : vector<4x128xi32>
    %convert_element_type3A_2072 = arith.fptosi %concatenate3A_2055 : vector<4x128xf32> to vector<4x128xi32>
    %shift_left3A_2073 = arith.constant 16 : i32
    %shift_left3A_2074 = vector.broadcast %shift_left3A_2073 : i32 to vector<4x128xi32>
    %shift_left3A_2075 = arith.shli %convert_element_type3A_2072, %shift_left3A_2074 : vector<4x128xi32>
    %or3A_2076 = arith.ori %or3A_2071, %shift_left3A_2075 : vector<4x128xi32>
    %convert_element_type3A_2077 = arith.fptosi %concatenate3A_2060 : vector<4x128xf32> to vector<4x128xi32>
    %shift_left3A_2078 = arith.constant 24 : i32
    %shift_left3A_2079 = vector.broadcast %shift_left3A_2078 : i32 to vector<4x128xi32>
    %shift_left3A_2080 = arith.shli %convert_element_type3A_2077, %shift_left3A_2079 : vector<4x128xi32>
    %or3A_2081 = arith.ori %or3A_2076, %shift_left3A_2080 : vector<4x128xi32>
    %bitcast_convert_type3A_2082 = tpu.bitcast %or3A_2081 : vector<4x128xi32> -> vector<4x128xf32>
    %slice3A_2083 = vector.extract_strided_slice %add3A {offsets = [28, 0], sizes = [4, 128], strides = [1, 1]} : vector<32x128xi32> to vector<4x128xi32>
    %concatenate3A_2084 = tpu.concatenate %add3A_2066, %slice3A_2083 in 0 : vector<4x128xi32>, vector<4x128xi32> -> vector<8x128xi32>
    %slice3A_2085 = vector.extract_strided_slice %get3A_3 {offsets = [28, 0], sizes = [4, 128], strides = [1, 1]} : vector<32x128xf32> to vector<4x128xf32>
    %concatenate3A_2086 = tpu.concatenate %bitcast_convert_type3A_2082, %slice3A_2085 in 0 : vector<4x128xf32>, vector<4x128xf32> -> vector<8x128xf32>
    %iota3A_2087 = tpu.iota {dimensions = array<i32: 0>} : vector<16x1x1xi32>
    %mul3A_2088 = arith.constant 16 : i32
    %mul3A_2089 = arith.muli %arg0, %mul3A_2088 : i32
    %add3A_2090 = vector.broadcast %mul3A_2089 : i32 to vector<16x1x1xi32>
    %add3A_2091 = arith.addi %add3A_2090, %iota3A_2087 : vector<16x1x1xi32>
    %mul3A_2092 = arith.constant 4096 : i32
    %mul3A_2093 = vector.broadcast %mul3A_2092 : i32 to vector<16x1x1xi32>
    %mul3A_2094 = arith.muli %add3A_2091, %mul3A_2093 : vector<16x1x1xi32>
    %broadcast_in_dim3A_2095 = vector.shape_cast %add3A_2066 : vector<4x128xi32> to vector<1x4x128xi32>
    %add3A_2096 = vector.broadcast %mul3A_2094 : vector<16x1x1xi32> to vector<16x4x128xi32>
    %add3A_2097 = vector.broadcast %broadcast_in_dim3A_2095 : vector<1x4x128xi32> to vector<16x4x128xi32>
    %add3A_2098 = arith.addi %add3A_2096, %add3A_2097 : vector<16x4x128xi32>
    %broadcast_in_dim3A_2099 = vector.shape_cast %add3A_2098 : vector<16x4x128xi32> to vector<1x16x4x128xi32>
    %swap3A = arith.constant 0 : index
    %swap3A_2100 = arith.constant 0 : index
    %swap3A_2101 = arith.constant 0 : index
    %swap3A_2102 = arith.constant 0 : index
    %swap3A_2103 = vector.load %arg3[%swap3A, %swap3A_2100, %swap3A_2101, %swap3A_2102] : memref<1x16x4x128xi32, #tpu.memory_space<vmem>>, vector<1x16x4x128xi32>
    tpu.vector_store %arg3[%swap3A, %swap3A_2100, %swap3A_2101, %swap3A_2102], %broadcast_in_dim3A_2099 {strides = array<i32>} : memref<1x16x4x128xi32, #tpu.memory_space<vmem>>, vector<1x16x4x128xi32>,
    %broadcast_in_dim3A_2104 = vector.shape_cast %concatenate3A_2086 : vector<8x128xf32> to vector<1x8x128xf32>
    %swap3A_2105 = arith.constant 0 : index
    %swap3A_2106 = arith.constant 0 : index
    %swap3A_2107 = arith.constant 0 : index
    %swap3A_2108 = vector.load %arg4[%swap3A_2105, %swap3A_2106, %swap3A_2107] : memref<1x8x128xf32, #tpu.memory_space<vmem>>, vector<1x8x128xf32>
    tpu.vector_store %arg4[%swap3A_2105, %swap3A_2106, %swap3A_2107], %broadcast_in_dim3A_2104 {strides = array<i32>} : memref<1x8x128xf32, #tpu.memory_space<vmem>>, vector<1x8x128xf32>,
    %convert_element_type3A_2109 = arith.sitofp %concatenate3A_2084 : vector<8x128xi32> to vector<8x128xf32>
    %sub3A_2110 = arith.constant 4.096000e+03 : f32
    %sub3A_2111 = vector.broadcast %sub3A_2110 : f32 to vector<8x128xf32>
    %sub3A_2112 = arith.subf %sub3A_2111, %convert_element_type3A_2109 : vector<8x128xf32>
    %broadcast_in_dim3A_2113 = vector.shape_cast %sub3A_2112 : vector<8x128xf32> to vector<1x8x128xf32>
    %swap3A_2114 = arith.constant 0 : index
    %swap3A_2115 = arith.constant 0 : index
    %swap3A_2116 = arith.constant 0 : index
    %swap3A_2117 = vector.load %arg5[%swap3A_2114, %swap3A_2115, %swap3A_2116] : memref<1x8x128xf32, #tpu.memory_space<vmem>>, vector<1x8x128xf32>
    tpu.vector_store %arg5[%swap3A_2114, %swap3A_2115, %swap3A_2116], %broadcast_in_dim3A_2113 {strides = array<i32>} : memref<1x8x128xf32, #tpu.memory_space<vmem>>, vector<1x8x128xf32>,
    return
  }
  func.func @transform_0(%arg0: i32) -> (i32, i32, i32) {
    %c0_i32 = arith.constant 0 : i32
    %c0_i32_0 = arith.constant 0 : i32
    %c0_i32_1 = arith.constant 0 : i32
    return %arg0, %c0_i32, %c0_i32_0 : i32, i32, i32
  }
  func.func @transform_1(%arg0: i32) -> (i32, i32, i32) {
    %c0_i32 = arith.constant 0 : i32
    %c0_i32_0 = arith.constant 0 : i32
    %c0_i32_1 = arith.constant 0 : i32
    return %arg0, %c0_i32, %c0_i32_0 : i32, i32, i32
  }
  func.func @transform_2(%arg0: i32) -> (i32, i32, i32, i32) {
    %c0_i32 = arith.constant 0 : i32
    %c0_i32_0 = arith.constant 0 : i32
    %c0_i32_1 = arith.constant 0 : i32
    %c0_i32_2 = arith.constant 0 : i32
    return %arg0, %c0_i32, %c0_i32_0, %c0_i32_1 : i32, i32, i32, i32
  }
  func.func @transform_3(%arg0: i32) -> (i32, i32, i32) {
    %c0_i32 = arith.constant 0 : i32
    %c0_i32_0 = arith.constant 0 : i32
    %c0_i32_1 = arith.constant 0 : i32
    return %arg0, %c0_i32, %c0_i32_0 : i32, i32, i32
  }
  func.func @transform_4(%arg0: i32) -> (i32, i32, i32) {
    %c0_i32 = arith.constant 0 : i32
    %c0_i32_0 = arith.constant 0 : i32
    %c0_i32_1 = arith.constant 0 : i32
    return %arg0, %c0_i32, %c0_i32_0 : i32, i32, i32
  }
}

</mosaic_0001>

<sc_bundles>
// kernel: kernel.5.cloned.1.call-start
scs
__scs_entry_jumppad:
0x0: {  	(pc) =	sbr.rel $0x88, $3  }
0x1: {  	(tag) =	ssettag $0x0;
	lr =	simm.s32 $0x1  }
0x2: {  	[smem:$0x3F9E] =	sst lr;
	_ =	strace $0xD0000000  }
0x3: {  	_ = 	snop  }
0x4: {  	_ = 	snop  }
0x5: {  	_ = 	snop  }
0x6: {  	_ = 	snop  }
0x7: {  	_ = 	snop  }
__scs_overlays_trampoline_lowered:
0x8: {  	[smem:$0x3FAD] =	sst s0  }
0x9: {  	[smem:$0x3FAE] =	sst s1  }
0xa: {  	[smem:$0x3FAF] =	sst s2  }
0xb: {  	[smem:$0x3FB0] =	sst s3  }
0xc: {  	[smem:$0x3FB1] =	sst s4  }
0xd: {  	[smem:$0x3FB2] =	sst s5  }
0xe: {  	[smem:$0x3FB3] =	sst s6  }
0xf: {  	[smem:$0x3FB4] =	sst s7  }
0x10: {  	[smem:$0x3FB5] =	sst s8  }
0x11: {  	[smem:$0x3FB6] =	sst s9;
	s0 =	simm.s32 @!p0 $0x0  }
0x12: {  	s1 =	sld [smem:$0x3F9C];
	s0 =	simm.s32 @p0 $0x1  }
0x13: {  	[smem:$0x3FB7] =	sst s0;
	s0 =	simm.s32 @!p1 $0x0  }
0x14: {  	s2 =	sld [smem:$0x3F9B];
	s0 =	simm.s32 @p1 $0x1  }
0x15: {  	[smem:$0x3FB8] =	sst s0;
	s0 =	simm.s32 @!p2 $0x0  }
0x16: {  	s3 =	sld [smem:$0x3FDB];
	s0 =	simm.s32 @p2 $0x1  }
0x17: {  	s4 =	simm.s32 $0x1BF5;
	[smem:$0x3FBA] =	sst s0  }
0x18: {  	s0 =	sld [smem:$0x3F9D];
	_ =	swait.ge [sflag:s4], $0x0  }
0x19: {  	s7 =	sld [smem:$0x3F9E]  }
0x1a: {  	s8 =	sadd.s32 $0xFFFFE003, lr  }
0x1b: {  	s9 =	sadd.s32 $0xFFFFFEF7, lr;
	s5 =	simm.s32 $0xFFFFFFFF;
	p2 =	slt.u32 s8, $0xFFFFF086  }
0x1c: {  	p1 =	slt.u32 s9, $0xF7A;
	s5 =	simm.s32 @!p2 $0x0  }
0x1d: {  	s5 =	simm.s32 @p1 $0x1;
	p0 =	seq.s32 s7, s2  }
0x1e: {  	s7 =	smul.u32 @!p0 $0xF7A, s2;
	p2 =	seq.s32 @!p0 s5, $0x0  }
0x1f: {  	s9 =	smul.u32 $0xF7A, s1;
	s8 =	simm.s32 @!p0 $0x1BF5;
	p2 =	por !p2, p0  }
0x20: {  	[sflag:s8] =	ssyncset.s32 @!p0 $0xFFFFF086;
	s6 =	sadd.s32 @!p0 s3, s7;
	s7 =	simm.s32 @!p0 $0x108  }
0x21: {  	s3 =	sadd.s32 s3, s9;
	s6 =	sadd.s32 @!p0 $0x88, s6;
	s7 =	simm.s32 @p2 $0x1082  }
0x22: {  	[simem:s7], [sflag:s8] =	dma.local @!p0 [hbm:s6], $0xF7A  }
0x23: {  	s9 =	sor.u32 $0xD0000000, s2;
	s6 =	simm.s32 $0x108;
	_ =	swait.ge @!p0 [sflag:s8], $0x0  }
0x24: {  	s3 =	sadd.s32 $0x88, s3;
	s6 =	simm.s32 @!p1 $0x1082;
	[sflag:s4] =	ssyncset.s32 $0xFFFFF086  }
0x25: {  	[simem:s6], [sflag:s4] =	dma.local [hbm:s3], $0xF7A  }
0x26: {  	[smem:$0x3F9E] =	sst s1;
	(tag) =	ssettag s2;
	_ =	strace s9  }
0x27: {  	s1 =	sld [smem:$0x3FAE]  }
0x28: {  	s2 =	sld [smem:$0x3FAF]  }
0x29: {  	s4 =	sld [smem:$0x3FB1]  }
0x2a: {  	p0 =	seq.s32 s5, $0x0;
	s5 =	sld [smem:$0x3FB2]  }
0x2b: {  	s6 =	sld [smem:$0x3FB3]  }
0x2c: {  	s7 =	sld [smem:$0x3FB4]  }
0x2d: {  	s3 =	simm.s32 $0x108;
	s8 =	sld [smem:$0x3FB5]  }
0x2e: {  	s3 =	simm.s32 @!p0 $0x1082;
	s9 =	sld [smem:$0x3FB6]  }
0x2f: {  	lr =	sadd.s32 s0, s3;
	s0 =	sld [smem:$0x3FAD]  }
0x30: {  	s3 =	sld [smem:$0x3FB0]  }
0x31: {  	[smem:$0x3FB9] =	sst s10  }
0x32: {  	s10 =	sld [smem:$0x3FB7];
	_ =	sdelay $0x3  }
0x33: {  	p0 =	seq.s32 s10, $0x1;
	s10 =	sld [smem:$0x3FB9];
	_ =	sdelay $0x3  }
0x34: {  	[smem:$0x3FB9] =	sst s10  }
0x35: {  	s10 =	sld [smem:$0x3FB8];
	_ =	sdelay $0x3  }
0x36: {  	p1 =	seq.s32 s10, $0x1;
	s10 =	sld [smem:$0x3FB9];
	_ =	sdelay $0x3  }
0x37: {  	[smem:$0x3FB9] =	sst s10  }
0x38: {  	s10 =	sld [smem:$0x3FBA]  }
0x39: {  	_ = 	snop;
	(pc) =	sbr.ind lr, $3  }
0x3a: {  	_ = 	snop  }
0x3b: {  	_ = 	snop  }
0x3c: {  	p2 =	seq.s32 s10, $0x1;
	s10 =	sld [smem:$0x3FB9]  }
0x3d: {  	_ =	shalt  }
0x3e: {  	_ =	shalt  }
0x3f: {  	_ =	shalt  }
0x40: {  	_ =	shalt  }
0x41: {  	_ =	shalt  }
0x42: {  	_ =	shalt  }
0x43: {  	_ =	shalt  }
0x44: {  	_ =	shalt  }
0x45: {  	_ =	shalt  }
0x46: {  	_ =	shalt  }
0x47: {  	_ =	shalt  }
0x48: {  	_ =	shalt  }
0x49: {  	_ =	shalt  }
0x4a: {  	_ =	shalt  }
0x4b: {  	_ =	shalt  }
0x4c: {  	_ =	shalt  }
0x4d: {  	_ =	shalt  }
0x4e: {  	_ =	shalt  }
0x4f: {  	_ =	shalt  }
0x50: {  	_ =	shalt  }
0x51: {  	_ =	shalt  }
0x52: {  	_ =	shalt  }
0x53: {  	_ =	shalt  }
0x54: {  	_ =	shalt  }
0x55: {  	_ =	shalt  }
0x56: {  	_ =	shalt  }
0x57: {  	_ =	shalt  }
0x58: {  	_ =	shalt  }
0x59: {  	_ =	shalt  }
0x5a: {  	_ =	shalt  }
0x5b: {  	_ =	shalt  }
0x5c: {  	_ =	shalt  }
0x5d: {  	_ =	shalt  }
0x5e: {  	_ =	shalt  }
0x5f: {  	_ =	shalt  }
0x60: {  	_ =	shalt  }
0x61: {  	_ =	shalt  }
0x62: {  	_ =	shalt  }
0x63: {  	_ =	shalt  }
0x64: {  	_ =	shalt  }
0x65: {  	_ =	shalt  }
0x66: {  	_ =	shalt  }
0x67: {  	_ =	shalt  }
0x68: {  	_ =	shalt  }
0x69: {  	_ =	shalt  }
0x6a: {  	_ =	shalt  }
0x6b: {  	_ =	shalt  }
0x6c: {  	_ =	shalt  }
0x6d: {  	_ =	shalt  }
0x6e: {  	_ =	shalt  }
0x6f: {  	_ =	shalt  }
0x70: {  	_ =	shalt  }
0x71: {  	_ =	shalt  }
0x72: {  	_ =	shalt  }
0x73: {  	_ =	shalt  }
0x74: {  	_ =	shalt  }
0x75: {  	_ =	shalt  }
0x76: {  	_ =	shalt  }
0x77: {  	_ =	shalt  }
0x78: {  	_ =	shalt  }
0x79: {  	_ =	shalt  }
0x7a: {  	_ =	shalt  }
0x7b: {  	_ =	shalt  }
0x7c: {  	_ =	shalt  }
0x7d: {  	_ =	shalt  }
0x7e: {  	_ =	shalt  }
0x7f: {  	_ =	shalt  }
0x80: {  	_ =	shalt  }
0x81: {  	_ =	shalt  }
0x82: {  	_ =	shalt  }
0x83: {  	_ =	shalt  }
0x84: {  	_ =	shalt  }
0x85: {  	_ =	shalt  }
0x86: {  	_ =	shalt  }
0x87: {  	_ =	shalt  }
.Lfunc_end0:
.L_simem_size_0:
called_computation_lowered:
.L_overlay_start_0:
0x88: {  	s2 =	sld [smem:$0x3FD9]  }
0x89: {  	s3 =	sld [smem:$0x3FFE];
	_ =	sdelay $0x1  }
0x8a: {  	s1 =	srdreg.scid  }
0x8b: {  	s0 =	sand.u32 $0x1, s1  }
0x8c: {  	s14 =	sshll.u32 s0, $0xA;
	s2 =	sadd.s32 s3, s2  }
0x8d: {  	s2 =	sadd.s32 s2, s14  }
0x8e: {  	[smem:$0x3FC5] =	sst s2  }
0x8f: {  	_ = 	snop  }
0x90: {  	s2 =	sld [smem:$0x3FD0];
	_ =	sdelay $0x1  }
0x91: {  	s15 =	sld [smem:$0x3FC9]  }
0x92: {  	s5 =	simm.s32 $0xA;
	s6 =	simm.s32 $0x10;
	s4 =	sld [smem:$0x3FC8]  }
0x93: {  	[smem:s6], [sflag:s5] =	dma.local [hbm:s2], $0x1  }
0x94: {  	_ =	swait.eq [sflag:s5], $0x1  }
0x95: {  	[sflag:s5] =	ssyncset.done $0x0  }
0x96: {  	s16 =	sld [smem:$0x10];
	[sflag:s5] =	ssyncadd.s32 $0xFFFFFFFF  }
0x97: {  	s17 =	sld [smem:$0x11];
	(tm) =	ssettm $0x1  }
0x98: {  	s18 =	sld [smem:$0x3FFB];
	_ =	sdelay $0x3  }
0x99: {  	_ =	strace s18  }
0x9a: {  	s6 =	sld [smem:$0x3FFC];
	_ =	sdelay $0x3  }
0x9b: {  	_ =	strace s6  }
0x9c: {  	s6 =	sld [smem:$0x3FFD];
	_ =	sdelay $0x3  }
0x9d: {  	_ =	strace s6  }
0x9e: {  	_ =	strace $0x8FFFFFFF  }
0x9f: {  	s19 =	sld [smem:$0x3FDB];
	_ =	sdelay $0x1  }
0xa0: {  	s7 =	simm.s32 $_scs_section_size  }
0xa1: {  	s8 =	simm.s32 $_size__tile_overlayer_lowered;
	s9 =	simm.s32 $_tile_overlayer_lowered  }
0xa2: {  	s22 =	simm.s32 $0x1BFF;
	s21 =	sshll.u32 s9, $0x1;
	s6 =	sadd.s32 s7, s19  }
0xa3: {  	s10 =	simm.s32 $0x0;
	s20 =	sshll.u32 s8, $0x1;
	s8 =	sadd.s32 s21, s6  }
0xa4: {  	[timem:s10], [sflag:s22] =	dma.local [hbm:s8], s20  }
0xa5: {  	_ =	swait.ge [sflag:s22], s20  }
0xa6: {  	s7 =	ssub.s32 $0x0, s20;
	[sflag:s22] =	ssyncset.done $0x0  }
0xa7: {  	[sflag:s22] =	ssyncadd.s32 s7;
	_ =	sdelay $0x1  }
0xa8: {  	s23 =	simm.s32 $0x1B8B  }
0xa9: {  	_ =	swait.ge [sflag:s23], $0x1  }
0xaa: {  	[sflag:s23] =	ssyncset.done $0x0  }
0xab: {  	s25 =	simm.s32 $0x1B8E;
	s24 =	sld [smem:$0x3FFE];
	[sflag:s23] =	ssyncadd.s32 $0xFFFFFFFF  }
0xac: {  	s26 =	simm.s32 $execute0_lowered;
	[smem:$0x3FD2] =	sst s25  }
0xad: {  	s8 =	sshll.u32 s26, $0x1;
	_ =	strace $0x80000046;
	[dreg:$0x1] =	wrdreg $0xFFFFFFFF  }
0xae: {  	s28 =	simm.s32 $_size_execute0_lowered;
	s6 =	sadd.s32 s6, s8;
	[dreg:$0x0] =	wrdreg $0x0  }
0xaf: {  	s8 =	sshll.u32 s28, $0x1;
	[dreg:$0x2] =	wrdreg s6  }
0xb0: {  	[dreg:$0x3] =	wrdreg s8  }
0xb1: {  	[dreg:$0x4] =	wrdreg $0xC0  }
0xb2: {  	_ =	task [dreg:s10], $0x5FFFF  }
0xb3: {  	[dreg:$0x1] =	wrdreg $0xFFFFFFFF  }
0xb4: {  	[dreg:$0x0] =	wrdreg $0x60  }
0xb5: {  	[dreg:$0x2] =	wrdreg s15  }
0xb6: {  	[dreg:$0x3] =	wrdreg s4  }
0xb7: {  	[dreg:$0x4] =	wrdreg s24  }
0xb8: {  	[dreg:$0x5] =	wrdreg s16  }
0xb9: {  	[dreg:$0x6] =	wrdreg s17  }
0xba: {  	[dreg:$0x7] =	wrdreg $0x9  }
0xbb: {  	_ =	task.clear_ibuf [dreg:s10], $0x8FFFF;
	_ =	strace $0x90000046  }
0xbc: {  	s29 =	simm.s32 $0x9;
	_ =	strace $0x80000048  }
0xbd: {  	_ =	swait.ge [sflag:s29], $0x1  }
0xbe: {  	[sflag:s29] =	ssyncadd.s32 $0xFFFFFFFF  }
0xbf: {  	_ =	strace $0x90000048  }
0xc0: {  	_ =	sfence  }
0xc1: {  	s30 =	sld [smem:$0x0];
	_ =	sdelay $0x2  }
0xc2: {  	s31 =	sshll.u32 s1, $0xD;
	s1 =	sshrl.u32 s1, $0x2  }
0xc3: {  	s3 =	sand.u32 $0x4000, s31;
	s1 =	sadd.s32 s1, s30  }
0xc4: {  	s0 =	sor.u32 s3, s0;
	s1 =	sshll.u32 s1, $0x11  }
0xc5: {  	s0 =	sor.u32 s1, s0  }
0xc6: {  	s0 =	sadd.s32 $0x8F2B, s0  }
0xc7: {  	[sflag:s0] =	ssyncadd.remote.s32 $0x1  }
0xc8: {  	_ =	sfence.sel $0xFFFF  }
0xc9: {  	[dreg:$0x0] =	wrdreg $0xFFFFFFFF;
	(pc) =	sbr.abs _section_cstart, $3  }
0xca: {  	[dreg:$0x1] =	wrdreg $0xFFFFFFFF  }
0xcb: {  	_ =	task.clear_ibuf [dreg:s10], $0x2FFFF;
	_ =	strace $0x9FFFFFFF  }
0xcc: {  	(tm) =	ssettm $0x7FFFFFFF  }
0xcd: {  	_ =	shalt  }
tec
execute0_lowered:
.L_overlay_start_1:
0x0: {  	(tag) =	ssettag $0x1  }
0x1: {  	s1 =	rddreg [dreg:$0x0]  }
0x2: {  	s2 =	rddreg [dreg:$0x1]  }
0x3: {  	s0 =	rddreg [dreg:$0x2]  }
0x4: {  	s4 =	rddreg [dreg:$0x3]  }
0x5: {  	s5 =	rddreg [dreg:$0x4];
	s3 =	srdreg.scid  }
0x6: {  	s7 =	stileid.u32;
	s6 =	simm.s32 $0x0;
	s17 =	simm.s32 $0x3  }
0x7: {  	s18 =	simm.s32 $0x80;
	s19 =	simm.s32 $0x4800;
	s20 =	simm.s32 $0x8800  }
0x8: {  	s21 =	simm.s32 $0xC800;
	s22 =	simm.s32 $0x1;
	s23 =	simm.s32 $0x800  }
0x9: {  	s24 =	simm.s32 $0x2;
	s25 =	simm.s32 $0x780;
	s26 =	simm.s32 $0x0  }
0xa: {  	s3 =	sand.u32 $0x1, s3;
	s7 =	sshll.u32 s7, $0x1;
	[smem:$0x7FF] =	sst s6  }
0xb: {  	s7 =	sor.u32 s3, s7;
	_ =	strace $0x80000047;
	s3 =	ssub.s32 $0x2, s3  }
0xc: {  	s8 =	sshll.u32 s7, $0x8;
	s28 =	sshrl.u32 s3, $0x1;
	s9 =	sshll.u32 s7, $0x12  }
0xd: {  	s11 =	sshll.u32 s7, $0x2;
	s0 =	sadd.s32 s8, s0;
	s3 =	ssub.s32 s3, s28  }
0xe: {  	s29 =	sor.u32 $0xE000, s9;
	s8 =	sshll.u32 s7, $0x10;
	s0 =	sadd.s32 $0x1400, s0  }
0xf: {  	s9 =	sadd.s32 s1, s29;
	s12 =	smax.u32 s3, $0x1;
	[dreg:$0x6] =	wrdreg s0  }
0x10: {  	s30 =	sor.u32 $0xD000, s8;
	s31 =	sor.u32 $0xD800, s8;
	[dreg:$0x7] =	wrdreg s9  }
0x11: {  	s0 =	sadd.s32 s2, s29;
	s13 =	sadd.s32 s4, s30;
	s14 =	sadd.s32 s5, s30  }
0x12: {  	s15 =	sadd.s32 s4, s31;
	s16 =	sadd.s32 s5, s31;
	[dreg:$0x8] =	wrdreg s0  }
.LBB2_1:
0x13: {  	s0 =	rddreg [dreg:$0x6]  }
0x14: {  	[tilespmem:s6], [sflag:$0x3] =	stream.linear.gather [hbm4b:s0+s6], $0x800, $0x38;
	[tilespmem:$0x10800] =	vst v63  }
0x15: {  	_ =	swait.ge [sflag:s17], $0x800  }
0x16: {  	[sflag:s17] =	ssyncset.done $0x0  }
0x17: {  	[sflag:s17] =	ssyncadd.s32 $0xFFFFF800  }
0x18: {  	[tilespmem:s23], [sflag:$0x1] =	stream.indirect.gather [hbm4b:s1+s18], $0x80, s6, s18, $0xb8;
	[tilespmem:$0x10800] =	vst v63  }
0x19: {  	_ = 	snop  }
0x1a: {  	[tilespmem:s19], [sflag:$0x1] =	stream.indirect.gather [hbm4b:s2+s18], $0x80, s6, s18, $0xb8;
	[tilespmem:$0x10800] =	vst v63  }
0x1b: {  	s3 =	simm.s32 $0x80  }
0x1c: {  	[tilespmem:s20], [sflag:$0x2] =	stream.indirect.gather [hbm4b:s1+s18], $0x80, s3, s18, $0xb8;
	[tilespmem:$0x10800] =	vst v63  }
0x1d: {  	_ = 	snop  }
0x1e: {  	[tilespmem:s21], [sflag:$0x2] =	stream.indirect.gather [hbm4b:s2+s18], $0x80, s3, s18, $0xb8;
	[tilespmem:$0x10800] =	vst v63  }
0x1f: {  	_ =	swait.ge [sflag:s22], $0x4000  }
0x20: {  	[sflag:s22] =	ssyncset.done $0x0  }
0x21: {  	s7 =	sand.u32 $0xC000, s6;
	s3 =	simm.s32 $0x0;
	[sflag:s22] =	ssyncadd.s32 $0xFFFFC000  }
0x22: {  	s0 =	sor.u32 s8, s7;
	s3 =	sand.u32 $0x1000, s3;
	_ =	swait.ge [sflag:s22], $0x4000  }
0x23: {  	s3 =	sor.u32 s3, s0;
	[sflag:s22] =	ssyncset.done $0x0  }
0x24: {  	s7 =	sadd.s32 s4, s3;
	[sflag:s22] =	ssyncadd.s32 $0xFFFFC000  }
0x25: {  	[hbm4b:s7+s6] =	stream.linear.scatter [tilespmem:s23], [sflag:$0x3], $0x4000, $0x38;
	[tilespmem:$0x10800] =	vst v63  }
0x26: {  	_ =	swait.ge [sflag:s17], $0x4000  }
0x27: {  	[sflag:s17] =	ssyncset.done $0x0  }
0x28: {  	s3 =	sadd.s32 s5, s3;
	[sflag:s17] =	ssyncadd.s32 $0xFFFFC000  }
0x29: {  	[hbm4b:s3+s6] =	stream.linear.scatter [tilespmem:s19], [sflag:$0x3], $0x4000, $0x38;
	[tilespmem:$0x10800] =	vst v63  }
0x2a: {  	_ =	swait.ge [sflag:s17], $0x4000  }
0x2b: {  	[sflag:s17] =	ssyncset.done $0x0  }
0x2c: {  	s9 =	simm.s32 $0x100;
	[sflag:s17] =	ssyncadd.s32 $0xFFFFC000  }
0x2d: {  	[tilespmem:s23], [sflag:$0x1] =	stream.indirect.gather [hbm4b:s1+s18], $0x80, s9, s18, $0xb8;
	[tilespmem:$0x10800] =	vst v63  }
0x2e: {  	_ = 	snop  }
0x2f: {  	[tilespmem:s19], [sflag:$0x1] =	stream.indirect.gather [hbm4b:s2+s18], $0x80, s9, s18, $0xb8;
	[tilespmem:$0x10800] =	vst v63  }
0x30: {  	_ =	swait.ge [sflag:s24], $0x4000  }
0x31: {  	[sflag:s24] =	ssyncset.done $0x0  }
0x32: {  	[sflag:s24] =	ssyncadd.s32 $0xFFFFC000  }
0x33: {  	s10 =	sand.u32 $0x1800, s23;
	_ =	swait.ge [sflag:s24], $0x4000  }
0x34: {  	s0 =	sor.u32 s0, s10;
	[sflag:s24] =	ssyncset.done $0x0  }
0x35: {  	s3 =	sadd.s32 s4, s0;
	[sflag:s24] =	ssyncadd.s32 $0xFFFFC000  }
0x36: {  	[hbm4b:s3+s6] =	stream.linear.scatter [tilespmem:s20], [sflag:$0x3], $0x4000, $0x38;
	[tilespmem:$0x10800] =	vst v63  }
0x37: {  	_ =	swait.ge [sflag:s17], $0x4000  }
0x38: {  	[sflag:s17] =	ssyncset.done $0x0  }
0x39: {  	s0 =	sadd.s32 s5, s0;
	[sflag:s17] =	ssyncadd.s32 $0xFFFFC000  }
0x3a: {  	[hbm4b:s0+s6] =	stream.linear.scatter [tilespmem:s21], [sflag:$0x3], $0x4000, $0x38;
	[tilespmem:$0x10800] =	vst v63  }
0x3b: {  	s29 =	simm.s32 $0x1800;
	s31 =	simm.s32 $0x2800;
	_ =	swait.ge [sflag:s17], $0x4000  }
0x3c: {  	s28 =	simm.s32 $0x200;
	s30 =	simm.s32 $0x0;
	[sflag:s17] =	ssyncset.done $0x0  }
.LBB2_2:
0x3d: {  	s0 =	sadd.s32 $0xFFFFFF80, s28;
	[sflag:s17] =	ssyncadd.s32 $0xFFFFC000;
	s30 =	sadd.s32 $0x2000, s30  }
0x3e: {  	[tilespmem:s20], [sflag:$0x2] =	stream.indirect.gather [hbm4b:s1+s18], $0x80, s0, s18, $0xb8;
	[tilespmem:$0x10800] =	vst v63  }
0x3f: {  	p0 =	sne.s32 s31, $0x6800;
	s3 =	smov.u32 s31;
	s31 =	sadd.s32 $0x1000, s31  }
0x40: {  	[tilespmem:s21], [sflag:$0x2] =	stream.indirect.gather [hbm4b:s2+s18], $0x80, s0, s18, $0xb8;
	[tilespmem:$0x10800] =	vst v63  }
0x41: {  	_ =	swait.ge [sflag:s22], $0x4000  }
0x42: {  	s0 =	sand.u32 $0x1800, s29;
	[sflag:s22] =	ssyncset.done $0x0  }
0x43: {  	s9 =	sadd.s32 $0xFFFFF800, s29;
	s7 =	sand.u32 $0xC000, s30;
	[sflag:s22] =	ssyncadd.s32 $0xFFFFC000  }
0x44: {  	s9 =	sand.u32 $0x1000, s9;
	s7 =	sor.u32 s8, s7;
	_ =	swait.ge [sflag:s22], $0x4000  }
0x45: {  	s9 =	sor.u32 s9, s7;
	s0 =	sor.u32 s7, s0;
	[sflag:s22] =	ssyncset.done $0x0  }
0x46: {  	s29 =	smov.u32 s3;
	s7 =	sadd.s32 s4, s9;
	[sflag:s22] =	ssyncadd.s32 $0xFFFFC000  }
0x47: {  	[hbm4b:s7+s6] =	stream.linear.scatter [tilespmem:s23], [sflag:$0x3], $0x4000, $0x38;
	[tilespmem:$0x10800] =	vst v63  }
0x48: {  	_ =	swait.ge [sflag:s17], $0x4000  }
0x49: {  	[sflag:s17] =	ssyncset.done $0x0  }
0x4a: {  	s3 =	sadd.s32 s5, s9;
	[sflag:s17] =	ssyncadd.s32 $0xFFFFC000  }
0x4b: {  	[hbm4b:s3+s6] =	stream.linear.scatter [tilespmem:s19], [sflag:$0x3], $0x4000, $0x38;
	[tilespmem:$0x10800] =	vst v63  }
0x4c: {  	_ =	swait.ge [sflag:s17], $0x4000  }
0x4d: {  	[sflag:s17] =	ssyncset.done $0x0  }
0x4e: {  	[sflag:s17] =	ssyncadd.s32 $0xFFFFC000  }
0x4f: {  	[tilespmem:s23], [sflag:$0x1] =	stream.indirect.gather [hbm4b:s1+s18], $0x80, s28, s18, $0xb8;
	[tilespmem:$0x10800] =	vst v63  }
0x50: {  	_ = 	snop  }
0x51: {  	[tilespmem:s19], [sflag:$0x1] =	stream.indirect.gather [hbm4b:s2+s18], $0x80, s28, s18, $0xb8;
	[tilespmem:$0x10800] =	vst v63  }
0x52: {  	_ =	swait.ge [sflag:s24], $0x4000  }
0x53: {  	[sflag:s24] =	ssyncset.done $0x0  }
0x54: {  	[sflag:s24] =	ssyncadd.s32 $0xFFFFC000  }
0x55: {  	_ =	swait.ge [sflag:s24], $0x4000  }
0x56: {  	[sflag:s24] =	ssyncset.done $0x0  }
0x57: {  	s3 =	sadd.s32 s4, s0;
	[sflag:s24] =	ssyncadd.s32 $0xFFFFC000  }
0x58: {  	[hbm4b:s3+s6] =	stream.linear.scatter [tilespmem:s20], [sflag:$0x3], $0x4000, $0x38;
	[tilespmem:$0x10800] =	vst v63  }
0x59: {  	_ =	swait.ge [sflag:s17], $0x4000  }
.Ltmp0:
0x5a: {  	[sflag:s17] =	ssyncset.done $0x0;
	(pc) =	sbr.rel @p0 .LBB2_2-.Ltmp0, $4  }
0x5b: {  	s0 =	sadd.s32 s5, s0;
	[sflag:s17] =	ssyncadd.s32 $0xFFFFC000  }
0x5c: {  	[hbm4b:s0+s6] =	stream.linear.scatter [tilespmem:s21], [sflag:$0x3], $0x4000, $0x38;
	[tilespmem:$0x10800] =	vst v63  }
0x5d: {  	_ =	swait.ge [sflag:s17], $0x4000  }
0x5e: {  	s28 =	sadd.s32 $0x100, s28;
	[sflag:s17] =	ssyncset.done $0x0  }
0x5f: {  	s0 =	sadd.s32 $0xFFFFFF80, s28;
	[sflag:s17] =	ssyncadd.s32 $0xFFFFC000  }
0x60: {  	[tilespmem:s20], [sflag:$0x2] =	stream.indirect.gather [hbm4b:s1+s18], $0x80, s0, s18, $0xb8;
	[tilespmem:$0x10800] =	vst v63  }
0x61: {  	_ = 	snop  }
0x62: {  	[tilespmem:s21], [sflag:$0x2] =	stream.indirect.gather [hbm4b:s2+s18], $0x80, s0, s18, $0xb8;
	[tilespmem:$0x10800] =	vst v63  }
0x63: {  	_ =	swait.ge [sflag:s22], $0x4000  }
0x64: {  	s7 =	sadd.s32 $0x2000, s30;
	[sflag:s22] =	ssyncset.done $0x0  }
0x65: {  	s3 =	sadd.s32 $0xFFFFF800, s29;
	s0 =	sand.u32 $0xC000, s7;
	[sflag:s22] =	ssyncadd.s32 $0xFFFFC000  }
0x66: {  	s3 =	sand.u32 $0x1000, s3;
	s0 =	sor.u32 s8, s0;
	_ =	swait.ge [sflag:s22], $0x4000  }
0x67: {  	s3 =	sor.u32 s3, s0;
	[sflag:s22] =	ssyncset.done $0x0  }
0x68: {  	s7 =	sadd.s32 s4, s3;
	[sflag:s22] =	ssyncadd.s32 $0xFFFFC000  }
0x69: {  	[hbm4b:s7+s6] =	stream.linear.scatter [tilespmem:s23], [sflag:$0x3], $0x4000, $0x38;
	[tilespmem:$0x10800] =	vst v63  }
0x6a: {  	_ =	swait.ge [sflag:s17], $0x4000  }
0x6b: {  	[sflag:s17] =	ssyncset.done $0x0  }
0x6c: {  	s3 =	sadd.s32 s5, s3;
	[sflag:s17] =	ssyncadd.s32 $0xFFFFC000  }
0x6d: {  	[hbm4b:s3+s6] =	stream.linear.scatter [tilespmem:s19], [sflag:$0x3], $0x4000, $0x38;
	[tilespmem:$0x10800] =	vst v63  }
0x6e: {  	_ =	swait.ge [sflag:s17], $0x4000  }
0x6f: {  	[sflag:s17] =	ssyncset.done $0x0  }
0x70: {  	[sflag:s17] =	ssyncadd.s32 $0xFFFFC000  }
0x71: {  	[tilespmem:s23], [sflag:$0x1] =	stream.indirect.gather [hbm4b:s1+s18], $0x80, s28, s18, $0xb8;
	[tilespmem:$0x10800] =	vst v63  }
0x72: {  	_ = 	snop  }
0x73: {  	[tilespmem:s19], [sflag:$0x1] =	stream.indirect.gather [hbm4b:s2+s18], $0x80, s28, s18, $0xb8;
	[tilespmem:$0x10800] =	vst v63  }
0x74: {  	_ =	swait.ge [sflag:s24], $0x4000  }
0x75: {  	[sflag:s24] =	ssyncset.done $0x0  }
0x76: {  	[sflag:s24] =	ssyncadd.s32 $0xFFFFC000  }
0x77: {  	s9 =	sand.u32 $0x1800, s29;
	_ =	swait.ge [sflag:s24], $0x4000  }
0x78: {  	s0 =	sor.u32 s0, s9;
	[sflag:s24] =	ssyncset.done $0x0  }
0x79: {  	s3 =	sadd.s32 s4, s0;
	[sflag:s24] =	ssyncadd.s32 $0xFFFFC000  }
0x7a: {  	[hbm4b:s3+s6] =	stream.linear.scatter [tilespmem:s20], [sflag:$0x3], $0x4000, $0x38;
	[tilespmem:$0x10800] =	vst v63  }
0x7b: {  	_ =	swait.ge [sflag:s17], $0x4000  }
0x7c: {  	[sflag:s17] =	ssyncset.done $0x0  }
0x7d: {  	s0 =	sadd.s32 s5, s0;
	[sflag:s17] =	ssyncadd.s32 $0xFFFFC000  }
0x7e: {  	[hbm4b:s0+s6] =	stream.linear.scatter [tilespmem:s21], [sflag:$0x3], $0x4000, $0x38;
	[tilespmem:$0x10800] =	vst v63  }
0x7f: {  	_ =	swait.ge [sflag:s17], $0x4000  }
0x80: {  	[sflag:s17] =	ssyncset.done $0x0  }
0x81: {  	[sflag:s17] =	ssyncadd.s32 $0xFFFFC000  }
0x82: {  	[tilespmem:s20], [sflag:$0x2] =	stream.indirect.gather [hbm4b:s1+s18], $0x80, s25, s18, $0xb8;
	[tilespmem:$0x10800] =	vst v63  }
0x83: {  	_ = 	snop  }
0x84: {  	[tilespmem:s21], [sflag:$0x2] =	stream.indirect.gather [hbm4b:s2+s18], $0x80, s25, s18, $0xb8;
	[tilespmem:$0x10800] =	vst v63  }
0x85: {  	_ =	swait.ge [sflag:s22], $0x4000  }
0x86: {  	[sflag:s22] =	ssyncset.done $0x0  }
0x87: {  	[sflag:s22] =	ssyncadd.s32 $0xFFFFC000  }
0x88: {  	_ =	swait.ge [sflag:s22], $0x4000  }
0x89: {  	[sflag:s22] =	ssyncset.done $0x0  }
0x8a: {  	s0 =	simm.s32 $0x0;
	[sflag:s22] =	ssyncadd.s32 $0xFFFFC000  }
0x8b: {  	[hbm4b:s13+s0] =	stream.linear.scatter [tilespmem:s23], [sflag:$0x3], $0x4000, $0x38;
	[tilespmem:$0x10800] =	vst v63  }
0x8c: {  	_ =	swait.ge [sflag:s17], $0x4000  }
0x8d: {  	[sflag:s17] =	ssyncset.done $0x0  }
0x8e: {  	[sflag:s17] =	ssyncadd.s32 $0xFFFFC000  }
0x8f: {  	[hbm4b:s14+s0] =	stream.linear.scatter [tilespmem:s19], [sflag:$0x3], $0x4000, $0x38;
	[tilespmem:$0x10800] =	vst v63  }
0x90: {  	_ =	swait.ge [sflag:s17], $0x4000  }
0x91: {  	[sflag:s17] =	ssyncset.done $0x0  }
0x92: {  	[sflag:s17] =	ssyncadd.s32 $0xFFFFC000  }
0x93: {  	[tilespmem:s23], [sflag:$0x1] =	stream.indirect.gather [hbm4b:s1+s18], $0x80, s25, s18, $0xb8;
	[tilespmem:$0x10800] =	vst v63  }
0x94: {  	_ = 	snop  }
0x95: {  	[tilespmem:s19], [sflag:$0x1] =	stream.indirect.gather [hbm4b:s2+s18], $0x80, s25, s18, $0xb8;
	[tilespmem:$0x10800] =	vst v63  }
0x96: {  	_ =	swait.ge [sflag:s24], $0x4000  }
0x97: {  	[sflag:s24] =	ssyncset.done $0x0  }
0x98: {  	[sflag:s24] =	ssyncadd.s32 $0xFFFFC000  }
0x99: {  	_ =	swait.ge [sflag:s24], $0x4000  }
0x9a: {  	[sflag:s24] =	ssyncset.done $0x0  }
0x9b: {  	[sflag:s24] =	ssyncadd.s32 $0xFFFFC000  }
0x9c: {  	[hbm4b:s15+s0] =	stream.linear.scatter [tilespmem:s20], [sflag:$0x3], $0x4000, $0x38;
	[tilespmem:$0x10800] =	vst v63  }
0x9d: {  	_ =	swait.ge [sflag:s17], $0x4000  }
0x9e: {  	[sflag:s17] =	ssyncset.done $0x0  }
0x9f: {  	[sflag:s17] =	ssyncadd.s32 $0xFFFFC000  }
0xa0: {  	[hbm4b:s16+s0] =	stream.linear.scatter [tilespmem:s21], [sflag:$0x3], $0x4000, $0x38;
	[tilespmem:$0x10800] =	vst v63  }
0xa1: {  	_ =	swait.ge [sflag:s17], $0x4000  }
0xa2: {  	[sflag:s17] =	ssyncset.done $0x0  }
0xa3: {  	[sflag:s17] =	ssyncadd.s32 $0xFFFFC000  }
0xa4: {  	_ =	swait.ge [sflag:s22], $0x4000  }
0xa5: {  	[sflag:s22] =	ssyncset.done $0x0  }
0xa6: {  	[sflag:s22] =	ssyncadd.s32 $0xFFFFC000  }
0xa7: {  	_ =	swait.ge [sflag:s22], $0x4000  }
0xa8: {  	[sflag:s22] =	ssyncset.done $0x0  }
0xa9: {  	s10 =	rddreg [dreg:$0x7];
	[sflag:s22] =	ssyncadd.s32 $0xFFFFC000  }
0xaa: {  	[tilespmem:s23], [sflag:$0x1] =	stream.linear.gather [hbm4b:s10+s0], $0x4000, $0x38;
	[tilespmem:$0x10800] =	vst v63  }
0xab: {  	s9 =	simm.s32 $0x0;
	s7 =	rddreg [dreg:$0x8]  }
0xac: {  	[tilespmem:s19], [sflag:$0x1] =	stream.linear.gather [hbm4b:s7+s0], $0x4000, $0x38;
	[tilespmem:$0x10800] =	vst v63  }
0xad: {  	s3 =	sor.u32 s11, s9;
	s7 =	sand.u32 $0x1000, s0  }
0xae: {  	s10 =	sshll.u32 s3, $0x10;
	s9 =	sor.u32 $0x800, s7  }
0xaf: {  	s10 =	sor.u32 s9, s10  }
0xb0: {  	s10 =	sor.u32 $0xE000, s10  }
0xb1: {  	s28 =	sadd.s32 s1, s10  }
0xb2: {  	[tilespmem:s20], [sflag:$0x2] =	stream.linear.gather [hbm4b:s28+s6], $0x4000, $0x38;
	[tilespmem:$0x10800] =	vst v63  }
0xb3: {  	s10 =	sadd.s32 s2, s10  }
0xb4: {  	[tilespmem:s21], [sflag:$0x2] =	stream.linear.gather [hbm4b:s10+s6], $0x4000, $0x38;
	[tilespmem:$0x10800] =	vst v63  }
0xb5: {  	_ =	swait.ge [sflag:s22], $0x4000  }
0xb6: {  	[sflag:s22] =	ssyncset.done $0x0  }
0xb7: {  	s3 =	sshll.u32 s3, $0xE;
	[sflag:s22] =	ssyncadd.s32 $0xFFFFC000  }
0xb8: {  	s7 =	sor.u32 s7, s3;
	_ =	swait.ge [sflag:s22], $0x4000  }
0xb9: {  	s0 =	smin.u32 s0, $0xD;
	s7 =	sor.u32 $0x2000, s7;
	[sflag:s22] =	ssyncset.done $0x0  }
0xba: {  	s0 =	sadd.s32 $0x2, s0;
	s10 =	sadd.s32 s4, s7;
	[sflag:s22] =	ssyncadd.s32 $0xFFFFC000  }
0xbb: {  	[hbm4b:s10+s6] =	stream.linear.scatter [tilespmem:s23], [sflag:$0x3], $0x4000, $0x38;
	[tilespmem:$0x10800] =	vst v63  }
0xbc: {  	s10 =	sshrl.u32 s0, $0x2;
	_ =	swait.ge [sflag:s17], $0x4000  }
0xbd: {  	s7 =	sadd.s32 s5, s7;
	s10 =	sadd.s32 s11, s10;
	[sflag:s17] =	ssyncset.done $0x0  }
0xbe: {  	s0 =	sshll.u32 s0, $0xB;
	s10 =	sshll.u32 s10, $0x10;
	[sflag:s17] =	ssyncadd.s32 $0xFFFFC000  }
0xbf: {  	[hbm4b:s7+s6] =	stream.linear.scatter [tilespmem:s19], [sflag:$0x3], $0x4000, $0x38;
	[tilespmem:$0x10800] =	vst v63  }
0xc0: {  	s0 =	sor.u32 s0, s10;
	_ =	swait.ge [sflag:s17], $0x4000  }
0xc1: {  	s0 =	sor.u32 $0xE000, s0;
	[sflag:s17] =	ssyncset.done $0x0  }
0xc2: {  	s10 =	sadd.s32 s1, s0;
	[sflag:s17] =	ssyncadd.s32 $0xFFFFC000  }
0xc3: {  	[tilespmem:s23], [sflag:$0x1] =	stream.linear.gather [hbm4b:s10+s6], $0x4000, $0x38;
	[tilespmem:$0x10800] =	vst v63  }
0xc4: {  	s0 =	sadd.s32 s2, s0  }
0xc5: {  	[tilespmem:s19], [sflag:$0x1] =	stream.linear.gather [hbm4b:s0+s6], $0x4000, $0x38;
	[tilespmem:$0x10800] =	vst v63  }
0xc6: {  	s31 =	simm.s32 $0x2;
	_ =	swait.ge [sflag:s24], $0x4000  }
0xc7: {  	s29 =	simm.s32 $0x1000;
	s9 =	sor.u32 s9, s3;
	[sflag:s24] =	ssyncset.done $0x0  }
0xc8: {  	s28 =	simm.s32 $0x2;
	s7 =	sand.u32 $0x1000, s29;
	[sflag:s24] =	ssyncadd.s32 $0xFFFFC000  }
0xc9: {  	s10 =	simm.s32 $0x0;
	s0 =	sor.u32 $0x2000, s9;
	_ =	swait.ge [sflag:s24], $0x4000  }
0xca: {  	s9 =	sor.u32 s11, s10;
	s30 =	sadd.s32 s5, s0;
	[sflag:s24] =	ssyncset.done $0x0  }
0xcb: {  	s3 =	sadd.s32 s4, s0;
	s0 =	sor.u32 $0x800, s7;
	[sflag:s24] =	ssyncadd.s32 $0xFFFFC000  }
0xcc: {  	[hbm4b:s3+s6] =	stream.linear.scatter [tilespmem:s20], [sflag:$0x3], $0x4000, $0x38;
	[tilespmem:$0x10800] =	vst v63  }
0xcd: {  	s10 =	sshll.u32 s9, $0x10;
	s3 =	sshll.u32 s9, $0xE;
	_ =	swait.ge [sflag:s17], $0x4000  }
0xce: {  	s10 =	sor.u32 s0, s10;
	s7 =	sor.u32 s7, s3;
	[sflag:s17] =	ssyncset.done $0x0  }
.LBB2_4:
0xcf: {  	s10 =	sor.u32 $0xE000, s10  }
0xd0: {  	s3 =	sor.u32 s0, s3;
	[sflag:s17] =	ssyncadd.s32 $0xFFFFC000;
	s0 =	smov.u32 s31  }
0xd1: {  	[hbm4b:s30+s6] =	stream.linear.scatter [tilespmem:s21], [sflag:$0x3], $0x4000, $0x38;
	[tilespmem:$0x10800] =	vst v63  }
0xd2: {  	s9 =	sadd.s32 $0x1, s31;
	s3 =	sor.u32 $0x2000, s3;
	_ =	swait.ge [sflag:s17], $0x4000  }
0xd3: {  	p0 =	sne.s32 s31, $0x7;
	s30 =	sadd.s32 s5, s3;
	[sflag:s17] =	ssyncset.done $0x0  }
0xd4: {  	s31 =	sadd.s32 s1, s10;
	[sflag:s17] =	ssyncadd.s32 $0xFFFFC000  }
0xd5: {  	[tilespmem:s20], [sflag:$0x2] =	stream.linear.gather [hbm4b:s31+s6], $0x4000, $0x38;
	[tilespmem:$0x10800] =	vst v63  }
0xd6: {  	s10 =	sadd.s32 s2, s10  }
0xd7: {  	[tilespmem:s21], [sflag:$0x2] =	stream.linear.gather [hbm4b:s10+s6], $0x4000, $0x38;
	[tilespmem:$0x10800] =	vst v63  }
0xd8: {  	_ =	swait.ge [sflag:s22], $0x4000  }
0xd9: {  	[sflag:s22] =	ssyncset.done $0x0  }
0xda: {  	[sflag:s22] =	ssyncadd.s32 $0xFFFFC000  }
0xdb: {  	_ =	swait.ge [sflag:s22], $0x4000  }
0xdc: {  	s7 =	sor.u32 $0x2000, s7;
	[sflag:s22] =	ssyncset.done $0x0  }
0xdd: {  	s31 =	sadd.s32 s4, s7;
	s10 =	smin.u32 s28, $0xD;
	[sflag:s22] =	ssyncadd.s32 $0xFFFFC000  }
0xde: {  	[hbm4b:s31+s6] =	stream.linear.scatter [tilespmem:s23], [sflag:$0x3], $0x4000, $0x38;
	[tilespmem:$0x10800] =	vst v63  }
0xdf: {  	s10 =	sadd.s32 $0x2, s10;
	_ =	swait.ge [sflag:s17], $0x4000  }
0xe0: {  	s31 =	sshrl.u32 s10, $0x2;
	[sflag:s17] =	ssyncset.done $0x0  }
0xe1: {  	s7 =	sadd.s32 s5, s7;
	s31 =	sadd.s32 s11, s31;
	[sflag:s17] =	ssyncadd.s32 $0xFFFFC000  }
0xe2: {  	[hbm4b:s7+s6] =	stream.linear.scatter [tilespmem:s19], [sflag:$0x3], $0x4000, $0x38;
	[tilespmem:$0x10800] =	vst v63  }
0xe3: {  	s10 =	sshll.u32 s10, $0xB;
	s7 =	sshll.u32 s31, $0x10;
	_ =	swait.ge [sflag:s17], $0x4000  }
0xe4: {  	s7 =	sor.u32 s10, s7;
	[sflag:s17] =	ssyncset.done $0x0  }
0xe5: {  	s7 =	sor.u32 $0xE000, s7;
	[sflag:s17] =	ssyncadd.s32 $0xFFFFC000  }
0xe6: {  	s10 =	sadd.s32 s1, s7  }
0xe7: {  	[tilespmem:s23], [sflag:$0x1] =	stream.linear.gather [hbm4b:s10+s6], $0x4000, $0x38;
	[tilespmem:$0x10800] =	vst v63  }
0xe8: {  	s7 =	sadd.s32 s2, s7  }
0xe9: {  	[tilespmem:s19], [sflag:$0x1] =	stream.linear.gather [hbm4b:s7+s6], $0x4000, $0x38;
	[tilespmem:$0x10800] =	vst v63  }
0xea: {  	_ =	swait.ge [sflag:s24], $0x4000  }
0xeb: {  	s29 =	sadd.s32 $0x1000, s29;
	[sflag:s24] =	ssyncset.done $0x0  }
0xec: {  	s3 =	sadd.s32 s4, s3;
	s10 =	sshrl.u32 s0, $0x1;
	[sflag:s24] =	ssyncadd.s32 $0xFFFFC000  }
0xed: {  	s10 =	sor.u32 s11, s10;
	s7 =	sand.u32 $0x1000, s29;
	_ =	swait.ge [sflag:s24], $0x4000  }
.Ltmp1:
0xee: {  	s0 =	sor.u32 $0x800, s7;
	[sflag:s24] =	ssyncset.done $0x0;
	(pc) =	sbr.rel @p0 .LBB2_4-.Ltmp1, $4  }
0xef: {  	s28 =	sadd.s32 $0x2, s28;
	s31 =	sshll.u32 s10, $0x10;
	[sflag:s24] =	ssyncadd.s32 $0xFFFFC000  }
0xf0: {  	[hbm4b:s3+s6] =	stream.linear.scatter [tilespmem:s20], [sflag:$0x3], $0x4000, $0x38;
	[tilespmem:$0x10800] =	vst v63  }
0xf1: {  	s3 =	sshll.u32 s10, $0xE;
	s10 =	sor.u32 s0, s31;
	_ =	swait.ge [sflag:s17], $0x4000  }
0xf2: {  	s31 =	smov.u32 s9;
	s7 =	sor.u32 s7, s3;
	[sflag:s17] =	ssyncset.done $0x0  }
0xf3: {  	[sflag:s17] =	ssyncadd.s32 $0xFFFFC000  }
0xf4: {  	[hbm4b:s30+s6] =	stream.linear.scatter [tilespmem:s21], [sflag:$0x3], $0x4000, $0x38;
	[tilespmem:$0x10800] =	vst v63  }
0xf5: {  	_ =	swait.ge [sflag:s17], $0x4000  }
0xf6: {  	s9 =	sor.u32 $0xE000, s10;
	[sflag:s17] =	ssyncset.done $0x0  }
0xf7: {  	s10 =	sadd.s32 s1, s9;
	[sflag:s17] =	ssyncadd.s32 $0xFFFFC000  }
0xf8: {  	[tilespmem:s20], [sflag:$0x2] =	stream.linear.gather [hbm4b:s10+s6], $0x4000, $0x38;
	[tilespmem:$0x10800] =	vst v63  }
0xf9: {  	s9 =	sadd.s32 s2, s9  }
0xfa: {  	[tilespmem:s21], [sflag:$0x2] =	stream.linear.gather [hbm4b:s9+s6], $0x4000, $0x38;
	[tilespmem:$0x10800] =	vst v63  }
0xfb: {  	_ =	swait.ge [sflag:s22], $0x4000  }
0xfc: {  	[sflag:s22] =	ssyncset.done $0x0  }
0xfd: {  	[sflag:s22] =	ssyncadd.s32 $0xFFFFC000  }
0xfe: {  	_ =	swait.ge [sflag:s22], $0x4000  }
0xff: {  	s7 =	sor.u32 $0x2000, s7;
	s30 =	smin.u32 s28, $0xD;
	[sflag:s22] =	ssyncset.done $0x0  }
0x100: {  	s31 =	sadd.s32 s4, s7;
	s9 =	sadd.s32 $0x2, s30;
	[sflag:s22] =	ssyncadd.s32 $0xFFFFC000  }
0x101: {  	[hbm4b:s31+s6] =	stream.linear.scatter [tilespmem:s23], [sflag:$0x3], $0x4000, $0x38;
	[tilespmem:$0x10800] =	vst v63  }
0x102: {  	s28 =	sshrl.u32 s9, $0x2;
	_ =	swait.ge [sflag:s17], $0x4000  }
0x103: {  	s7 =	sadd.s32 s5, s7;
	s10 =	sadd.s32 s11, s28;
	[sflag:s17] =	ssyncset.done $0x0  }
0x104: {  	s9 =	sshll.u32 s9, $0xB;
	s29 =	sshll.u32 s10, $0x10;
	[sflag:s17] =	ssyncadd.s32 $0xFFFFC000  }
0x105: {  	[hbm4b:s7+s6] =	stream.linear.scatter [tilespmem:s19], [sflag:$0x3], $0x4000, $0x38;
	[tilespmem:$0x10800] =	vst v63  }
0x106: {  	s7 =	sor.u32 s9, s29;
	_ =	swait.ge [sflag:s17], $0x4000  }
0x107: {  	s7 =	sor.u32 $0xE000, s7;
	[sflag:s17] =	ssyncset.done $0x0  }
0x108: {  	s30 =	sadd.s32 s1, s7;
	[sflag:s17] =	ssyncadd.s32 $0xFFFFC000  }
0x109: {  	[tilespmem:s23], [sflag:$0x1] =	stream.linear.gather [hbm4b:s30+s6], $0x4000, $0x38;
	[tilespmem:$0x10800] =	vst v63  }
0x10a: {  	s7 =	sadd.s32 s2, s7  }
0x10b: {  	[tilespmem:s19], [sflag:$0x1] =	stream.linear.gather [hbm4b:s7+s6], $0x4000, $0x38;
	[tilespmem:$0x10800] =	vst v63  }
0x10c: {  	_ =	swait.ge [sflag:s24], $0x4000  }
0x10d: {  	[sflag:s24] =	ssyncset.done $0x0  }
0x10e: {  	[sflag:s24] =	ssyncadd.s32 $0xFFFFC000  }
0x10f: {  	s0 =	sor.u32 s0, s3;
	_ =	swait.ge [sflag:s24], $0x4000  }
0x110: {  	s0 =	sor.u32 $0x2000, s0;
	[sflag:s24] =	ssyncset.done $0x0  }
0x111: {  	s31 =	sadd.s32 s4, s0;
	[sflag:s24] =	ssyncadd.s32 $0xFFFFC000  }
0x112: {  	[hbm4b:s31+s6] =	stream.linear.scatter [tilespmem:s20], [sflag:$0x3], $0x4000, $0x38;
	[tilespmem:$0x10800] =	vst v63  }
0x113: {  	_ =	swait.ge [sflag:s17], $0x4000  }
0x114: {  	[sflag:s17] =	ssyncset.done $0x0  }
0x115: {  	s0 =	sadd.s32 s5, s0;
	[sflag:s17] =	ssyncadd.s32 $0xFFFFC000  }
0x116: {  	[hbm4b:s0+s6] =	stream.linear.scatter [tilespmem:s21], [sflag:$0x3], $0x4000, $0x38;
	[tilespmem:$0x10800] =	vst v63  }
0x117: {  	_ =	swait.ge [sflag:s17], $0x4000  }
0x118: {  	[sflag:s17] =	ssyncset.done $0x0  }
0x119: {  	s26 =	sadd.s32 $0x1, s26;
	[sflag:s17] =	ssyncadd.s32 $0xFFFFC000  }
0x11a: {  	p0 =	sne.s32 s26, s12;
	_ =	swait.ge [sflag:s22], $0x4000  }
.Ltmp2:
0x11b: {  	[sflag:s22] =	ssyncset.done $0x0;
	(pc) =	sbr.rel @p0 .LBB2_1-.Ltmp2, $4  }
0x11c: {  	[sflag:s22] =	ssyncadd.s32 $0xFFFFC000  }
0x11d: {  	_ =	swait.ge [sflag:s22], $0x4000  }
0x11e: {  	[sflag:s22] =	ssyncset.done $0x0  }
0x11f: {  	[sflag:s22] =	ssyncadd.s32 $0xFFFFC000  }
0x120: {  	_ =	sfence.sel $0x180000  }
0x121: {  	[bflag:$0x0] =	sbarrier.arrive $0xFFFF  }
0x122: {  	_ =	strace $0x90000047  }
0x123: {  	s0 =	stileid.u32;
	[bflag:$0x2] =	sbarrier.arrive $0xFFFF  }
0x124: {  	p0 =	sne.s32 s0, $0x0;
	s0 =	rddreg [dreg:$0x5]  }
0x125: {  	s0 =	sadd.s32 @!p0 $0x100000, s0  }
0x126: {  	[sflag:s0] =	ssyncadd.tile.s32 @!p0 $0x1;
	_ =	shalt  }
.Lfunc_end2:
_tile_overlayer_lowered:
.L_overlay_start_2:
0x127: {  	(tag) =	ssettag $0x2  }
0x128: {  	s0 =	rddreg [dreg:$0x0];
	s2 =	stileid.u32  }
0x129: {  	s1 =	rddreg [dreg:$0x1];
	p0 =	sne.s32 s2, $0x0  }
0x12a: {  	s3 =	rddreg [dreg:$0x2];
	[bflag:$0x3] =	sbarrier.arrive $0xFFFF;
	s2 =	simm.s32 @!p0 $0x1C03  }
0x12b: {  	[timem:s3], [sflag:s2] =	dma.local @!p0 [hbm:s0], s1  }
0x12c: {  	s0 =	simm.s32 @!p0 $0x3  }
0x12d: {  	_ =	swait.ge @!p0 [sflag:s0], s1  }
0x12e: {  	s1 =	ssub.s32 @!p0 $0x0, s1;
	[sflag:s0] =	ssyncset.done @!p0 $0x0  }
0x12f: {  	[sflag:s0] =	ssyncadd.s32 @!p0 s1  }
0x130: {  	[bflag:$0x3] =	sbarrier.arrive $0xFFFF  }
0x131: {  	_ =	shalt  }

</sc_bundles>
